<compile_context>
chip_gen: v7x
topology: tpu7x:2x2x1
jax: 0.10.2.dev20260603
libtpu: 0.0.44.dev20260713+nightly
codegen_flags: <defaults>
</compile_context>

<pallas_src>
import dataclasses
import functools

import jax
import jax.numpy as jnp
from jax import lax
from jax.experimental import pallas as pl
from jax.experimental.pallas import tpu as pltpu
from jax.experimental.pallas import tpu_sc as plsc

ROWS = 64
N = 32768
TOPK = 64
L = 16
NCHUNK = N // L
NB = 4096
NC = NB // L
NB3 = 256
NWORKERS = 32
ROWS_PER_W = ROWS // NWORKERS
UNROLL = 8
INT_MIN = -(2**31)


def _monotone(xi):
    return xi ^ (jnp.int32(0x7FFFFFFF) & (xi >> 31))


def _unmap_f32(v):
    bits = jnp.where(v >= 0, v, v ^ jnp.int32(0x7FFFFFFF))
    return plsc.bitcast(jnp.full((L,), 0, jnp.int32) + bits, jnp.float32)


def _remap_chunk(xv, i):
    xx = xv[pl.ds(i, L)]
    return xx, _monotone(plsc.bitcast(xx, jnp.int32))


def _scan_fine_chunk(hist, c, want):
    iota = lax.iota(jnp.int32, L)
    h = hist[pl.ds(c * L, L)]
    hr = lax.rev(h, (0,))
    cr = jnp.cumsum(hr)
    hit = cr >= want
    nset = jnp.sum(hit.astype(jnp.int32))
    idx = L - nset
    sel = iota == idx
    cr_at = jnp.sum(jnp.where(sel, cr, 0))
    h_at = jnp.sum(jnp.where(sel, hr, 0))
    B = c * L + (L - 1) - idx
    r = want - (cr_at - h_at)
    return B, r, h_at


def _scan_hist_desc(hist, cstart, want):

    def cond(carry):
        c, acc, done = carry
        return jnp.logical_not(done) & (c >= 0)

    def body(carry):
        c, acc, done = carry
        tot = jnp.sum(hist[pl.ds(c * L, L)])
        found = (acc + tot) >= want
        return (c - 1, acc + jnp.where(found, 0, tot), done | found)

    c_end, acc, _ = lax.while_loop(
        cond, body, (cstart, jnp.int32(0), jnp.bool_(False))
    )
    return _scan_fine_chunk(hist, c_end + 1, want - acc)


def _zero(ref, n):
    zeros_i = jnp.zeros((L,), jnp.int32)

    @plsc.parallel_loop(0, n, step=L * 4)
    def _(i):
        for u in range(4):
            ref[pl.ds(i + u * L, L)] = zeros_i


def _exact_select(x_hbm, xv, base, hist, row, prefix, r2):
    ones = jnp.ones((L,), jnp.int32)
    pltpu.sync_copy(x_hbm.at[row], xv.at[pl.ds(base, N)])
    _zero(hist, NB3)

    @pl.loop(0, N, step=L)
    def _(i):
        _, v = _remap_chunk(xv, base + i)
        m = (v >> 8) == (prefix >> 8)
        plsc.addupdate_scatter(hist, [v & 0xFF], ones, mask=m)

    B3, r3, neq = _scan_hist_desc(hist, jnp.int32(NB3 // L - 1), r2)
    vt = prefix + B3
    surplus = neq - r3

    @pl.when(surplus > 0)
    def _():
        def body(c, left):
            cc = base + (NCHUNK - 1 - c) * L
            xx, v = _remap_chunk(xv, cc)
            er = lax.rev((v == vt).astype(jnp.int32), (0,))
            pc = jnp.cumsum(er)
            zr = er * (pc <= left).astype(jnp.int32)
            zmask = lax.rev(zr, (0,)) > 0
            xv[pl.ds(cc, L)] = jnp.where(zmask, jnp.float32(0.0), xx)
            return left - jnp.sum(zr)

        lax.fori_loop(0, NCHUNK, body, surplus)

    @pl.loop(0, N, step=L)
    def _(i):
        xx, v = _remap_chunk(xv, base + i)
        xv[pl.ds(base + i, L)] = jnp.where(v >= vt, xx, jnp.float32(0.0))


def _do_row_common(xv, base, hist, coarse):
    ones = jnp.ones((L,), jnp.int32)

    _zero(hist, NB)

    @plsc.parallel_loop(0, N, step=L * UNROLL,
                        carry=jnp.full((L,), INT_MIN, jnp.int32))
    def _p1(i, vmax):
        for u in range(UNROLL):
            _, v = _remap_chunk(xv, base + i + u * L)
            plsc.addupdate_scatter(hist, [(v >> 20) + 2048], ones)
            vmax = jnp.maximum(vmax, v)
        return vmax

    bmax = (jnp.max(_p1) >> 20) + 2048
    B1, r1, _n1 = _scan_hist_desc(hist, bmax >> 4, jnp.int32(TOPK))

    _zero(hist, NB)
    _zero(coarse, NC)
    sub2 = (B1 - 2048) << 12

    @plsc.parallel_loop(0, N, step=L * UNROLL)
    def _(i):
        for u in range(UNROLL):
            _, v = _remap_chunk(xv, base + i + u * L)
            b2 = (v >> 8) - sub2
            m = plsc.bitcast(b2, jnp.uint32) < jnp.uint32(NB)
            plsc.addupdate_scatter(hist, [b2], ones, mask=m)
            plsc.addupdate_scatter(coarse, [b2 >> 4], ones, mask=m)

    C2, rC2, _ = _scan_hist_desc(coarse, jnp.int32(NC // L - 1), r1)
    B2, r2, n2 = _scan_fine_chunk(hist, C2, rC2)
    prefix = ((B1 - 2048) << 20) + (B2 << 8)
    surplus24 = n2 - r2

    @pl.when(surplus24 == 0)
    def _():
        tf = _unmap_f32(prefix)

        @plsc.parallel_loop(0, N, step=L * UNROLL)
        def _(i):
            for u in range(UNROLL):
                xx = xv[pl.ds(base + i + u * L, L)]
                xv[pl.ds(base + i + u * L, L)] = jnp.where(
                    xx >= tf, xx, jnp.float32(0.0)
                )

    return prefix, r2, surplus24


def kernel(x):
    mesh = plsc.VectorSubcoreMesh(core_axis_name="c", subcore_axis_name="s")
    cp = pltpu.CompilerParams()
    if "needs_layout_passes" in pltpu.CompilerParams.__dataclass_fields__:
        cp = dataclasses.replace(cp, needs_layout_passes=False)

    @functools.partial(
        pl.kernel,
        out_type=jax.ShapeDtypeStruct((ROWS, N), jnp.float32),
        mesh=mesh,
        compiler_params=cp,
        scratch_types=[
            pltpu.VMEM((ROWS_PER_W * N,), jnp.float32),
            pltpu.VMEM((NB,), jnp.int32),
            pltpu.VMEM((NC,), jnp.int32),
            pltpu.SemaphoreType.DMA,
            pltpu.SemaphoreType.DMA,
            pltpu.SemaphoreType.DMA,
            pltpu.SemaphoreType.DMA,
        ],
    )
    def _topk_mask(x_hbm, o_hbm, buf, hist, coarse,
                   sin0, sin1, sout0, sout1):
        wid = lax.axis_index("s") * 2 + lax.axis_index("c")
        r0 = wid * ROWS_PER_W
        in0 = pltpu.make_async_copy(x_hbm.at[r0], buf.at[pl.ds(0, N)], sin0)
        in1 = pltpu.make_async_copy(x_hbm.at[r0 + 1], buf.at[pl.ds(N, N)],
                                    sin1)
        out0 = pltpu.make_async_copy(buf.at[pl.ds(0, N)], o_hbm.at[r0],
                                     sout0)
        out1 = pltpu.make_async_copy(buf.at[pl.ds(N, N)], o_hbm.at[r0 + 1],
                                     sout1)
        in0.start()
        in1.start()

        @pl.loop(0, ROWS_PER_W)
        def _(j):
            row = r0 + j
            base = j * N

            @pl.when(j == 0)
            def _():
                in0.wait()

            @pl.when(j == 1)
            def _():
                in1.wait()

            prefix, r2, surplus = _do_row_common(buf, base, hist, coarse)

            @pl.when(surplus > 0)
            def _():
                _exact_select(x_hbm, buf, base, hist, row, prefix, r2)

            @pl.when(j == 0)
            def _():
                out0.start()

            @pl.when(j == 1)
            def _():
                out1.start()

        out0.wait()
        out1.wait()

    return _topk_mask(x)

# --- scband reference (transcript-rebuilt; emitter-appended) ---
"""Pipeline reference for scband-top-k-31877247271346 (READ-ONLY COPY).

The authoritative reference and input builder live on the scoring server;
editing this copy changes nothing except your own understanding.
"""

import jax, jax.numpy as jnp
import numpy as np

K = 64

def setup_inputs(seed: int = 0) -> dict:
    key = jax.random.key(seed)
    x = jax.random.normal(key, (64, 32768), dtype=jnp.float32)
    return {"x": x}

def reference(x):
    # torch.topk(x, k, dim=-1) then scatter values into zeros at topk indices
    vals, idx = jax.lax.top_k(x, K)
    n = x.shape[-1]
    def scatter_row(i, v):
        return jnp.zeros((n,), dtype=x.dtype).at[i].set(v)
    result = jax.vmap(scatter_row)(idx, vals)
    return result

if __name__ == "__main__":
    import jax
    _d = setup_inputs()
    print(jax.jit(kernel)(*tuple(_d.values())))

</pallas_src>

<mosaic_0001>
#map = affine_map<(d0, d1) -> (0, 0)>
module attributes {stable_mosaic.version = 14 : i64} {
  func.func @_topk_mask(%arg0: i32, %arg1: i32, %arg2: memref<64x32768xf32, #tpu.memory_space<hbm>>, %arg3: memref<64x32768xf32, #tpu.memory_space<hbm>>, %arg4: memref<65536xf32, #tpu.memory_space<vmem>>, %arg5: memref<4096xi32, #tpu.memory_space<vmem>>, %arg6: memref<256xi32, #tpu.memory_space<vmem>>, %arg7: memref<!tpu.dma_semaphore, #tpu.memory_space<semaphore_mem>>, %arg8: memref<!tpu.dma_semaphore, #tpu.memory_space<semaphore_mem>>, %arg9: memref<!tpu.dma_semaphore, #tpu.memory_space<semaphore_mem>>, %arg10: memref<!tpu.dma_semaphore, #tpu.memory_space<semaphore_mem>>) attributes {dimension_semantics = [#tpu.dimension_semantics<core_parallel>, #tpu.dimension_semantics<subcore_parallel>], iteration_bounds = array<i64: 2, 16>, scalar_prefetch = 0 : i64, scratch_operands = 7 : i64, tpu.core_type = #tpu.core_type<sc_vector_subcore>, window_params = [{transform_indices = #map}, {transform_indices = #map}]} {
    %mul3A = arith.constant 2 : i32
    %mul3A_0 = arith.muli %arg1, %mul3A : i32
    %add3A = arith.addi %mul3A_0, %arg0 : i32
    %mul3A_1 = arith.constant 2 : i32
    %mul3A_2 = arith.muli %add3A, %mul3A_1 : i32
    %add3A_3 = arith.constant 1 : i32
    %add3A_4 = arith.addi %mul3A_2, %add3A_3 : i32
    %add3A_5 = arith.constant 1 : i32
    %add3A_6 = arith.addi %mul3A_2, %add3A_5 : i32
    %dma_start3A = arith.constant 0 : i32
    %dma_start3A_7 = tpu.memref_slice %arg4[%dma_start3A] : memref<65536xf32, #tpu.memory_space<vmem>> -> memref<32768xf32, #tpu.memory_space<vmem>>
    %dma_start3A_8 = arith.constant 0 : i32
    %dma_start3A_9 = tpu.memref_slice %arg2[%mul3A_2, %dma_start3A_8] : memref<64x32768xf32, #tpu.memory_space<hbm>> -> memref<1x32768xf32, #tpu.memory_space<hbm>>
    %dma_start3A_10 = tpu.memref_squeeze %dma_start3A_9 : memref<1x32768xf32, #tpu.memory_space<hbm>> -> memref<32768xf32, #tpu.memory_space<hbm>>
    %dma_start3A_11 = arith.constant 0 : i32
    %dma_start3A_12 = tpu.memref_slice %arg4[%dma_start3A_11] : memref<65536xf32, #tpu.memory_space<vmem>> -> memref<32768xf32, #tpu.memory_space<vmem>>
    %dma_start3A_13 = arith.constant 0 : i32
    %dma_start3A_14 = tpu.memref_slice %arg2[%mul3A_2, %dma_start3A_13] : memref<64x32768xf32, #tpu.memory_space<hbm>> -> memref<1x32768xf32, #tpu.memory_space<hbm>>
    %dma_start3A_15 = tpu.memref_squeeze %dma_start3A_14 : memref<1x32768xf32, #tpu.memory_space<hbm>> -> memref<32768xf32, #tpu.memory_space<hbm>>
    tpu.enqueue_dma source(%dma_start3A_15 : memref<32768xf32, #tpu.memory_space<hbm>>) target(%dma_start3A_12 : memref<32768xf32, #tpu.memory_space<vmem>>) target_semaphore(%arg7 : memref<!tpu.dma_semaphore, #tpu.memory_space<semaphore_mem>>)
    %dma_start3A_16 = arith.constant 32768 : i32
    %dma_start3A_17 = tpu.memref_slice %arg4[%dma_start3A_16] : memref<65536xf32, #tpu.memory_space<vmem>> -> memref<32768xf32, #tpu.memory_space<vmem>>
    %dma_start3A_18 = arith.constant 0 : i32
    %dma_start3A_19 = tpu.memref_slice %arg2[%add3A_4, %dma_start3A_18] : memref<64x32768xf32, #tpu.memory_space<hbm>> -> memref<1x32768xf32, #tpu.memory_space<hbm>>
    %dma_start3A_20 = tpu.memref_squeeze %dma_start3A_19 : memref<1x32768xf32, #tpu.memory_space<hbm>> -> memref<32768xf32, #tpu.memory_space<hbm>>
    %dma_start3A_21 = arith.constant 32768 : i32
    %dma_start3A_22 = tpu.memref_slice %arg4[%dma_start3A_21] : memref<65536xf32, #tpu.memory_space<vmem>> -> memref<32768xf32, #tpu.memory_space<vmem>>
    %dma_start3A_23 = arith.constant 0 : i32
    %dma_start3A_24 = tpu.memref_slice %arg2[%add3A_4, %dma_start3A_23] : memref<64x32768xf32, #tpu.memory_space<hbm>> -> memref<1x32768xf32, #tpu.memory_space<hbm>>
    %dma_start3A_25 = tpu.memref_squeeze %dma_start3A_24 : memref<1x32768xf32, #tpu.memory_space<hbm>> -> memref<32768xf32, #tpu.memory_space<hbm>>
    tpu.enqueue_dma source(%dma_start3A_25 : memref<32768xf32, #tpu.memory_space<hbm>>) target(%dma_start3A_22 : memref<32768xf32, #tpu.memory_space<vmem>>) target_semaphore(%arg8 : memref<!tpu.dma_semaphore, #tpu.memory_space<semaphore_mem>>)
    %scan3A = arith.constant 0 : i32
    %scan3A_26 = arith.constant 2 : i32
    %scan3A_27 = arith.addi %scan3A, %scan3A_26 : i32
    %scan3A_28 = arith.constant 1 : i32
    scf.for %scan3A_49 = %scan3A to %scan3A_27 step %scan3A_28  : i32 {
      %mul3A_50 = arith.constant 1 : i32
      %mul3A_51 = arith.muli %scan3A_49, %mul3A_50 : i32
      %add3A_52 = arith.constant 0 : i32
      %add3A_53 = arith.addi %add3A_52, %mul3A_51 : i32
      %add3A_54 = arith.addi %mul3A_2, %add3A_53 : i32
      %mul3A_55 = arith.constant 32768 : i32
      %mul3A_56 = arith.muli %add3A_53, %mul3A_55 : i32
      %eq3A = arith.constant 0 : i32
      %eq3A_57 = arith.cmpi eq, %add3A_53, %eq3A : i32
      %convert_element_type3A = arith.extui %eq3A_57 : i1 to i32
      %cond3A = arith.constant 0 : i32
      %cond3A_58 = arith.cmpi ne, %convert_element_type3A, %cond3A : i32
      scf.if %cond3A_58 {
        %dma_wait3A_270 = arith.constant 0 : i32
        %dma_wait3A_271 = tpu.memref_slice %arg4[%dma_wait3A_270] : memref<65536xf32, #tpu.memory_space<vmem>> -> memref<32768xf32, #tpu.memory_space<vmem>>
        %dma_wait3A_272 = arith.constant 0 : i32
        %dma_wait3A_273 = tpu.memref_slice %arg2[%mul3A_2, %dma_wait3A_272] : memref<64x32768xf32, #tpu.memory_space<hbm>> -> memref<1x32768xf32, #tpu.memory_space<hbm>>
        %dma_wait3A_274 = tpu.memref_squeeze %dma_wait3A_273 : memref<1x32768xf32, #tpu.memory_space<hbm>> -> memref<32768xf32, #tpu.memory_space<hbm>>
        %dma_wait3A_275 = arith.constant 0 : i32
        %dma_wait3A_276 = tpu.memref_slice %arg4[%dma_wait3A_275] : memref<65536xf32, #tpu.memory_space<vmem>> -> memref<32768xf32, #tpu.memory_space<vmem>>
        %dma_wait3A_277 = arith.constant 0 : i32
        %dma_wait3A_278 = tpu.memref_slice %arg2[%mul3A_2, %dma_wait3A_277] : memref<64x32768xf32, #tpu.memory_space<hbm>> -> memref<1x32768xf32, #tpu.memory_space<hbm>>
        %dma_wait3A_279 = tpu.memref_squeeze %dma_wait3A_278 : memref<1x32768xf32, #tpu.memory_space<hbm>> -> memref<32768xf32, #tpu.memory_space<hbm>>
        tpu.wait_dma2 semaphore(%arg7 : memref<!tpu.dma_semaphore, #tpu.memory_space<semaphore_mem>>) src(%dma_wait3A_279 : memref<32768xf32, #tpu.memory_space<hbm>>) dst(%dma_wait3A_276 : memref<32768xf32, #tpu.memory_space<vmem>>)
      } else {
      }
      %eq3A_59 = arith.constant 1 : i32
      %eq3A_60 = arith.cmpi eq, %add3A_53, %eq3A_59 : i32
      %convert_element_type3A_61 = arith.extui %eq3A_60 : i1 to i32
      %cond3A_62 = arith.constant 0 : i32
      %cond3A_63 = arith.cmpi ne, %convert_element_type3A_61, %cond3A_62 : i32
      scf.if %cond3A_63 {
        %dma_wait3A_270 = arith.constant 32768 : i32
        %dma_wait3A_271 = tpu.memref_slice %arg4[%dma_wait3A_270] : memref<65536xf32, #tpu.memory_space<vmem>> -> memref<32768xf32, #tpu.memory_space<vmem>>
        %dma_wait3A_272 = arith.constant 0 : i32
        %dma_wait3A_273 = tpu.memref_slice %arg2[%add3A_4, %dma_wait3A_272] : memref<64x32768xf32, #tpu.memory_space<hbm>> -> memref<1x32768xf32, #tpu.memory_space<hbm>>
        %dma_wait3A_274 = tpu.memref_squeeze %dma_wait3A_273 : memref<1x32768xf32, #tpu.memory_space<hbm>> -> memref<32768xf32, #tpu.memory_space<hbm>>
        %dma_wait3A_275 = arith.constant 32768 : i32
        %dma_wait3A_276 = tpu.memref_slice %arg4[%dma_wait3A_275] : memref<65536xf32, #tpu.memory_space<vmem>> -> memref<32768xf32, #tpu.memory_space<vmem>>
        %dma_wait3A_277 = arith.constant 0 : i32
        %dma_wait3A_278 = tpu.memref_slice %arg2[%add3A_4, %dma_wait3A_277] : memref<64x32768xf32, #tpu.memory_space<hbm>> -> memref<1x32768xf32, #tpu.memory_space<hbm>>
        %dma_wait3A_279 = tpu.memref_squeeze %dma_wait3A_278 : memref<1x32768xf32, #tpu.memory_space<hbm>> -> memref<32768xf32, #tpu.memory_space<hbm>>
        tpu.wait_dma2 semaphore(%arg8 : memref<!tpu.dma_semaphore, #tpu.memory_space<semaphore_mem>>) src(%dma_wait3A_279 : memref<32768xf32, #tpu.memory_space<hbm>>) dst(%dma_wait3A_276 : memref<32768xf32, #tpu.memory_space<vmem>>)
      } else {
      }
      %broadcast_in_dim3A = arith.constant 1 : i32
      %broadcast_in_dim3A_64 = vector.broadcast %broadcast_in_dim3A : i32 to vector<16xi32>
      %broadcast_in_dim3A_65 = arith.constant 0 : i32
      %broadcast_in_dim3A_66 = vector.broadcast %broadcast_in_dim3A_65 : i32 to vector<16xi32>
      %parallel_loop3A = arith.constant 0 : i32
      %parallel_loop3A_67 = arith.constant 4096 : i32
      %parallel_loop3A_68 = arith.constant 64 : i32
      scf.for %parallel_loop3A_270 = %parallel_loop3A to %parallel_loop3A_67 step %parallel_loop3A_68  : i32 {
        %parallel_loop3A_271 = arith.constant 0 : i32
        %parallel_loop3A_272 = arith.addi %parallel_loop3A_270, %parallel_loop3A_271 : i32
        %parallel_loop3A_273 = arith.index_cast %parallel_loop3A_272 : i32 to index
        %parallel_loop3A_274 = tpu.vector_load %arg5[%parallel_loop3A_273] {strides = array<i32>} : memref<4096xi32, #tpu.memory_space<vmem>>, vector<16xi32>,
        tpu.vector_store %arg5[%parallel_loop3A_273], %broadcast_in_dim3A_66 {strides = array<i32>} : memref<4096xi32, #tpu.memory_space<vmem>>, vector<16xi32>,
        %parallel_loop3A_275 = arith.constant 16 : i32
        %parallel_loop3A_276 = arith.addi %parallel_loop3A_270, %parallel_loop3A_275 : i32
        %parallel_loop3A_277 = arith.index_cast %parallel_loop3A_276 : i32 to index
        %parallel_loop3A_278 = tpu.vector_load %arg5[%parallel_loop3A_277] {strides = array<i32>} : memref<4096xi32, #tpu.memory_space<vmem>>, vector<16xi32>,
        tpu.vector_store %arg5[%parallel_loop3A_277], %broadcast_in_dim3A_66 {strides = array<i32>} : memref<4096xi32, #tpu.memory_space<vmem>>, vector<16xi32>,
        %parallel_loop3A_279 = arith.constant 32 : i32
        %parallel_loop3A_280 = arith.addi %parallel_loop3A_270, %parallel_loop3A_279 : i32
        %parallel_loop3A_281 = arith.index_cast %parallel_loop3A_280 : i32 to index
        %parallel_loop3A_282 = tpu.vector_load %arg5[%parallel_loop3A_281] {strides = array<i32>} : memref<4096xi32, #tpu.memory_space<vmem>>, vector<16xi32>,
        tpu.vector_store %arg5[%parallel_loop3A_281], %broadcast_in_dim3A_66 {strides = array<i32>} : memref<4096xi32, #tpu.memory_space<vmem>>, vector<16xi32>,
        %parallel_loop3A_283 = arith.constant 48 : i32
        %parallel_loop3A_284 = arith.addi %parallel_loop3A_270, %parallel_loop3A_283 : i32
        %parallel_loop3A_285 = arith.index_cast %parallel_loop3A_284 : i32 to index
        %parallel_loop3A_286 = tpu.vector_load %arg5[%parallel_loop3A_285] {strides = array<i32>} : memref<4096xi32, #tpu.memory_space<vmem>>, vector<16xi32>,
        tpu.vector_store %arg5[%parallel_loop3A_285], %broadcast_in_dim3A_66 {strides = array<i32>} : memref<4096xi32, #tpu.memory_space<vmem>>, vector<16xi32>,
      } {sc.loop_unroll_factor = 1 : i64, sc.parallel_access}
      %broadcast_in_dim3A_69 = arith.constant -2147483648 : i32
      %broadcast_in_dim3A_70 = vector.broadcast %broadcast_in_dim3A_69 : i32 to vector<16xi32>
      %parallel_loop3A_71 = arith.constant 0 : i32
      %parallel_loop3A_72 = arith.constant 32768 : i32
      %parallel_loop3A_73 = arith.constant 128 : i32
      %parallel_loop3A_74 = scf.for %parallel_loop3A_270 = %parallel_loop3A_71 to %parallel_loop3A_72 step %parallel_loop3A_73 iter_args(%parallel_loop3A_271 = %broadcast_in_dim3A_70) -> (vector<16xi32>)  : i32 {
        %parallel_loop3A_272 = arith.addi %mul3A_56, %parallel_loop3A_270 : i32
        %parallel_loop3A_273 = arith.constant 0 : i32
        %parallel_loop3A_274 = arith.addi %parallel_loop3A_272, %parallel_loop3A_273 : i32
        %parallel_loop3A_275 = arith.index_cast %parallel_loop3A_274 : i32 to index
        %parallel_loop3A_276 = tpu.vector_load %arg4[%parallel_loop3A_275] {strides = array<i32>} : memref<65536xf32, #tpu.memory_space<vmem>>, vector<16xf32>,
        %parallel_loop3A_277 = vector.bitcast %parallel_loop3A_276 : vector<16xf32> to vector<16xi32>
        %parallel_loop3A_278 = arith.constant 31 : i32
        %parallel_loop3A_279 = vector.broadcast %parallel_loop3A_278 : i32 to vector<16xi32>
        %parallel_loop3A_280 = arith.shrsi %parallel_loop3A_277, %parallel_loop3A_279 : vector<16xi32>
        %parallel_loop3A_281 = arith.constant 2147483647 : i32
        %parallel_loop3A_282 = vector.broadcast %parallel_loop3A_281 : i32 to vector<16xi32>
        %parallel_loop3A_283 = arith.andi %parallel_loop3A_282, %parallel_loop3A_280 : vector<16xi32>
        %parallel_loop3A_284 = arith.xori %parallel_loop3A_277, %parallel_loop3A_283 : vector<16xi32>
        %parallel_loop3A_285 = arith.constant 20 : i32
        %parallel_loop3A_286 = vector.broadcast %parallel_loop3A_285 : i32 to vector<16xi32>
        %parallel_loop3A_287 = arith.shrsi %parallel_loop3A_284, %parallel_loop3A_286 : vector<16xi32>
        %parallel_loop3A_288 = arith.constant 2048 : i32
        %parallel_loop3A_289 = vector.broadcast %parallel_loop3A_288 : i32 to vector<16xi32>
        %parallel_loop3A_290 = arith.addi %parallel_loop3A_287, %parallel_loop3A_289 : vector<16xi32>
        tpu.vector_store_idx %arg5[%parallel_loop3A_290], %broadcast_in_dim3A_64 {add = true} : memref<4096xi32, #tpu.memory_space<vmem>>[vector<16xi32>], vector<16xi32>,
        %parallel_loop3A_291 = arith.maxsi %parallel_loop3A_271, %parallel_loop3A_284 : vector<16xi32>
        %parallel_loop3A_292 = arith.addi %mul3A_56, %parallel_loop3A_270 : i32
        %parallel_loop3A_293 = arith.constant 16 : i32
        %parallel_loop3A_294 = arith.addi %parallel_loop3A_292, %parallel_loop3A_293 : i32
        %parallel_loop3A_295 = arith.index_cast %parallel_loop3A_294 : i32 to index
        %parallel_loop3A_296 = tpu.vector_load %arg4[%parallel_loop3A_295] {strides = array<i32>} : memref<65536xf32, #tpu.memory_space<vmem>>, vector<16xf32>,
        %parallel_loop3A_297 = vector.bitcast %parallel_loop3A_296 : vector<16xf32> to vector<16xi32>
        %parallel_loop3A_298 = arith.constant 31 : i32
        %parallel_loop3A_299 = vector.broadcast %parallel_loop3A_298 : i32 to vector<16xi32>
        %parallel_loop3A_300 = arith.shrsi %parallel_loop3A_297, %parallel_loop3A_299 : vector<16xi32>
        %parallel_loop3A_301 = arith.constant 2147483647 : i32
        %parallel_loop3A_302 = vector.broadcast %parallel_loop3A_301 : i32 to vector<16xi32>
        %parallel_loop3A_303 = arith.andi %parallel_loop3A_302, %parallel_loop3A_300 : vector<16xi32>
        %parallel_loop3A_304 = arith.xori %parallel_loop3A_297, %parallel_loop3A_303 : vector<16xi32>
        %parallel_loop3A_305 = arith.constant 20 : i32
        %parallel_loop3A_306 = vector.broadcast %parallel_loop3A_305 : i32 to vector<16xi32>
        %parallel_loop3A_307 = arith.shrsi %parallel_loop3A_304, %parallel_loop3A_306 : vector<16xi32>
        %parallel_loop3A_308 = arith.constant 2048 : i32
        %parallel_loop3A_309 = vector.broadcast %parallel_loop3A_308 : i32 to vector<16xi32>
        %parallel_loop3A_310 = arith.addi %parallel_loop3A_307, %parallel_loop3A_309 : vector<16xi32>
        tpu.vector_store_idx %arg5[%parallel_loop3A_310], %broadcast_in_dim3A_64 {add = true} : memref<4096xi32, #tpu.memory_space<vmem>>[vector<16xi32>], vector<16xi32>,
        %parallel_loop3A_311 = arith.maxsi %parallel_loop3A_291, %parallel_loop3A_304 : vector<16xi32>
        %parallel_loop3A_312 = arith.addi %mul3A_56, %parallel_loop3A_270 : i32
        %parallel_loop3A_313 = arith.constant 32 : i32
        %parallel_loop3A_314 = arith.addi %parallel_loop3A_312, %parallel_loop3A_313 : i32
        %parallel_loop3A_315 = arith.index_cast %parallel_loop3A_314 : i32 to index
        %parallel_loop3A_316 = tpu.vector_load %arg4[%parallel_loop3A_315] {strides = array<i32>} : memref<65536xf32, #tpu.memory_space<vmem>>, vector<16xf32>,
        %parallel_loop3A_317 = vector.bitcast %parallel_loop3A_316 : vector<16xf32> to vector<16xi32>
        %parallel_loop3A_318 = arith.constant 31 : i32
        %parallel_loop3A_319 = vector.broadcast %parallel_loop3A_318 : i32 to vector<16xi32>
        %parallel_loop3A_320 = arith.shrsi %parallel_loop3A_317, %parallel_loop3A_319 : vector<16xi32>
        %parallel_loop3A_321 = arith.constant 2147483647 : i32
        %parallel_loop3A_322 = vector.broadcast %parallel_loop3A_321 : i32 to vector<16xi32>
        %parallel_loop3A_323 = arith.andi %parallel_loop3A_322, %parallel_loop3A_320 : vector<16xi32>
        %parallel_loop3A_324 = arith.xori %parallel_loop3A_317, %parallel_loop3A_323 : vector<16xi32>
        %parallel_loop3A_325 = arith.constant 20 : i32
        %parallel_loop3A_326 = vector.broadcast %parallel_loop3A_325 : i32 to vector<16xi32>
        %parallel_loop3A_327 = arith.shrsi %parallel_loop3A_324, %parallel_loop3A_326 : vector<16xi32>
        %parallel_loop3A_328 = arith.constant 2048 : i32
        %parallel_loop3A_329 = vector.broadcast %parallel_loop3A_328 : i32 to vector<16xi32>
        %parallel_loop3A_330 = arith.addi %parallel_loop3A_327, %parallel_loop3A_329 : vector<16xi32>
        tpu.vector_store_idx %arg5[%parallel_loop3A_330], %broadcast_in_dim3A_64 {add = true} : memref<4096xi32, #tpu.memory_space<vmem>>[vector<16xi32>], vector<16xi32>,
        %parallel_loop3A_331 = arith.maxsi %parallel_loop3A_311, %parallel_loop3A_324 : vector<16xi32>
        %parallel_loop3A_332 = arith.addi %mul3A_56, %parallel_loop3A_270 : i32
        %parallel_loop3A_333 = arith.constant 48 : i32
        %parallel_loop3A_334 = arith.addi %parallel_loop3A_332, %parallel_loop3A_333 : i32
        %parallel_loop3A_335 = arith.index_cast %parallel_loop3A_334 : i32 to index
        %parallel_loop3A_336 = tpu.vector_load %arg4[%parallel_loop3A_335] {strides = array<i32>} : memref<65536xf32, #tpu.memory_space<vmem>>, vector<16xf32>,
        %parallel_loop3A_337 = vector.bitcast %parallel_loop3A_336 : vector<16xf32> to vector<16xi32>
        %parallel_loop3A_338 = arith.constant 31 : i32
        %parallel_loop3A_339 = vector.broadcast %parallel_loop3A_338 : i32 to vector<16xi32>
        %parallel_loop3A_340 = arith.shrsi %parallel_loop3A_337, %parallel_loop3A_339 : vector<16xi32>
        %parallel_loop3A_341 = arith.constant 2147483647 : i32
        %parallel_loop3A_342 = vector.broadcast %parallel_loop3A_341 : i32 to vector<16xi32>
        %parallel_loop3A_343 = arith.andi %parallel_loop3A_342, %parallel_loop3A_340 : vector<16xi32>
        %parallel_loop3A_344 = arith.xori %parallel_loop3A_337, %parallel_loop3A_343 : vector<16xi32>
        %parallel_loop3A_345 = arith.constant 20 : i32
        %parallel_loop3A_346 = vector.broadcast %parallel_loop3A_345 : i32 to vector<16xi32>
        %parallel_loop3A_347 = arith.shrsi %parallel_loop3A_344, %parallel_loop3A_346 : vector<16xi32>
        %parallel_loop3A_348 = arith.constant 2048 : i32
        %parallel_loop3A_349 = vector.broadcast %parallel_loop3A_348 : i32 to vector<16xi32>
        %parallel_loop3A_350 = arith.addi %parallel_loop3A_347, %parallel_loop3A_349 : vector<16xi32>
        tpu.vector_store_idx %arg5[%parallel_loop3A_350], %broadcast_in_dim3A_64 {add = true} : memref<4096xi32, #tpu.memory_space<vmem>>[vector<16xi32>], vector<16xi32>,
        %parallel_loop3A_351 = arith.maxsi %parallel_loop3A_331, %parallel_loop3A_344 : vector<16xi32>
        %parallel_loop3A_352 = arith.addi %mul3A_56, %parallel_loop3A_270 : i32
        %parallel_loop3A_353 = arith.constant 64 : i32
        %parallel_loop3A_354 = arith.addi %parallel_loop3A_352, %parallel_loop3A_353 : i32
        %parallel_loop3A_355 = arith.index_cast %parallel_loop3A_354 : i32 to index
        %parallel_loop3A_356 = tpu.vector_load %arg4[%parallel_loop3A_355] {strides = array<i32>} : memref<65536xf32, #tpu.memory_space<vmem>>, vector<16xf32>,
        %parallel_loop3A_357 = vector.bitcast %parallel_loop3A_356 : vector<16xf32> to vector<16xi32>
        %parallel_loop3A_358 = arith.constant 31 : i32
        %parallel_loop3A_359 = vector.broadcast %parallel_loop3A_358 : i32 to vector<16xi32>
        %parallel_loop3A_360 = arith.shrsi %parallel_loop3A_357, %parallel_loop3A_359 : vector<16xi32>
        %parallel_loop3A_361 = arith.constant 2147483647 : i32
        %parallel_loop3A_362 = vector.broadcast %parallel_loop3A_361 : i32 to vector<16xi32>
        %parallel_loop3A_363 = arith.andi %parallel_loop3A_362, %parallel_loop3A_360 : vector<16xi32>
        %parallel_loop3A_364 = arith.xori %parallel_loop3A_357, %parallel_loop3A_363 : vector<16xi32>
        %parallel_loop3A_365 = arith.constant 20 : i32
        %parallel_loop3A_366 = vector.broadcast %parallel_loop3A_365 : i32 to vector<16xi32>
        %parallel_loop3A_367 = arith.shrsi %parallel_loop3A_364, %parallel_loop3A_366 : vector<16xi32>
        %parallel_loop3A_368 = arith.constant 2048 : i32
        %parallel_loop3A_369 = vector.broadcast %parallel_loop3A_368 : i32 to vector<16xi32>
        %parallel_loop3A_370 = arith.addi %parallel_loop3A_367, %parallel_loop3A_369 : vector<16xi32>
        tpu.vector_store_idx %arg5[%parallel_loop3A_370], %broadcast_in_dim3A_64 {add = true} : memref<4096xi32, #tpu.memory_space<vmem>>[vector<16xi32>], vector<16xi32>,
        %parallel_loop3A_371 = arith.maxsi %parallel_loop3A_351, %parallel_loop3A_364 : vector<16xi32>
        %parallel_loop3A_372 = arith.addi %mul3A_56, %parallel_loop3A_270 : i32
        %parallel_loop3A_373 = arith.constant 80 : i32
        %parallel_loop3A_374 = arith.addi %parallel_loop3A_372, %parallel_loop3A_373 : i32
        %parallel_loop3A_375 = arith.index_cast %parallel_loop3A_374 : i32 to index
        %parallel_loop3A_376 = tpu.vector_load %arg4[%parallel_loop3A_375] {strides = array<i32>} : memref<65536xf32, #tpu.memory_space<vmem>>, vector<16xf32>,
        %parallel_loop3A_377 = vector.bitcast %parallel_loop3A_376 : vector<16xf32> to vector<16xi32>
        %parallel_loop3A_378 = arith.constant 31 : i32
        %parallel_loop3A_379 = vector.broadcast %parallel_loop3A_378 : i32 to vector<16xi32>
        %parallel_loop3A_380 = arith.shrsi %parallel_loop3A_377, %parallel_loop3A_379 : vector<16xi32>
        %parallel_loop3A_381 = arith.constant 2147483647 : i32
        %parallel_loop3A_382 = vector.broadcast %parallel_loop3A_381 : i32 to vector<16xi32>
        %parallel_loop3A_383 = arith.andi %parallel_loop3A_382, %parallel_loop3A_380 : vector<16xi32>
        %parallel_loop3A_384 = arith.xori %parallel_loop3A_377, %parallel_loop3A_383 : vector<16xi32>
        %parallel_loop3A_385 = arith.constant 20 : i32
        %parallel_loop3A_386 = vector.broadcast %parallel_loop3A_385 : i32 to vector<16xi32>
        %parallel_loop3A_387 = arith.shrsi %parallel_loop3A_384, %parallel_loop3A_386 : vector<16xi32>
        %parallel_loop3A_388 = arith.constant 2048 : i32
        %parallel_loop3A_389 = vector.broadcast %parallel_loop3A_388 : i32 to vector<16xi32>
        %parallel_loop3A_390 = arith.addi %parallel_loop3A_387, %parallel_loop3A_389 : vector<16xi32>
        tpu.vector_store_idx %arg5[%parallel_loop3A_390], %broadcast_in_dim3A_64 {add = true} : memref<4096xi32, #tpu.memory_space<vmem>>[vector<16xi32>], vector<16xi32>,
        %parallel_loop3A_391 = arith.maxsi %parallel_loop3A_371, %parallel_loop3A_384 : vector<16xi32>
        %parallel_loop3A_392 = arith.addi %mul3A_56, %parallel_loop3A_270 : i32
        %parallel_loop3A_393 = arith.constant 96 : i32
        %parallel_loop3A_394 = arith.addi %parallel_loop3A_392, %parallel_loop3A_393 : i32
        %parallel_loop3A_395 = arith.index_cast %parallel_loop3A_394 : i32 to index
        %parallel_loop3A_396 = tpu.vector_load %arg4[%parallel_loop3A_395] {strides = array<i32>} : memref<65536xf32, #tpu.memory_space<vmem>>, vector<16xf32>,
        %parallel_loop3A_397 = vector.bitcast %parallel_loop3A_396 : vector<16xf32> to vector<16xi32>
        %parallel_loop3A_398 = arith.constant 31 : i32
        %parallel_loop3A_399 = vector.broadcast %parallel_loop3A_398 : i32 to vector<16xi32>
        %parallel_loop3A_400 = arith.shrsi %parallel_loop3A_397, %parallel_loop3A_399 : vector<16xi32>
        %parallel_loop3A_401 = arith.constant 2147483647 : i32
        %parallel_loop3A_402 = vector.broadcast %parallel_loop3A_401 : i32 to vector<16xi32>
        %parallel_loop3A_403 = arith.andi %parallel_loop3A_402, %parallel_loop3A_400 : vector<16xi32>
        %parallel_loop3A_404 = arith.xori %parallel_loop3A_397, %parallel_loop3A_403 : vector<16xi32>
        %parallel_loop3A_405 = arith.constant 20 : i32
        %parallel_loop3A_406 = vector.broadcast %parallel_loop3A_405 : i32 to vector<16xi32>
        %parallel_loop3A_407 = arith.shrsi %parallel_loop3A_404, %parallel_loop3A_406 : vector<16xi32>
        %parallel_loop3A_408 = arith.constant 2048 : i32
        %parallel_loop3A_409 = vector.broadcast %parallel_loop3A_408 : i32 to vector<16xi32>
        %parallel_loop3A_410 = arith.addi %parallel_loop3A_407, %parallel_loop3A_409 : vector<16xi32>
        tpu.vector_store_idx %arg5[%parallel_loop3A_410], %broadcast_in_dim3A_64 {add = true} : memref<4096xi32, #tpu.memory_space<vmem>>[vector<16xi32>], vector<16xi32>,
        %parallel_loop3A_411 = arith.maxsi %parallel_loop3A_391, %parallel_loop3A_404 : vector<16xi32>
        %parallel_loop3A_412 = arith.addi %mul3A_56, %parallel_loop3A_270 : i32
        %parallel_loop3A_413 = arith.constant 112 : i32
        %parallel_loop3A_414 = arith.addi %parallel_loop3A_412, %parallel_loop3A_413 : i32
        %parallel_loop3A_415 = arith.index_cast %parallel_loop3A_414 : i32 to index
        %parallel_loop3A_416 = tpu.vector_load %arg4[%parallel_loop3A_415] {strides = array<i32>} : memref<65536xf32, #tpu.memory_space<vmem>>, vector<16xf32>,
        %parallel_loop3A_417 = vector.bitcast %parallel_loop3A_416 : vector<16xf32> to vector<16xi32>
        %parallel_loop3A_418 = arith.constant 31 : i32
        %parallel_loop3A_419 = vector.broadcast %parallel_loop3A_418 : i32 to vector<16xi32>
        %parallel_loop3A_420 = arith.shrsi %parallel_loop3A_417, %parallel_loop3A_419 : vector<16xi32>
        %parallel_loop3A_421 = arith.constant 2147483647 : i32
        %parallel_loop3A_422 = vector.broadcast %parallel_loop3A_421 : i32 to vector<16xi32>
        %parallel_loop3A_423 = arith.andi %parallel_loop3A_422, %parallel_loop3A_420 : vector<16xi32>
        %parallel_loop3A_424 = arith.xori %parallel_loop3A_417, %parallel_loop3A_423 : vector<16xi32>
        %parallel_loop3A_425 = arith.constant 20 : i32
        %parallel_loop3A_426 = vector.broadcast %parallel_loop3A_425 : i32 to vector<16xi32>
        %parallel_loop3A_427 = arith.shrsi %parallel_loop3A_424, %parallel_loop3A_426 : vector<16xi32>
        %parallel_loop3A_428 = arith.constant 2048 : i32
        %parallel_loop3A_429 = vector.broadcast %parallel_loop3A_428 : i32 to vector<16xi32>
        %parallel_loop3A_430 = arith.addi %parallel_loop3A_427, %parallel_loop3A_429 : vector<16xi32>
        tpu.vector_store_idx %arg5[%parallel_loop3A_430], %broadcast_in_dim3A_64 {add = true} : memref<4096xi32, #tpu.memory_space<vmem>>[vector<16xi32>], vector<16xi32>,
        %parallel_loop3A_431 = arith.maxsi %parallel_loop3A_411, %parallel_loop3A_424 : vector<16xi32>
        scf.yield %parallel_loop3A_431 : vector<16xi32>
      } {sc.loop_unroll_factor = 1 : i64, sc.parallel_access}
      %reduce_max3A = arith.constant true
      %reduce_max3A_75 = vector.broadcast %reduce_max3A : i1 to vector<16xi1>
      %reduce_max3A_76 = arith.constant -2147483648 : i32
      %reduce_max3A_77 = vector.broadcast %reduce_max3A_76 : i32 to vector<16xi32>
      %reduce_max3A_78 = arith.xori %parallel_loop3A_74, %reduce_max3A_77 : vector<16xi32>
      %reduce_max3A_79 = tpu.scan <max>, %reduce_max3A_78 masked %reduce_max3A_75 : vector<16xi32>, vector<16xi1> -> vector<16xi32>
      %reduce_max3A_80 = arith.xori %reduce_max3A_79, %reduce_max3A_77 : vector<16xi32>
      %reduce_max3A_81 = vector.extract %reduce_max3A_80[15] : i32 from vector<16xi32>
      %shift_right_arithmetic3A = arith.constant 20 : i32
      %shift_right_arithmetic3A_82 = arith.shrsi %reduce_max3A_81, %shift_right_arithmetic3A : i32
      %add3A_83 = arith.constant 2048 : i32
      %add3A_84 = arith.addi %shift_right_arithmetic3A_82, %add3A_83 : i32
      %shift_right_arithmetic3A_85 = arith.constant 4 : i32
      %shift_right_arithmetic3A_86 = arith.shrsi %add3A_84, %shift_right_arithmetic3A_85 : i32
      %while3A = arith.constant 64 : i32
      %while3A_87 = arith.constant 0 : i32
      %while3A_88 = arith.constant false
      %while3A_89:3 = scf.while (%while3A_270 = %shift_right_arithmetic3A_86, %while3A_271 = %while3A_87, %while3A_272 = %while3A_88) : (i32, i32, i1) -> (i32, i32, i1) {
        %not3A = arith.constant true
        %not3A_273 = arith.xori %while3A_272, %not3A : i1
        %ge3A_274 = arith.constant 0 : i32
        %ge3A_275 = arith.cmpi sge, %while3A_270, %ge3A_274 : i32
        %and3A = arith.andi %not3A_273, %ge3A_275 : i1
        scf.condition(%and3A) %while3A_270, %while3A_271, %while3A_272 : i32, i32, i1
      } do {
      ^bb0(%while3A_270: i32, %while3A_271: i32, %while3A_272: i1):
        %mul3A_273 = arith.constant 16 : i32
        %mul3A_274 = arith.muli %while3A_270, %mul3A_273 : i32
        %get3A_275 = arith.index_cast %mul3A_274 : i32 to index
        %get3A_276 = tpu.vector_load %arg5[%get3A_275] {strides = array<i32>} : memref<4096xi32, #tpu.memory_space<vmem>>, vector<16xi32>,
        %reduce_sum3A_277 = arith.constant true
        %reduce_sum3A_278 = vector.broadcast %reduce_sum3A_277 : i1 to vector<16xi1>
        %reduce_sum3A_279 = tpu.scan <sum>, %get3A_276 masked %reduce_sum3A_278 : vector<16xi32>, vector<16xi1> -> vector<16xi32>
        %reduce_sum3A_280 = vector.extract %reduce_sum3A_279[15] : i32 from vector<16xi32>
        %add3A_281 = arith.addi %while3A_271, %reduce_sum3A_280 : i32
        %ge3A_282 = arith.cmpi sge, %add3A_281, %while3A : i32
        %sub3A_283 = arith.constant 1 : i32
        %sub3A_284 = arith.subi %while3A_270, %sub3A_283 : i32
        %jit3A_285 = arith.constant 0 : i32
        %select_n3A_286 = arith.select %ge3A_282, %jit3A_285, %reduce_sum3A_280 : i32
        %add3A_287 = arith.addi %while3A_271, %select_n3A_286 : i32
        %or3A = arith.ori %while3A_272, %ge3A_282 : i1
        scf.yield %sub3A_284, %add3A_287, %or3A : i32, i32, i1
      }
      %add3A_90 = arith.constant 1 : i32
      %add3A_91 = arith.addi %while3A_89#0, %add3A_90 : i32
      %sub3A = arith.constant 64 : i32
      %sub3A_92 = arith.subi %sub3A, %while3A_89#1 : i32
      %iota3A = tpu.iota {dimensions = array<i32: 0>} : vector<16xi32>
      %mul3A_93 = arith.constant 16 : i32
      %mul3A_94 = arith.muli %add3A_91, %mul3A_93 : i32
      %get3A = arith.index_cast %mul3A_94 : i32 to index
      %get3A_95 = tpu.vector_load %arg5[%get3A] {strides = array<i32>} : memref<4096xi32, #tpu.memory_space<vmem>>, vector<16xi32>,
      %rev3A = arith.constant 15 : i32
      %rev3A_96 = vector.broadcast %rev3A : i32 to vector<16xi32>
      %rev3A_97 = tpu.iota {dimensions = array<i32: 0>} : vector<16xi32>
      %rev3A_98 = arith.subi %rev3A_96, %rev3A_97 : vector<16xi32>
      %rev3A_99 = tpu.dynamic_gather %get3A_95[%rev3A_98] in [0] : vector<16xi32>, vector<16xi32> -> vector<16xi32>
      %cumsum3A = arith.constant true
      %cumsum3A_100 = vector.broadcast %cumsum3A : i1 to vector<16xi1>
      %cumsum3A_101 = tpu.scan <sum>, %rev3A_99 masked %cumsum3A_100 : vector<16xi32>, vector<16xi1> -> vector<16xi32>
      %ge3A = vector.broadcast %sub3A_92 : i32 to vector<16xi32>
      %ge3A_102 = arith.cmpi sge, %cumsum3A_101, %ge3A : vector<16xi32>
      %convert_element_type3A_103 = arith.extui %ge3A_102 : vector<16xi1> to vector<16xi32>
      %reduce_sum3A = arith.constant true
      %reduce_sum3A_104 = vector.broadcast %reduce_sum3A : i1 to vector<16xi1>
      %reduce_sum3A_105 = tpu.scan <sum>, %convert_element_type3A_103 masked %reduce_sum3A_104 : vector<16xi32>, vector<16xi1> -> vector<16xi32>
      %reduce_sum3A_106 = vector.extract %reduce_sum3A_105[15] : i32 from vector<16xi32>
      %sub3A_107 = arith.constant 16 : i32
      %sub3A_108 = arith.subi %sub3A_107, %reduce_sum3A_106 : i32
      %eq3A_109 = vector.broadcast %sub3A_108 : i32 to vector<16xi32>
      %eq3A_110 = arith.cmpi eq, %iota3A, %eq3A_109 : vector<16xi32>
      %jit3A = arith.constant 0 : i32
      %broadcast_in_dim3A_111 = vector.broadcast %jit3A : i32 to vector<16xi32>
      %select_n3A = arith.select %eq3A_110, %cumsum3A_101, %broadcast_in_dim3A_111 : vector<16xi1>, vector<16xi32>
      %reduce_sum3A_112 = arith.constant true
      %reduce_sum3A_113 = vector.broadcast %reduce_sum3A_112 : i1 to vector<16xi1>
      %reduce_sum3A_114 = tpu.scan <sum>, %select_n3A masked %reduce_sum3A_113 : vector<16xi32>, vector<16xi1> -> vector<16xi32>
      %reduce_sum3A_115 = vector.extract %reduce_sum3A_114[15] : i32 from vector<16xi32>
      %jit3A_116 = arith.constant 0 : i32
      %broadcast_in_dim3A_117 = vector.broadcast %jit3A_116 : i32 to vector<16xi32>
      %select_n3A_118 = arith.select %eq3A_110, %rev3A_99, %broadcast_in_dim3A_117 : vector<16xi1>, vector<16xi32>
      %reduce_sum3A_119 = arith.constant true
      %reduce_sum3A_120 = vector.broadcast %reduce_sum3A_119 : i1 to vector<16xi1>
      %reduce_sum3A_121 = tpu.scan <sum>, %select_n3A_118 masked %reduce_sum3A_120 : vector<16xi32>, vector<16xi1> -> vector<16xi32>
      %reduce_sum3A_122 = vector.extract %reduce_sum3A_121[15] : i32 from vector<16xi32>
      %mul3A_123 = arith.constant 16 : i32
      %mul3A_124 = arith.muli %add3A_91, %mul3A_123 : i32
      %add3A_125 = arith.constant 15 : i32
      %add3A_126 = arith.addi %mul3A_124, %add3A_125 : i32
      %sub3A_127 = arith.subi %add3A_126, %sub3A_108 : i32
      %sub3A_128 = arith.subi %reduce_sum3A_115, %reduce_sum3A_122 : i32
      %sub3A_129 = arith.subi %sub3A_92, %sub3A_128 : i32
      %broadcast_in_dim3A_130 = arith.constant 0 : i32
      %broadcast_in_dim3A_131 = vector.broadcast %broadcast_in_dim3A_130 : i32 to vector<16xi32>
      %parallel_loop3A_132 = arith.constant 0 : i32
      %parallel_loop3A_133 = arith.constant 4096 : i32
      %parallel_loop3A_134 = arith.constant 64 : i32
      scf.for %parallel_loop3A_270 = %parallel_loop3A_132 to %parallel_loop3A_133 step %parallel_loop3A_134  : i32 {
        %parallel_loop3A_271 = arith.constant 0 : i32
        %parallel_loop3A_272 = arith.addi %parallel_loop3A_270, %parallel_loop3A_271 : i32
        %parallel_loop3A_273 = arith.index_cast %parallel_loop3A_272 : i32 to index
        %parallel_loop3A_274 = tpu.vector_load %arg5[%parallel_loop3A_273] {strides = array<i32>} : memref<4096xi32, #tpu.memory_space<vmem>>, vector<16xi32>,
        tpu.vector_store %arg5[%parallel_loop3A_273], %broadcast_in_dim3A_131 {strides = array<i32>} : memref<4096xi32, #tpu.memory_space<vmem>>, vector<16xi32>,
        %parallel_loop3A_275 = arith.constant 16 : i32
        %parallel_loop3A_276 = arith.addi %parallel_loop3A_270, %parallel_loop3A_275 : i32
        %parallel_loop3A_277 = arith.index_cast %parallel_loop3A_276 : i32 to index
        %parallel_loop3A_278 = tpu.vector_load %arg5[%parallel_loop3A_277] {strides = array<i32>} : memref<4096xi32, #tpu.memory_space<vmem>>, vector<16xi32>,
        tpu.vector_store %arg5[%parallel_loop3A_277], %broadcast_in_dim3A_131 {strides = array<i32>} : memref<4096xi32, #tpu.memory_space<vmem>>, vector<16xi32>,
        %parallel_loop3A_279 = arith.constant 32 : i32
        %parallel_loop3A_280 = arith.addi %parallel_loop3A_270, %parallel_loop3A_279 : i32
        %parallel_loop3A_281 = arith.index_cast %parallel_loop3A_280 : i32 to index
        %parallel_loop3A_282 = tpu.vector_load %arg5[%parallel_loop3A_281] {strides = array<i32>} : memref<4096xi32, #tpu.memory_space<vmem>>, vector<16xi32>,
        tpu.vector_store %arg5[%parallel_loop3A_281], %broadcast_in_dim3A_131 {strides = array<i32>} : memref<4096xi32, #tpu.memory_space<vmem>>, vector<16xi32>,
        %parallel_loop3A_283 = arith.constant 48 : i32
        %parallel_loop3A_284 = arith.addi %parallel_loop3A_270, %parallel_loop3A_283 : i32
        %parallel_loop3A_285 = arith.index_cast %parallel_loop3A_284 : i32 to index
        %parallel_loop3A_286 = tpu.vector_load %arg5[%parallel_loop3A_285] {strides = array<i32>} : memref<4096xi32, #tpu.memory_space<vmem>>, vector<16xi32>,
        tpu.vector_store %arg5[%parallel_loop3A_285], %broadcast_in_dim3A_131 {strides = array<i32>} : memref<4096xi32, #tpu.memory_space<vmem>>, vector<16xi32>,
      } {sc.loop_unroll_factor = 1 : i64, sc.parallel_access}
      %broadcast_in_dim3A_135 = arith.constant 0 : i32
      %broadcast_in_dim3A_136 = vector.broadcast %broadcast_in_dim3A_135 : i32 to vector<16xi32>
      %parallel_loop3A_137 = arith.constant 0 : i32
      %parallel_loop3A_138 = arith.constant 256 : i32
      %parallel_loop3A_139 = arith.constant 64 : i32
      scf.for %parallel_loop3A_270 = %parallel_loop3A_137 to %parallel_loop3A_138 step %parallel_loop3A_139  : i32 {
        %parallel_loop3A_271 = arith.constant 0 : i32
        %parallel_loop3A_272 = arith.addi %parallel_loop3A_270, %parallel_loop3A_271 : i32
        %parallel_loop3A_273 = arith.index_cast %parallel_loop3A_272 : i32 to index
        %parallel_loop3A_274 = tpu.vector_load %arg6[%parallel_loop3A_273] {strides = array<i32>} : memref<256xi32, #tpu.memory_space<vmem>>, vector<16xi32>,
        tpu.vector_store %arg6[%parallel_loop3A_273], %broadcast_in_dim3A_136 {strides = array<i32>} : memref<256xi32, #tpu.memory_space<vmem>>, vector<16xi32>,
        %parallel_loop3A_275 = arith.constant 16 : i32
        %parallel_loop3A_276 = arith.addi %parallel_loop3A_270, %parallel_loop3A_275 : i32
        %parallel_loop3A_277 = arith.index_cast %parallel_loop3A_276 : i32 to index
        %parallel_loop3A_278 = tpu.vector_load %arg6[%parallel_loop3A_277] {strides = array<i32>} : memref<256xi32, #tpu.memory_space<vmem>>, vector<16xi32>,
        tpu.vector_store %arg6[%parallel_loop3A_277], %broadcast_in_dim3A_136 {strides = array<i32>} : memref<256xi32, #tpu.memory_space<vmem>>, vector<16xi32>,
        %parallel_loop3A_279 = arith.constant 32 : i32
        %parallel_loop3A_280 = arith.addi %parallel_loop3A_270, %parallel_loop3A_279 : i32
        %parallel_loop3A_281 = arith.index_cast %parallel_loop3A_280 : i32 to index
        %parallel_loop3A_282 = tpu.vector_load %arg6[%parallel_loop3A_281] {strides = array<i32>} : memref<256xi32, #tpu.memory_space<vmem>>, vector<16xi32>,
        tpu.vector_store %arg6[%parallel_loop3A_281], %broadcast_in_dim3A_136 {strides = array<i32>} : memref<256xi32, #tpu.memory_space<vmem>>, vector<16xi32>,
        %parallel_loop3A_283 = arith.constant 48 : i32
        %parallel_loop3A_284 = arith.addi %parallel_loop3A_270, %parallel_loop3A_283 : i32
        %parallel_loop3A_285 = arith.index_cast %parallel_loop3A_284 : i32 to index
        %parallel_loop3A_286 = tpu.vector_load %arg6[%parallel_loop3A_285] {strides = array<i32>} : memref<256xi32, #tpu.memory_space<vmem>>, vector<16xi32>,
        tpu.vector_store %arg6[%parallel_loop3A_285], %broadcast_in_dim3A_136 {strides = array<i32>} : memref<256xi32, #tpu.memory_space<vmem>>, vector<16xi32>,
      } {sc.loop_unroll_factor = 1 : i64, sc.parallel_access}
      %sub3A_140 = arith.constant 2048 : i32
      %sub3A_141 = arith.subi %sub3A_127, %sub3A_140 : i32
      %shift_left3A = arith.constant 12 : i32
      %shift_left3A_142 = arith.shli %sub3A_141, %shift_left3A : i32
      %parallel_loop3A_143 = arith.constant 0 : i32
      %parallel_loop3A_144 = arith.constant 32768 : i32
      %parallel_loop3A_145 = arith.constant 128 : i32
      scf.for %parallel_loop3A_270 = %parallel_loop3A_143 to %parallel_loop3A_144 step %parallel_loop3A_145  : i32 {
        %parallel_loop3A_271 = arith.addi %mul3A_56, %parallel_loop3A_270 : i32
        %parallel_loop3A_272 = arith.constant 0 : i32
        %parallel_loop3A_273 = arith.addi %parallel_loop3A_271, %parallel_loop3A_272 : i32
        %parallel_loop3A_274 = arith.index_cast %parallel_loop3A_273 : i32 to index
        %parallel_loop3A_275 = tpu.vector_load %arg4[%parallel_loop3A_274] {strides = array<i32>} : memref<65536xf32, #tpu.memory_space<vmem>>, vector<16xf32>,
        %parallel_loop3A_276 = vector.bitcast %parallel_loop3A_275 : vector<16xf32> to vector<16xi32>
        %parallel_loop3A_277 = arith.constant 31 : i32
        %parallel_loop3A_278 = vector.broadcast %parallel_loop3A_277 : i32 to vector<16xi32>
        %parallel_loop3A_279 = arith.shrsi %parallel_loop3A_276, %parallel_loop3A_278 : vector<16xi32>
        %parallel_loop3A_280 = arith.constant 2147483647 : i32
        %parallel_loop3A_281 = vector.broadcast %parallel_loop3A_280 : i32 to vector<16xi32>
        %parallel_loop3A_282 = arith.andi %parallel_loop3A_281, %parallel_loop3A_279 : vector<16xi32>
        %parallel_loop3A_283 = arith.xori %parallel_loop3A_276, %parallel_loop3A_282 : vector<16xi32>
        %parallel_loop3A_284 = arith.constant 8 : i32
        %parallel_loop3A_285 = vector.broadcast %parallel_loop3A_284 : i32 to vector<16xi32>
        %parallel_loop3A_286 = arith.shrsi %parallel_loop3A_283, %parallel_loop3A_285 : vector<16xi32>
        %parallel_loop3A_287 = vector.broadcast %shift_left3A_142 : i32 to vector<16xi32>
        %parallel_loop3A_288 = arith.subi %parallel_loop3A_286, %parallel_loop3A_287 : vector<16xi32>
        %parallel_loop3A_289 = vector.bitcast %parallel_loop3A_288 : vector<16xi32> to vector<16xi32>
        %parallel_loop3A_290 = arith.constant 4096 : i32
        %parallel_loop3A_291 = vector.broadcast %parallel_loop3A_290 : i32 to vector<16xi32>
        %parallel_loop3A_292 = arith.cmpi ult, %parallel_loop3A_289, %parallel_loop3A_291 : vector<16xi32>
        tpu.vector_store_idx %arg5[%parallel_loop3A_288], %broadcast_in_dim3A_64 masked %parallel_loop3A_292 {add = true} : memref<4096xi32, #tpu.memory_space<vmem>>[vector<16xi32>], vector<16xi32>, vector<16xi1>
        %parallel_loop3A_293 = arith.constant 4 : i32
        %parallel_loop3A_294 = vector.broadcast %parallel_loop3A_293 : i32 to vector<16xi32>
        %parallel_loop3A_295 = arith.shrsi %parallel_loop3A_288, %parallel_loop3A_294 : vector<16xi32>
        tpu.vector_store_idx %arg6[%parallel_loop3A_295], %broadcast_in_dim3A_64 masked %parallel_loop3A_292 {add = true} : memref<256xi32, #tpu.memory_space<vmem>>[vector<16xi32>], vector<16xi32>, vector<16xi1>
        %parallel_loop3A_296 = arith.addi %mul3A_56, %parallel_loop3A_270 : i32
        %parallel_loop3A_297 = arith.constant 16 : i32
        %parallel_loop3A_298 = arith.addi %parallel_loop3A_296, %parallel_loop3A_297 : i32
        %parallel_loop3A_299 = arith.index_cast %parallel_loop3A_298 : i32 to index
        %parallel_loop3A_300 = tpu.vector_load %arg4[%parallel_loop3A_299] {strides = array<i32>} : memref<65536xf32, #tpu.memory_space<vmem>>, vector<16xf32>,
        %parallel_loop3A_301 = vector.bitcast %parallel_loop3A_300 : vector<16xf32> to vector<16xi32>
        %parallel_loop3A_302 = arith.constant 31 : i32
        %parallel_loop3A_303 = vector.broadcast %parallel_loop3A_302 : i32 to vector<16xi32>
        %parallel_loop3A_304 = arith.shrsi %parallel_loop3A_301, %parallel_loop3A_303 : vector<16xi32>
        %parallel_loop3A_305 = arith.constant 2147483647 : i32
        %parallel_loop3A_306 = vector.broadcast %parallel_loop3A_305 : i32 to vector<16xi32>
        %parallel_loop3A_307 = arith.andi %parallel_loop3A_306, %parallel_loop3A_304 : vector<16xi32>
        %parallel_loop3A_308 = arith.xori %parallel_loop3A_301, %parallel_loop3A_307 : vector<16xi32>
        %parallel_loop3A_309 = arith.constant 8 : i32
        %parallel_loop3A_310 = vector.broadcast %parallel_loop3A_309 : i32 to vector<16xi32>
        %parallel_loop3A_311 = arith.shrsi %parallel_loop3A_308, %parallel_loop3A_310 : vector<16xi32>
        %parallel_loop3A_312 = vector.broadcast %shift_left3A_142 : i32 to vector<16xi32>
        %parallel_loop3A_313 = arith.subi %parallel_loop3A_311, %parallel_loop3A_312 : vector<16xi32>
        %parallel_loop3A_314 = vector.bitcast %parallel_loop3A_313 : vector<16xi32> to vector<16xi32>
        %parallel_loop3A_315 = arith.constant 4096 : i32
        %parallel_loop3A_316 = vector.broadcast %parallel_loop3A_315 : i32 to vector<16xi32>
        %parallel_loop3A_317 = arith.cmpi ult, %parallel_loop3A_314, %parallel_loop3A_316 : vector<16xi32>
        tpu.vector_store_idx %arg5[%parallel_loop3A_313], %broadcast_in_dim3A_64 masked %parallel_loop3A_317 {add = true} : memref<4096xi32, #tpu.memory_space<vmem>>[vector<16xi32>], vector<16xi32>, vector<16xi1>
        %parallel_loop3A_318 = arith.constant 4 : i32
        %parallel_loop3A_319 = vector.broadcast %parallel_loop3A_318 : i32 to vector<16xi32>
        %parallel_loop3A_320 = arith.shrsi %parallel_loop3A_313, %parallel_loop3A_319 : vector<16xi32>
        tpu.vector_store_idx %arg6[%parallel_loop3A_320], %broadcast_in_dim3A_64 masked %parallel_loop3A_317 {add = true} : memref<256xi32, #tpu.memory_space<vmem>>[vector<16xi32>], vector<16xi32>, vector<16xi1>
        %parallel_loop3A_321 = arith.addi %mul3A_56, %parallel_loop3A_270 : i32
        %parallel_loop3A_322 = arith.constant 32 : i32
        %parallel_loop3A_323 = arith.addi %parallel_loop3A_321, %parallel_loop3A_322 : i32
        %parallel_loop3A_324 = arith.index_cast %parallel_loop3A_323 : i32 to index
        %parallel_loop3A_325 = tpu.vector_load %arg4[%parallel_loop3A_324] {strides = array<i32>} : memref<65536xf32, #tpu.memory_space<vmem>>, vector<16xf32>,
        %parallel_loop3A_326 = vector.bitcast %parallel_loop3A_325 : vector<16xf32> to vector<16xi32>
        %parallel_loop3A_327 = arith.constant 31 : i32
        %parallel_loop3A_328 = vector.broadcast %parallel_loop3A_327 : i32 to vector<16xi32>
        %parallel_loop3A_329 = arith.shrsi %parallel_loop3A_326, %parallel_loop3A_328 : vector<16xi32>
        %parallel_loop3A_330 = arith.constant 2147483647 : i32
        %parallel_loop3A_331 = vector.broadcast %parallel_loop3A_330 : i32 to vector<16xi32>
        %parallel_loop3A_332 = arith.andi %parallel_loop3A_331, %parallel_loop3A_329 : vector<16xi32>
        %parallel_loop3A_333 = arith.xori %parallel_loop3A_326, %parallel_loop3A_332 : vector<16xi32>
        %parallel_loop3A_334 = arith.constant 8 : i32
        %parallel_loop3A_335 = vector.broadcast %parallel_loop3A_334 : i32 to vector<16xi32>
        %parallel_loop3A_336 = arith.shrsi %parallel_loop3A_333, %parallel_loop3A_335 : vector<16xi32>
        %parallel_loop3A_337 = vector.broadcast %shift_left3A_142 : i32 to vector<16xi32>
        %parallel_loop3A_338 = arith.subi %parallel_loop3A_336, %parallel_loop3A_337 : vector<16xi32>
        %parallel_loop3A_339 = vector.bitcast %parallel_loop3A_338 : vector<16xi32> to vector<16xi32>
        %parallel_loop3A_340 = arith.constant 4096 : i32
        %parallel_loop3A_341 = vector.broadcast %parallel_loop3A_340 : i32 to vector<16xi32>
        %parallel_loop3A_342 = arith.cmpi ult, %parallel_loop3A_339, %parallel_loop3A_341 : vector<16xi32>
        tpu.vector_store_idx %arg5[%parallel_loop3A_338], %broadcast_in_dim3A_64 masked %parallel_loop3A_342 {add = true} : memref<4096xi32, #tpu.memory_space<vmem>>[vector<16xi32>], vector<16xi32>, vector<16xi1>
        %parallel_loop3A_343 = arith.constant 4 : i32
        %parallel_loop3A_344 = vector.broadcast %parallel_loop3A_343 : i32 to vector<16xi32>
        %parallel_loop3A_345 = arith.shrsi %parallel_loop3A_338, %parallel_loop3A_344 : vector<16xi32>
        tpu.vector_store_idx %arg6[%parallel_loop3A_345], %broadcast_in_dim3A_64 masked %parallel_loop3A_342 {add = true} : memref<256xi32, #tpu.memory_space<vmem>>[vector<16xi32>], vector<16xi32>, vector<16xi1>
        %parallel_loop3A_346 = arith.addi %mul3A_56, %parallel_loop3A_270 : i32
        %parallel_loop3A_347 = arith.constant 48 : i32
        %parallel_loop3A_348 = arith.addi %parallel_loop3A_346, %parallel_loop3A_347 : i32
        %parallel_loop3A_349 = arith.index_cast %parallel_loop3A_348 : i32 to index
        %parallel_loop3A_350 = tpu.vector_load %arg4[%parallel_loop3A_349] {strides = array<i32>} : memref<65536xf32, #tpu.memory_space<vmem>>, vector<16xf32>,
        %parallel_loop3A_351 = vector.bitcast %parallel_loop3A_350 : vector<16xf32> to vector<16xi32>
        %parallel_loop3A_352 = arith.constant 31 : i32
        %parallel_loop3A_353 = vector.broadcast %parallel_loop3A_352 : i32 to vector<16xi32>
        %parallel_loop3A_354 = arith.shrsi %parallel_loop3A_351, %parallel_loop3A_353 : vector<16xi32>
        %parallel_loop3A_355 = arith.constant 2147483647 : i32
        %parallel_loop3A_356 = vector.broadcast %parallel_loop3A_355 : i32 to vector<16xi32>
        %parallel_loop3A_357 = arith.andi %parallel_loop3A_356, %parallel_loop3A_354 : vector<16xi32>
        %parallel_loop3A_358 = arith.xori %parallel_loop3A_351, %parallel_loop3A_357 : vector<16xi32>
        %parallel_loop3A_359 = arith.constant 8 : i32
        %parallel_loop3A_360 = vector.broadcast %parallel_loop3A_359 : i32 to vector<16xi32>
        %parallel_loop3A_361 = arith.shrsi %parallel_loop3A_358, %parallel_loop3A_360 : vector<16xi32>
        %parallel_loop3A_362 = vector.broadcast %shift_left3A_142 : i32 to vector<16xi32>
        %parallel_loop3A_363 = arith.subi %parallel_loop3A_361, %parallel_loop3A_362 : vector<16xi32>
        %parallel_loop3A_364 = vector.bitcast %parallel_loop3A_363 : vector<16xi32> to vector<16xi32>
        %parallel_loop3A_365 = arith.constant 4096 : i32
        %parallel_loop3A_366 = vector.broadcast %parallel_loop3A_365 : i32 to vector<16xi32>
        %parallel_loop3A_367 = arith.cmpi ult, %parallel_loop3A_364, %parallel_loop3A_366 : vector<16xi32>
        tpu.vector_store_idx %arg5[%parallel_loop3A_363], %broadcast_in_dim3A_64 masked %parallel_loop3A_367 {add = true} : memref<4096xi32, #tpu.memory_space<vmem>>[vector<16xi32>], vector<16xi32>, vector<16xi1>
        %parallel_loop3A_368 = arith.constant 4 : i32
        %parallel_loop3A_369 = vector.broadcast %parallel_loop3A_368 : i32 to vector<16xi32>
        %parallel_loop3A_370 = arith.shrsi %parallel_loop3A_363, %parallel_loop3A_369 : vector<16xi32>
        tpu.vector_store_idx %arg6[%parallel_loop3A_370], %broadcast_in_dim3A_64 masked %parallel_loop3A_367 {add = true} : memref<256xi32, #tpu.memory_space<vmem>>[vector<16xi32>], vector<16xi32>, vector<16xi1>
        %parallel_loop3A_371 = arith.addi %mul3A_56, %parallel_loop3A_270 : i32
        %parallel_loop3A_372 = arith.constant 64 : i32
        %parallel_loop3A_373 = arith.addi %parallel_loop3A_371, %parallel_loop3A_372 : i32
        %parallel_loop3A_374 = arith.index_cast %parallel_loop3A_373 : i32 to index
        %parallel_loop3A_375 = tpu.vector_load %arg4[%parallel_loop3A_374] {strides = array<i32>} : memref<65536xf32, #tpu.memory_space<vmem>>, vector<16xf32>,
        %parallel_loop3A_376 = vector.bitcast %parallel_loop3A_375 : vector<16xf32> to vector<16xi32>
        %parallel_loop3A_377 = arith.constant 31 : i32
        %parallel_loop3A_378 = vector.broadcast %parallel_loop3A_377 : i32 to vector<16xi32>
        %parallel_loop3A_379 = arith.shrsi %parallel_loop3A_376, %parallel_loop3A_378 : vector<16xi32>
        %parallel_loop3A_380 = arith.constant 2147483647 : i32
        %parallel_loop3A_381 = vector.broadcast %parallel_loop3A_380 : i32 to vector<16xi32>
        %parallel_loop3A_382 = arith.andi %parallel_loop3A_381, %parallel_loop3A_379 : vector<16xi32>
        %parallel_loop3A_383 = arith.xori %parallel_loop3A_376, %parallel_loop3A_382 : vector<16xi32>
        %parallel_loop3A_384 = arith.constant 8 : i32
        %parallel_loop3A_385 = vector.broadcast %parallel_loop3A_384 : i32 to vector<16xi32>
        %parallel_loop3A_386 = arith.shrsi %parallel_loop3A_383, %parallel_loop3A_385 : vector<16xi32>
        %parallel_loop3A_387 = vector.broadcast %shift_left3A_142 : i32 to vector<16xi32>
        %parallel_loop3A_388 = arith.subi %parallel_loop3A_386, %parallel_loop3A_387 : vector<16xi32>
        %parallel_loop3A_389 = vector.bitcast %parallel_loop3A_388 : vector<16xi32> to vector<16xi32>
        %parallel_loop3A_390 = arith.constant 4096 : i32
        %parallel_loop3A_391 = vector.broadcast %parallel_loop3A_390 : i32 to vector<16xi32>
        %parallel_loop3A_392 = arith.cmpi ult, %parallel_loop3A_389, %parallel_loop3A_391 : vector<16xi32>
        tpu.vector_store_idx %arg5[%parallel_loop3A_388], %broadcast_in_dim3A_64 masked %parallel_loop3A_392 {add = true} : memref<4096xi32, #tpu.memory_space<vmem>>[vector<16xi32>], vector<16xi32>, vector<16xi1>
        %parallel_loop3A_393 = arith.constant 4 : i32
        %parallel_loop3A_394 = vector.broadcast %parallel_loop3A_393 : i32 to vector<16xi32>
        %parallel_loop3A_395 = arith.shrsi %parallel_loop3A_388, %parallel_loop3A_394 : vector<16xi32>
        tpu.vector_store_idx %arg6[%parallel_loop3A_395], %broadcast_in_dim3A_64 masked %parallel_loop3A_392 {add = true} : memref<256xi32, #tpu.memory_space<vmem>>[vector<16xi32>], vector<16xi32>, vector<16xi1>
        %parallel_loop3A_396 = arith.addi %mul3A_56, %parallel_loop3A_270 : i32
        %parallel_loop3A_397 = arith.constant 80 : i32
        %parallel_loop3A_398 = arith.addi %parallel_loop3A_396, %parallel_loop3A_397 : i32
        %parallel_loop3A_399 = arith.index_cast %parallel_loop3A_398 : i32 to index
        %parallel_loop3A_400 = tpu.vector_load %arg4[%parallel_loop3A_399] {strides = array<i32>} : memref<65536xf32, #tpu.memory_space<vmem>>, vector<16xf32>,
        %parallel_loop3A_401 = vector.bitcast %parallel_loop3A_400 : vector<16xf32> to vector<16xi32>
        %parallel_loop3A_402 = arith.constant 31 : i32
        %parallel_loop3A_403 = vector.broadcast %parallel_loop3A_402 : i32 to vector<16xi32>
        %parallel_loop3A_404 = arith.shrsi %parallel_loop3A_401, %parallel_loop3A_403 : vector<16xi32>
        %parallel_loop3A_405 = arith.constant 2147483647 : i32
        %parallel_loop3A_406 = vector.broadcast %parallel_loop3A_405 : i32 to vector<16xi32>
        %parallel_loop3A_407 = arith.andi %parallel_loop3A_406, %parallel_loop3A_404 : vector<16xi32>
        %parallel_loop3A_408 = arith.xori %parallel_loop3A_401, %parallel_loop3A_407 : vector<16xi32>
        %parallel_loop3A_409 = arith.constant 8 : i32
        %parallel_loop3A_410 = vector.broadcast %parallel_loop3A_409 : i32 to vector<16xi32>
        %parallel_loop3A_411 = arith.shrsi %parallel_loop3A_408, %parallel_loop3A_410 : vector<16xi32>
        %parallel_loop3A_412 = vector.broadcast %shift_left3A_142 : i32 to vector<16xi32>
        %parallel_loop3A_413 = arith.subi %parallel_loop3A_411, %parallel_loop3A_412 : vector<16xi32>
        %parallel_loop3A_414 = vector.bitcast %parallel_loop3A_413 : vector<16xi32> to vector<16xi32>
        %parallel_loop3A_415 = arith.constant 4096 : i32
        %parallel_loop3A_416 = vector.broadcast %parallel_loop3A_415 : i32 to vector<16xi32>
        %parallel_loop3A_417 = arith.cmpi ult, %parallel_loop3A_414, %parallel_loop3A_416 : vector<16xi32>
        tpu.vector_store_idx %arg5[%parallel_loop3A_413], %broadcast_in_dim3A_64 masked %parallel_loop3A_417 {add = true} : memref<4096xi32, #tpu.memory_space<vmem>>[vector<16xi32>], vector<16xi32>, vector<16xi1>
        %parallel_loop3A_418 = arith.constant 4 : i32
        %parallel_loop3A_419 = vector.broadcast %parallel_loop3A_418 : i32 to vector<16xi32>
        %parallel_loop3A_420 = arith.shrsi %parallel_loop3A_413, %parallel_loop3A_419 : vector<16xi32>
        tpu.vector_store_idx %arg6[%parallel_loop3A_420], %broadcast_in_dim3A_64 masked %parallel_loop3A_417 {add = true} : memref<256xi32, #tpu.memory_space<vmem>>[vector<16xi32>], vector<16xi32>, vector<16xi1>
        %parallel_loop3A_421 = arith.addi %mul3A_56, %parallel_loop3A_270 : i32
        %parallel_loop3A_422 = arith.constant 96 : i32
        %parallel_loop3A_423 = arith.addi %parallel_loop3A_421, %parallel_loop3A_422 : i32
        %parallel_loop3A_424 = arith.index_cast %parallel_loop3A_423 : i32 to index
        %parallel_loop3A_425 = tpu.vector_load %arg4[%parallel_loop3A_424] {strides = array<i32>} : memref<65536xf32, #tpu.memory_space<vmem>>, vector<16xf32>,
        %parallel_loop3A_426 = vector.bitcast %parallel_loop3A_425 : vector<16xf32> to vector<16xi32>
        %parallel_loop3A_427 = arith.constant 31 : i32
        %parallel_loop3A_428 = vector.broadcast %parallel_loop3A_427 : i32 to vector<16xi32>
        %parallel_loop3A_429 = arith.shrsi %parallel_loop3A_426, %parallel_loop3A_428 : vector<16xi32>
        %parallel_loop3A_430 = arith.constant 2147483647 : i32
        %parallel_loop3A_431 = vector.broadcast %parallel_loop3A_430 : i32 to vector<16xi32>
        %parallel_loop3A_432 = arith.andi %parallel_loop3A_431, %parallel_loop3A_429 : vector<16xi32>
        %parallel_loop3A_433 = arith.xori %parallel_loop3A_426, %parallel_loop3A_432 : vector<16xi32>
        %parallel_loop3A_434 = arith.constant 8 : i32
        %parallel_loop3A_435 = vector.broadcast %parallel_loop3A_434 : i32 to vector<16xi32>
        %parallel_loop3A_436 = arith.shrsi %parallel_loop3A_433, %parallel_loop3A_435 : vector<16xi32>
        %parallel_loop3A_437 = vector.broadcast %shift_left3A_142 : i32 to vector<16xi32>
        %parallel_loop3A_438 = arith.subi %parallel_loop3A_436, %parallel_loop3A_437 : vector<16xi32>
        %parallel_loop3A_439 = vector.bitcast %parallel_loop3A_438 : vector<16xi32> to vector<16xi32>
        %parallel_loop3A_440 = arith.constant 4096 : i32
        %parallel_loop3A_441 = vector.broadcast %parallel_loop3A_440 : i32 to vector<16xi32>
        %parallel_loop3A_442 = arith.cmpi ult, %parallel_loop3A_439, %parallel_loop3A_441 : vector<16xi32>
        tpu.vector_store_idx %arg5[%parallel_loop3A_438], %broadcast_in_dim3A_64 masked %parallel_loop3A_442 {add = true} : memref<4096xi32, #tpu.memory_space<vmem>>[vector<16xi32>], vector<16xi32>, vector<16xi1>
        %parallel_loop3A_443 = arith.constant 4 : i32
        %parallel_loop3A_444 = vector.broadcast %parallel_loop3A_443 : i32 to vector<16xi32>
        %parallel_loop3A_445 = arith.shrsi %parallel_loop3A_438, %parallel_loop3A_444 : vector<16xi32>
        tpu.vector_store_idx %arg6[%parallel_loop3A_445], %broadcast_in_dim3A_64 masked %parallel_loop3A_442 {add = true} : memref<256xi32, #tpu.memory_space<vmem>>[vector<16xi32>], vector<16xi32>, vector<16xi1>
        %parallel_loop3A_446 = arith.addi %mul3A_56, %parallel_loop3A_270 : i32
        %parallel_loop3A_447 = arith.constant 112 : i32
        %parallel_loop3A_448 = arith.addi %parallel_loop3A_446, %parallel_loop3A_447 : i32
        %parallel_loop3A_449 = arith.index_cast %parallel_loop3A_448 : i32 to index
        %parallel_loop3A_450 = tpu.vector_load %arg4[%parallel_loop3A_449] {strides = array<i32>} : memref<65536xf32, #tpu.memory_space<vmem>>, vector<16xf32>,
        %parallel_loop3A_451 = vector.bitcast %parallel_loop3A_450 : vector<16xf32> to vector<16xi32>
        %parallel_loop3A_452 = arith.constant 31 : i32
        %parallel_loop3A_453 = vector.broadcast %parallel_loop3A_452 : i32 to vector<16xi32>
        %parallel_loop3A_454 = arith.shrsi %parallel_loop3A_451, %parallel_loop3A_453 : vector<16xi32>
        %parallel_loop3A_455 = arith.constant 2147483647 : i32
        %parallel_loop3A_456 = vector.broadcast %parallel_loop3A_455 : i32 to vector<16xi32>
        %parallel_loop3A_457 = arith.andi %parallel_loop3A_456, %parallel_loop3A_454 : vector<16xi32>
        %parallel_loop3A_458 = arith.xori %parallel_loop3A_451, %parallel_loop3A_457 : vector<16xi32>
        %parallel_loop3A_459 = arith.constant 8 : i32
        %parallel_loop3A_460 = vector.broadcast %parallel_loop3A_459 : i32 to vector<16xi32>
        %parallel_loop3A_461 = arith.shrsi %parallel_loop3A_458, %parallel_loop3A_460 : vector<16xi32>
        %parallel_loop3A_462 = vector.broadcast %shift_left3A_142 : i32 to vector<16xi32>
        %parallel_loop3A_463 = arith.subi %parallel_loop3A_461, %parallel_loop3A_462 : vector<16xi32>
        %parallel_loop3A_464 = vector.bitcast %parallel_loop3A_463 : vector<16xi32> to vector<16xi32>
        %parallel_loop3A_465 = arith.constant 4096 : i32
        %parallel_loop3A_466 = vector.broadcast %parallel_loop3A_465 : i32 to vector<16xi32>
        %parallel_loop3A_467 = arith.cmpi ult, %parallel_loop3A_464, %parallel_loop3A_466 : vector<16xi32>
        tpu.vector_store_idx %arg5[%parallel_loop3A_463], %broadcast_in_dim3A_64 masked %parallel_loop3A_467 {add = true} : memref<4096xi32, #tpu.memory_space<vmem>>[vector<16xi32>], vector<16xi32>, vector<16xi1>
        %parallel_loop3A_468 = arith.constant 4 : i32
        %parallel_loop3A_469 = vector.broadcast %parallel_loop3A_468 : i32 to vector<16xi32>
        %parallel_loop3A_470 = arith.shrsi %parallel_loop3A_463, %parallel_loop3A_469 : vector<16xi32>
        tpu.vector_store_idx %arg6[%parallel_loop3A_470], %broadcast_in_dim3A_64 masked %parallel_loop3A_467 {add = true} : memref<256xi32, #tpu.memory_space<vmem>>[vector<16xi32>], vector<16xi32>, vector<16xi1>
      } {sc.loop_unroll_factor = 1 : i64, sc.parallel_access}
      %while3A_146 = arith.constant 15 : i32
      %while3A_147 = arith.constant 0 : i32
      %while3A_148 = arith.constant false
      %while3A_149:3 = scf.while (%while3A_270 = %while3A_146, %while3A_271 = %while3A_147, %while3A_272 = %while3A_148) : (i32, i32, i1) -> (i32, i32, i1) {
        %not3A = arith.constant true
        %not3A_273 = arith.xori %while3A_272, %not3A : i1
        %ge3A_274 = arith.constant 0 : i32
        %ge3A_275 = arith.cmpi sge, %while3A_270, %ge3A_274 : i32
        %and3A = arith.andi %not3A_273, %ge3A_275 : i1
        scf.condition(%and3A) %while3A_270, %while3A_271, %while3A_272 : i32, i32, i1
      } do {
      ^bb0(%while3A_270: i32, %while3A_271: i32, %while3A_272: i1):
        %mul3A_273 = arith.constant 16 : i32
        %mul3A_274 = arith.muli %while3A_270, %mul3A_273 : i32
        %get3A_275 = arith.index_cast %mul3A_274 : i32 to index
        %get3A_276 = tpu.vector_load %arg6[%get3A_275] {strides = array<i32>} : memref<256xi32, #tpu.memory_space<vmem>>, vector<16xi32>,
        %reduce_sum3A_277 = arith.constant true
        %reduce_sum3A_278 = vector.broadcast %reduce_sum3A_277 : i1 to vector<16xi1>
        %reduce_sum3A_279 = tpu.scan <sum>, %get3A_276 masked %reduce_sum3A_278 : vector<16xi32>, vector<16xi1> -> vector<16xi32>
        %reduce_sum3A_280 = vector.extract %reduce_sum3A_279[15] : i32 from vector<16xi32>
        %add3A_281 = arith.addi %while3A_271, %reduce_sum3A_280 : i32
        %ge3A_282 = arith.cmpi sge, %add3A_281, %sub3A_129 : i32
        %sub3A_283 = arith.constant 1 : i32
        %sub3A_284 = arith.subi %while3A_270, %sub3A_283 : i32
        %jit3A_285 = arith.constant 0 : i32
        %select_n3A_286 = arith.select %ge3A_282, %jit3A_285, %reduce_sum3A_280 : i32
        %add3A_287 = arith.addi %while3A_271, %select_n3A_286 : i32
        %or3A = arith.ori %while3A_272, %ge3A_282 : i1
        scf.yield %sub3A_284, %add3A_287, %or3A : i32, i32, i1
      }
      %add3A_150 = arith.constant 1 : i32
      %add3A_151 = arith.addi %while3A_149#0, %add3A_150 : i32
      %sub3A_152 = arith.subi %sub3A_129, %while3A_149#1 : i32
      %iota3A_153 = tpu.iota {dimensions = array<i32: 0>} : vector<16xi32>
      %mul3A_154 = arith.constant 16 : i32
      %mul3A_155 = arith.muli %add3A_151, %mul3A_154 : i32
      %get3A_156 = arith.index_cast %mul3A_155 : i32 to index
      %get3A_157 = tpu.vector_load %arg6[%get3A_156] {strides = array<i32>} : memref<256xi32, #tpu.memory_space<vmem>>, vector<16xi32>,
      %rev3A_158 = arith.constant 15 : i32
      %rev3A_159 = vector.broadcast %rev3A_158 : i32 to vector<16xi32>
      %rev3A_160 = tpu.iota {dimensions = array<i32: 0>} : vector<16xi32>
      %rev3A_161 = arith.subi %rev3A_159, %rev3A_160 : vector<16xi32>
      %rev3A_162 = tpu.dynamic_gather %get3A_157[%rev3A_161] in [0] : vector<16xi32>, vector<16xi32> -> vector<16xi32>
      %cumsum3A_163 = arith.constant true
      %cumsum3A_164 = vector.broadcast %cumsum3A_163 : i1 to vector<16xi1>
      %cumsum3A_165 = tpu.scan <sum>, %rev3A_162 masked %cumsum3A_164 : vector<16xi32>, vector<16xi1> -> vector<16xi32>
      %ge3A_166 = vector.broadcast %sub3A_152 : i32 to vector<16xi32>
      %ge3A_167 = arith.cmpi sge, %cumsum3A_165, %ge3A_166 : vector<16xi32>
      %convert_element_type3A_168 = arith.extui %ge3A_167 : vector<16xi1> to vector<16xi32>
      %reduce_sum3A_169 = arith.constant true
      %reduce_sum3A_170 = vector.broadcast %reduce_sum3A_169 : i1 to vector<16xi1>
      %reduce_sum3A_171 = tpu.scan <sum>, %convert_element_type3A_168 masked %reduce_sum3A_170 : vector<16xi32>, vector<16xi1> -> vector<16xi32>
      %reduce_sum3A_172 = vector.extract %reduce_sum3A_171[15] : i32 from vector<16xi32>
      %sub3A_173 = arith.constant 16 : i32
      %sub3A_174 = arith.subi %sub3A_173, %reduce_sum3A_172 : i32
      %eq3A_175 = vector.broadcast %sub3A_174 : i32 to vector<16xi32>
      %eq3A_176 = arith.cmpi eq, %iota3A_153, %eq3A_175 : vector<16xi32>
      %jit3A_177 = arith.constant 0 : i32
      %broadcast_in_dim3A_178 = vector.broadcast %jit3A_177 : i32 to vector<16xi32>
      %select_n3A_179 = arith.select %eq3A_176, %cumsum3A_165, %broadcast_in_dim3A_178 : vector<16xi1>, vector<16xi32>
      %reduce_sum3A_180 = arith.constant true
      %reduce_sum3A_181 = vector.broadcast %reduce_sum3A_180 : i1 to vector<16xi1>
      %reduce_sum3A_182 = tpu.scan <sum>, %select_n3A_179 masked %reduce_sum3A_181 : vector<16xi32>, vector<16xi1> -> vector<16xi32>
      %reduce_sum3A_183 = vector.extract %reduce_sum3A_182[15] : i32 from vector<16xi32>
      %jit3A_184 = arith.constant 0 : i32
      %broadcast_in_dim3A_185 = vector.broadcast %jit3A_184 : i32 to vector<16xi32>
      %select_n3A_186 = arith.select %eq3A_176, %rev3A_162, %broadcast_in_dim3A_185 : vector<16xi1>, vector<16xi32>
      %reduce_sum3A_187 = arith.constant true
      %reduce_sum3A_188 = vector.broadcast %reduce_sum3A_187 : i1 to vector<16xi1>
      %reduce_sum3A_189 = tpu.scan <sum>, %select_n3A_186 masked %reduce_sum3A_188 : vector<16xi32>, vector<16xi1> -> vector<16xi32>
      %reduce_sum3A_190 = vector.extract %reduce_sum3A_189[15] : i32 from vector<16xi32>
      %mul3A_191 = arith.constant 16 : i32
      %mul3A_192 = arith.muli %add3A_151, %mul3A_191 : i32
      %add3A_193 = arith.constant 15 : i32
      %add3A_194 = arith.addi %mul3A_192, %add3A_193 : i32
      %sub3A_195 = arith.subi %add3A_194, %sub3A_174 : i32
      %sub3A_196 = arith.subi %reduce_sum3A_183, %reduce_sum3A_190 : i32
      %sub3A_197 = arith.subi %sub3A_152, %sub3A_196 : i32
      %iota3A_198 = tpu.iota {dimensions = array<i32: 0>} : vector<16xi32>
      %mul3A_199 = arith.constant 16 : i32
      %mul3A_200 = arith.muli %sub3A_195, %mul3A_199 : i32
      %get3A_201 = arith.index_cast %mul3A_200 : i32 to index
      %get3A_202 = tpu.vector_load %arg5[%get3A_201] {strides = array<i32>} : memref<4096xi32, #tpu.memory_space<vmem>>, vector<16xi32>,
      %rev3A_203 = arith.constant 15 : i32
      %rev3A_204 = vector.broadcast %rev3A_203 : i32 to vector<16xi32>
      %rev3A_205 = tpu.iota {dimensions = array<i32: 0>} : vector<16xi32>
      %rev3A_206 = arith.subi %rev3A_204, %rev3A_205 : vector<16xi32>
      %rev3A_207 = tpu.dynamic_gather %get3A_202[%rev3A_206] in [0] : vector<16xi32>, vector<16xi32> -> vector<16xi32>
      %cumsum3A_208 = arith.constant true
      %cumsum3A_209 = vector.broadcast %cumsum3A_208 : i1 to vector<16xi1>
      %cumsum3A_210 = tpu.scan <sum>, %rev3A_207 masked %cumsum3A_209 : vector<16xi32>, vector<16xi1> -> vector<16xi32>
      %ge3A_211 = vector.broadcast %sub3A_197 : i32 to vector<16xi32>
      %ge3A_212 = arith.cmpi sge, %cumsum3A_210, %ge3A_211 : vector<16xi32>
      %convert_element_type3A_213 = arith.extui %ge3A_212 : vector<16xi1> to vector<16xi32>
      %reduce_sum3A_214 = arith.constant true
      %reduce_sum3A_215 = vector.broadcast %reduce_sum3A_214 : i1 to vector<16xi1>
      %reduce_sum3A_216 = tpu.scan <sum>, %convert_element_type3A_213 masked %reduce_sum3A_215 : vector<16xi32>, vector<16xi1> -> vector<16xi32>
      %reduce_sum3A_217 = vector.extract %reduce_sum3A_216[15] : i32 from vector<16xi32>
      %sub3A_218 = arith.constant 16 : i32
      %sub3A_219 = arith.subi %sub3A_218, %reduce_sum3A_217 : i32
      %eq3A_220 = vector.broadcast %sub3A_219 : i32 to vector<16xi32>
      %eq3A_221 = arith.cmpi eq, %iota3A_198, %eq3A_220 : vector<16xi32>
      %jit3A_222 = arith.constant 0 : i32
      %broadcast_in_dim3A_223 = vector.broadcast %jit3A_222 : i32 to vector<16xi32>
      %select_n3A_224 = arith.select %eq3A_221, %cumsum3A_210, %broadcast_in_dim3A_223 : vector<16xi1>, vector<16xi32>
      %reduce_sum3A_225 = arith.constant true
      %reduce_sum3A_226 = vector.broadcast %reduce_sum3A_225 : i1 to vector<16xi1>
      %reduce_sum3A_227 = tpu.scan <sum>, %select_n3A_224 masked %reduce_sum3A_226 : vector<16xi32>, vector<16xi1> -> vector<16xi32>
      %reduce_sum3A_228 = vector.extract %reduce_sum3A_227[15] : i32 from vector<16xi32>
      %jit3A_229 = arith.constant 0 : i32
      %broadcast_in_dim3A_230 = vector.broadcast %jit3A_229 : i32 to vector<16xi32>
      %select_n3A_231 = arith.select %eq3A_221, %rev3A_207, %broadcast_in_dim3A_230 : vector<16xi1>, vector<16xi32>
      %reduce_sum3A_232 = arith.constant true
      %reduce_sum3A_233 = vector.broadcast %reduce_sum3A_232 : i1 to vector<16xi1>
      %reduce_sum3A_234 = tpu.scan <sum>, %select_n3A_231 masked %reduce_sum3A_233 : vector<16xi32>, vector<16xi1> -> vector<16xi32>
      %reduce_sum3A_235 = vector.extract %reduce_sum3A_234[15] : i32 from vector<16xi32>
      %mul3A_236 = arith.constant 16 : i32
      %mul3A_237 = arith.muli %sub3A_195, %mul3A_236 : i32
      %add3A_238 = arith.constant 15 : i32
      %add3A_239 = arith.addi %mul3A_237, %add3A_238 : i32
      %sub3A_240 = arith.subi %add3A_239, %sub3A_219 : i32
      %sub3A_241 = arith.subi %reduce_sum3A_228, %reduce_sum3A_235 : i32
      %sub3A_242 = arith.subi %sub3A_197, %sub3A_241 : i32
      %sub3A_243 = arith.constant 2048 : i32
      %sub3A_244 = arith.subi %sub3A_127, %sub3A_243 : i32
      %shift_left3A_245 = arith.constant 20 : i32
      %shift_left3A_246 = arith.shli %sub3A_244, %shift_left3A_245 : i32
      %shift_left3A_247 = arith.constant 8 : i32
      %shift_left3A_248 = arith.shli %sub3A_240, %shift_left3A_247 : i32
      %add3A_249 = arith.addi %shift_left3A_246, %shift_left3A_248 : i32
      %sub3A_250 = arith.subi %reduce_sum3A_235, %sub3A_242 : i32
      %eq3A_251 = arith.constant 0 : i32
      %eq3A_252 = arith.cmpi eq, %sub3A_250, %eq3A_251 : i32
      %convert_element_type3A_253 = arith.extui %eq3A_252 : i1 to i32
      %cond3A_254 = arith.constant 0 : i32
      %cond3A_255 = arith.cmpi ne, %convert_element_type3A_253, %cond3A_254 : i32
      scf.if %cond3A_255 {
        %ge3A_270 = arith.constant 0 : i32
        %ge3A_271 = arith.cmpi sge, %add3A_249, %ge3A_270 : i32
        %xor3A = arith.constant 2147483647 : i32
        %xor3A_272 = arith.xori %add3A_249, %xor3A : i32
        %select_n3A_273 = arith.select %ge3A_271, %add3A_249, %xor3A_272 : i32
        %broadcast_in_dim3A_274 = arith.constant 0 : i32
        %broadcast_in_dim3A_275 = vector.broadcast %broadcast_in_dim3A_274 : i32 to vector<16xi32>
        %add3A_276 = vector.broadcast %select_n3A_273 : i32 to vector<16xi32>
        %add3A_277 = arith.addi %broadcast_in_dim3A_275, %add3A_276 : vector<16xi32>
        %bitcast3A = vector.bitcast %add3A_277 : vector<16xi32> to vector<16xf32>
        %parallel_loop3A_278 = arith.constant 0 : i32
        %parallel_loop3A_279 = arith.constant 32768 : i32
        %parallel_loop3A_280 = arith.constant 128 : i32
        scf.for %parallel_loop3A_281 = %parallel_loop3A_278 to %parallel_loop3A_279 step %parallel_loop3A_280  : i32 {
          %parallel_loop3A_282 = arith.addi %mul3A_56, %parallel_loop3A_281 : i32
          %parallel_loop3A_283 = arith.constant 0 : i32
          %parallel_loop3A_284 = arith.addi %parallel_loop3A_282, %parallel_loop3A_283 : i32
          %parallel_loop3A_285 = arith.index_cast %parallel_loop3A_284 : i32 to index
          %parallel_loop3A_286 = tpu.vector_load %arg4[%parallel_loop3A_285] {strides = array<i32>} : memref<65536xf32, #tpu.memory_space<vmem>>, vector<16xf32>,
          %parallel_loop3A_287 = arith.cmpf oge, %parallel_loop3A_286, %bitcast3A : vector<16xf32>
          %parallel_loop3A_288 = arith.constant 0.000000e+00 : f32
          %parallel_loop3A_289 = vector.broadcast %parallel_loop3A_288 : f32 to vector<16xf32>
          %parallel_loop3A_290 = arith.select %parallel_loop3A_287, %parallel_loop3A_286, %parallel_loop3A_289 : vector<16xi1>, vector<16xf32>
          %parallel_loop3A_291 = arith.addi %mul3A_56, %parallel_loop3A_281 : i32
          %parallel_loop3A_292 = arith.constant 0 : i32
          %parallel_loop3A_293 = arith.addi %parallel_loop3A_291, %parallel_loop3A_292 : i32
          %parallel_loop3A_294 = arith.index_cast %parallel_loop3A_293 : i32 to index
          %parallel_loop3A_295 = tpu.vector_load %arg4[%parallel_loop3A_294] {strides = array<i32>} : memref<65536xf32, #tpu.memory_space<vmem>>, vector<16xf32>,
          tpu.vector_store %arg4[%parallel_loop3A_294], %parallel_loop3A_290 {strides = array<i32>} : memref<65536xf32, #tpu.memory_space<vmem>>, vector<16xf32>,
          %parallel_loop3A_296 = arith.addi %mul3A_56, %parallel_loop3A_281 : i32
          %parallel_loop3A_297 = arith.constant 16 : i32
          %parallel_loop3A_298 = arith.addi %parallel_loop3A_296, %parallel_loop3A_297 : i32
          %parallel_loop3A_299 = arith.index_cast %parallel_loop3A_298 : i32 to index
          %parallel_loop3A_300 = tpu.vector_load %arg4[%parallel_loop3A_299] {strides = array<i32>} : memref<65536xf32, #tpu.memory_space<vmem>>, vector<16xf32>,
          %parallel_loop3A_301 = arith.cmpf oge, %parallel_loop3A_300, %bitcast3A : vector<16xf32>
          %parallel_loop3A_302 = arith.constant 0.000000e+00 : f32
          %parallel_loop3A_303 = vector.broadcast %parallel_loop3A_302 : f32 to vector<16xf32>
          %parallel_loop3A_304 = arith.select %parallel_loop3A_301, %parallel_loop3A_300, %parallel_loop3A_303 : vector<16xi1>, vector<16xf32>
          %parallel_loop3A_305 = arith.addi %mul3A_56, %parallel_loop3A_281 : i32
          %parallel_loop3A_306 = arith.constant 16 : i32
          %parallel_loop3A_307 = arith.addi %parallel_loop3A_305, %parallel_loop3A_306 : i32
          %parallel_loop3A_308 = arith.index_cast %parallel_loop3A_307 : i32 to index
          %parallel_loop3A_309 = tpu.vector_load %arg4[%parallel_loop3A_308] {strides = array<i32>} : memref<65536xf32, #tpu.memory_space<vmem>>, vector<16xf32>,
          tpu.vector_store %arg4[%parallel_loop3A_308], %parallel_loop3A_304 {strides = array<i32>} : memref<65536xf32, #tpu.memory_space<vmem>>, vector<16xf32>,
          %parallel_loop3A_310 = arith.addi %mul3A_56, %parallel_loop3A_281 : i32
          %parallel_loop3A_311 = arith.constant 32 : i32
          %parallel_loop3A_312 = arith.addi %parallel_loop3A_310, %parallel_loop3A_311 : i32
          %parallel_loop3A_313 = arith.index_cast %parallel_loop3A_312 : i32 to index
          %parallel_loop3A_314 = tpu.vector_load %arg4[%parallel_loop3A_313] {strides = array<i32>} : memref<65536xf32, #tpu.memory_space<vmem>>, vector<16xf32>,
          %parallel_loop3A_315 = arith.cmpf oge, %parallel_loop3A_314, %bitcast3A : vector<16xf32>
          %parallel_loop3A_316 = arith.constant 0.000000e+00 : f32
          %parallel_loop3A_317 = vector.broadcast %parallel_loop3A_316 : f32 to vector<16xf32>
          %parallel_loop3A_318 = arith.select %parallel_loop3A_315, %parallel_loop3A_314, %parallel_loop3A_317 : vector<16xi1>, vector<16xf32>
          %parallel_loop3A_319 = arith.addi %mul3A_56, %parallel_loop3A_281 : i32
          %parallel_loop3A_320 = arith.constant 32 : i32
          %parallel_loop3A_321 = arith.addi %parallel_loop3A_319, %parallel_loop3A_320 : i32
          %parallel_loop3A_322 = arith.index_cast %parallel_loop3A_321 : i32 to index
          %parallel_loop3A_323 = tpu.vector_load %arg4[%parallel_loop3A_322] {strides = array<i32>} : memref<65536xf32, #tpu.memory_space<vmem>>, vector<16xf32>,
          tpu.vector_store %arg4[%parallel_loop3A_322], %parallel_loop3A_318 {strides = array<i32>} : memref<65536xf32, #tpu.memory_space<vmem>>, vector<16xf32>,
          %parallel_loop3A_324 = arith.addi %mul3A_56, %parallel_loop3A_281 : i32
          %parallel_loop3A_325 = arith.constant 48 : i32
          %parallel_loop3A_326 = arith.addi %parallel_loop3A_324, %parallel_loop3A_325 : i32
          %parallel_loop3A_327 = arith.index_cast %parallel_loop3A_326 : i32 to index
          %parallel_loop3A_328 = tpu.vector_load %arg4[%parallel_loop3A_327] {strides = array<i32>} : memref<65536xf32, #tpu.memory_space<vmem>>, vector<16xf32>,
          %parallel_loop3A_329 = arith.cmpf oge, %parallel_loop3A_328, %bitcast3A : vector<16xf32>
          %parallel_loop3A_330 = arith.constant 0.000000e+00 : f32
          %parallel_loop3A_331 = vector.broadcast %parallel_loop3A_330 : f32 to vector<16xf32>
          %parallel_loop3A_332 = arith.select %parallel_loop3A_329, %parallel_loop3A_328, %parallel_loop3A_331 : vector<16xi1>, vector<16xf32>
          %parallel_loop3A_333 = arith.addi %mul3A_56, %parallel_loop3A_281 : i32
          %parallel_loop3A_334 = arith.constant 48 : i32
          %parallel_loop3A_335 = arith.addi %parallel_loop3A_333, %parallel_loop3A_334 : i32
          %parallel_loop3A_336 = arith.index_cast %parallel_loop3A_335 : i32 to index
          %parallel_loop3A_337 = tpu.vector_load %arg4[%parallel_loop3A_336] {strides = array<i32>} : memref<65536xf32, #tpu.memory_space<vmem>>, vector<16xf32>,
          tpu.vector_store %arg4[%parallel_loop3A_336], %parallel_loop3A_332 {strides = array<i32>} : memref<65536xf32, #tpu.memory_space<vmem>>, vector<16xf32>,
          %parallel_loop3A_338 = arith.addi %mul3A_56, %parallel_loop3A_281 : i32
          %parallel_loop3A_339 = arith.constant 64 : i32
          %parallel_loop3A_340 = arith.addi %parallel_loop3A_338, %parallel_loop3A_339 : i32
          %parallel_loop3A_341 = arith.index_cast %parallel_loop3A_340 : i32 to index
          %parallel_loop3A_342 = tpu.vector_load %arg4[%parallel_loop3A_341] {strides = array<i32>} : memref<65536xf32, #tpu.memory_space<vmem>>, vector<16xf32>,
          %parallel_loop3A_343 = arith.cmpf oge, %parallel_loop3A_342, %bitcast3A : vector<16xf32>
          %parallel_loop3A_344 = arith.constant 0.000000e+00 : f32
          %parallel_loop3A_345 = vector.broadcast %parallel_loop3A_344 : f32 to vector<16xf32>
          %parallel_loop3A_346 = arith.select %parallel_loop3A_343, %parallel_loop3A_342, %parallel_loop3A_345 : vector<16xi1>, vector<16xf32>
          %parallel_loop3A_347 = arith.addi %mul3A_56, %parallel_loop3A_281 : i32
          %parallel_loop3A_348 = arith.constant 64 : i32
          %parallel_loop3A_349 = arith.addi %parallel_loop3A_347, %parallel_loop3A_348 : i32
          %parallel_loop3A_350 = arith.index_cast %parallel_loop3A_349 : i32 to index
          %parallel_loop3A_351 = tpu.vector_load %arg4[%parallel_loop3A_350] {strides = array<i32>} : memref<65536xf32, #tpu.memory_space<vmem>>, vector<16xf32>,
          tpu.vector_store %arg4[%parallel_loop3A_350], %parallel_loop3A_346 {strides = array<i32>} : memref<65536xf32, #tpu.memory_space<vmem>>, vector<16xf32>,
          %parallel_loop3A_352 = arith.addi %mul3A_56, %parallel_loop3A_281 : i32
          %parallel_loop3A_353 = arith.constant 80 : i32
          %parallel_loop3A_354 = arith.addi %parallel_loop3A_352, %parallel_loop3A_353 : i32
          %parallel_loop3A_355 = arith.index_cast %parallel_loop3A_354 : i32 to index
          %parallel_loop3A_356 = tpu.vector_load %arg4[%parallel_loop3A_355] {strides = array<i32>} : memref<65536xf32, #tpu.memory_space<vmem>>, vector<16xf32>,
          %parallel_loop3A_357 = arith.cmpf oge, %parallel_loop3A_356, %bitcast3A : vector<16xf32>
          %parallel_loop3A_358 = arith.constant 0.000000e+00 : f32
          %parallel_loop3A_359 = vector.broadcast %parallel_loop3A_358 : f32 to vector<16xf32>
          %parallel_loop3A_360 = arith.select %parallel_loop3A_357, %parallel_loop3A_356, %parallel_loop3A_359 : vector<16xi1>, vector<16xf32>
          %parallel_loop3A_361 = arith.addi %mul3A_56, %parallel_loop3A_281 : i32
          %parallel_loop3A_362 = arith.constant 80 : i32
          %parallel_loop3A_363 = arith.addi %parallel_loop3A_361, %parallel_loop3A_362 : i32
          %parallel_loop3A_364 = arith.index_cast %parallel_loop3A_363 : i32 to index
          %parallel_loop3A_365 = tpu.vector_load %arg4[%parallel_loop3A_364] {strides = array<i32>} : memref<65536xf32, #tpu.memory_space<vmem>>, vector<16xf32>,
          tpu.vector_store %arg4[%parallel_loop3A_364], %parallel_loop3A_360 {strides = array<i32>} : memref<65536xf32, #tpu.memory_space<vmem>>, vector<16xf32>,
          %parallel_loop3A_366 = arith.addi %mul3A_56, %parallel_loop3A_281 : i32
          %parallel_loop3A_367 = arith.constant 96 : i32
          %parallel_loop3A_368 = arith.addi %parallel_loop3A_366, %parallel_loop3A_367 : i32
          %parallel_loop3A_369 = arith.index_cast %parallel_loop3A_368 : i32 to index
          %parallel_loop3A_370 = tpu.vector_load %arg4[%parallel_loop3A_369] {strides = array<i32>} : memref<65536xf32, #tpu.memory_space<vmem>>, vector<16xf32>,
          %parallel_loop3A_371 = arith.cmpf oge, %parallel_loop3A_370, %bitcast3A : vector<16xf32>
          %parallel_loop3A_372 = arith.constant 0.000000e+00 : f32
          %parallel_loop3A_373 = vector.broadcast %parallel_loop3A_372 : f32 to vector<16xf32>
          %parallel_loop3A_374 = arith.select %parallel_loop3A_371, %parallel_loop3A_370, %parallel_loop3A_373 : vector<16xi1>, vector<16xf32>
          %parallel_loop3A_375 = arith.addi %mul3A_56, %parallel_loop3A_281 : i32
          %parallel_loop3A_376 = arith.constant 96 : i32
          %parallel_loop3A_377 = arith.addi %parallel_loop3A_375, %parallel_loop3A_376 : i32
          %parallel_loop3A_378 = arith.index_cast %parallel_loop3A_377 : i32 to index
          %parallel_loop3A_379 = tpu.vector_load %arg4[%parallel_loop3A_378] {strides = array<i32>} : memref<65536xf32, #tpu.memory_space<vmem>>, vector<16xf32>,
          tpu.vector_store %arg4[%parallel_loop3A_378], %parallel_loop3A_374 {strides = array<i32>} : memref<65536xf32, #tpu.memory_space<vmem>>, vector<16xf32>,
          %parallel_loop3A_380 = arith.addi %mul3A_56, %parallel_loop3A_281 : i32
          %parallel_loop3A_381 = arith.constant 112 : i32
          %parallel_loop3A_382 = arith.addi %parallel_loop3A_380, %parallel_loop3A_381 : i32
          %parallel_loop3A_383 = arith.index_cast %parallel_loop3A_382 : i32 to index
          %parallel_loop3A_384 = tpu.vector_load %arg4[%parallel_loop3A_383] {strides = array<i32>} : memref<65536xf32, #tpu.memory_space<vmem>>, vector<16xf32>,
          %parallel_loop3A_385 = arith.cmpf oge, %parallel_loop3A_384, %bitcast3A : vector<16xf32>
          %parallel_loop3A_386 = arith.constant 0.000000e+00 : f32
          %parallel_loop3A_387 = vector.broadcast %parallel_loop3A_386 : f32 to vector<16xf32>
          %parallel_loop3A_388 = arith.select %parallel_loop3A_385, %parallel_loop3A_384, %parallel_loop3A_387 : vector<16xi1>, vector<16xf32>
          %parallel_loop3A_389 = arith.addi %mul3A_56, %parallel_loop3A_281 : i32
          %parallel_loop3A_390 = arith.constant 112 : i32
          %parallel_loop3A_391 = arith.addi %parallel_loop3A_389, %parallel_loop3A_390 : i32
          %parallel_loop3A_392 = arith.index_cast %parallel_loop3A_391 : i32 to index
          %parallel_loop3A_393 = tpu.vector_load %arg4[%parallel_loop3A_392] {strides = array<i32>} : memref<65536xf32, #tpu.memory_space<vmem>>, vector<16xf32>,
          tpu.vector_store %arg4[%parallel_loop3A_392], %parallel_loop3A_388 {strides = array<i32>} : memref<65536xf32, #tpu.memory_space<vmem>>, vector<16xf32>,
        } {sc.loop_unroll_factor = 1 : i64, sc.parallel_access}
      } else {
      }
      %gt3A = arith.constant 0 : i32
      %gt3A_256 = arith.cmpi sgt, %sub3A_250, %gt3A : i32
      %convert_element_type3A_257 = arith.extui %gt3A_256 : i1 to i32
      %cond3A_258 = arith.constant 0 : i32
      %cond3A_259 = arith.cmpi ne, %convert_element_type3A_257, %cond3A_258 : i32
      scf.if %cond3A_259 {
        %broadcast_in_dim3A_270 = arith.constant 1 : i32
        %broadcast_in_dim3A_271 = vector.broadcast %broadcast_in_dim3A_270 : i32 to vector<16xi32>
        "tpu.region"() ({
          %run_scoped3A = tpu.sem_alloc : memref<!tpu.dma_semaphore, #tpu.memory_space<semaphore_mem>>
          %dma_start3A_346 = tpu.memref_slice %arg4[%mul3A_56] : memref<65536xf32, #tpu.memory_space<vmem>> -> memref<32768xf32, #tpu.memory_space<vmem>>
          %dma_start3A_347 = arith.constant 0 : i32
          %dma_start3A_348 = tpu.memref_slice %arg2[%add3A_54, %dma_start3A_347] : memref<64x32768xf32, #tpu.memory_space<hbm>> -> memref<1x32768xf32, #tpu.memory_space<hbm>>
          %dma_start3A_349 = tpu.memref_squeeze %dma_start3A_348 : memref<1x32768xf32, #tpu.memory_space<hbm>> -> memref<32768xf32, #tpu.memory_space<hbm>>
          %dma_start3A_350 = tpu.memref_slice %arg4[%mul3A_56] : memref<65536xf32, #tpu.memory_space<vmem>> -> memref<32768xf32, #tpu.memory_space<vmem>>
          %dma_start3A_351 = arith.constant 0 : i32
          %dma_start3A_352 = tpu.memref_slice %arg2[%add3A_54, %dma_start3A_351] : memref<64x32768xf32, #tpu.memory_space<hbm>> -> memref<1x32768xf32, #tpu.memory_space<hbm>>
          %dma_start3A_353 = tpu.memref_squeeze %dma_start3A_352 : memref<1x32768xf32, #tpu.memory_space<hbm>> -> memref<32768xf32, #tpu.memory_space<hbm>>
          tpu.enqueue_dma source(%dma_start3A_353 : memref<32768xf32, #tpu.memory_space<hbm>>) target(%dma_start3A_350 : memref<32768xf32, #tpu.memory_space<vmem>>) target_semaphore(%run_scoped3A : memref<!tpu.dma_semaphore, #tpu.memory_space<semaphore_mem>>)
          %dma_wait3A_354 = tpu.memref_slice %arg4[%mul3A_56] : memref<65536xf32, #tpu.memory_space<vmem>> -> memref<32768xf32, #tpu.memory_space<vmem>>
          %dma_wait3A_355 = arith.constant 0 : i32
          %dma_wait3A_356 = tpu.memref_slice %arg2[%add3A_54, %dma_wait3A_355] : memref<64x32768xf32, #tpu.memory_space<hbm>> -> memref<1x32768xf32, #tpu.memory_space<hbm>>
          %dma_wait3A_357 = tpu.memref_squeeze %dma_wait3A_356 : memref<1x32768xf32, #tpu.memory_space<hbm>> -> memref<32768xf32, #tpu.memory_space<hbm>>
          %dma_wait3A_358 = tpu.memref_slice %arg4[%mul3A_56] : memref<65536xf32, #tpu.memory_space<vmem>> -> memref<32768xf32, #tpu.memory_space<vmem>>
          %dma_wait3A_359 = arith.constant 0 : i32
          %dma_wait3A_360 = tpu.memref_slice %arg2[%add3A_54, %dma_wait3A_359] : memref<64x32768xf32, #tpu.memory_space<hbm>> -> memref<1x32768xf32, #tpu.memory_space<hbm>>
          %dma_wait3A_361 = tpu.memref_squeeze %dma_wait3A_360 : memref<1x32768xf32, #tpu.memory_space<hbm>> -> memref<32768xf32, #tpu.memory_space<hbm>>
          tpu.wait_dma2 semaphore(%run_scoped3A : memref<!tpu.dma_semaphore, #tpu.memory_space<semaphore_mem>>) src(%dma_wait3A_361 : memref<32768xf32, #tpu.memory_space<hbm>>) dst(%dma_wait3A_358 : memref<32768xf32, #tpu.memory_space<vmem>>)
          tpu.yield
        }) : () -> ()
        %broadcast_in_dim3A_272 = arith.constant 0 : i32
        %broadcast_in_dim3A_273 = vector.broadcast %broadcast_in_dim3A_272 : i32 to vector<16xi32>
        %parallel_loop3A_274 = arith.constant 0 : i32
        %parallel_loop3A_275 = arith.constant 256 : i32
        %parallel_loop3A_276 = arith.constant 64 : i32
        scf.for %parallel_loop3A_346 = %parallel_loop3A_274 to %parallel_loop3A_275 step %parallel_loop3A_276  : i32 {
          %parallel_loop3A_347 = arith.constant 0 : i32
          %parallel_loop3A_348 = arith.addi %parallel_loop3A_346, %parallel_loop3A_347 : i32
          %parallel_loop3A_349 = arith.index_cast %parallel_loop3A_348 : i32 to index
          %parallel_loop3A_350 = tpu.vector_load %arg5[%parallel_loop3A_349] {strides = array<i32>} : memref<4096xi32, #tpu.memory_space<vmem>>, vector<16xi32>,
          tpu.vector_store %arg5[%parallel_loop3A_349], %broadcast_in_dim3A_273 {strides = array<i32>} : memref<4096xi32, #tpu.memory_space<vmem>>, vector<16xi32>,
          %parallel_loop3A_351 = arith.constant 16 : i32
          %parallel_loop3A_352 = arith.addi %parallel_loop3A_346, %parallel_loop3A_351 : i32
          %parallel_loop3A_353 = arith.index_cast %parallel_loop3A_352 : i32 to index
          %parallel_loop3A_354 = tpu.vector_load %arg5[%parallel_loop3A_353] {strides = array<i32>} : memref<4096xi32, #tpu.memory_space<vmem>>, vector<16xi32>,
          tpu.vector_store %arg5[%parallel_loop3A_353], %broadcast_in_dim3A_273 {strides = array<i32>} : memref<4096xi32, #tpu.memory_space<vmem>>, vector<16xi32>,
          %parallel_loop3A_355 = arith.constant 32 : i32
          %parallel_loop3A_356 = arith.addi %parallel_loop3A_346, %parallel_loop3A_355 : i32
          %parallel_loop3A_357 = arith.index_cast %parallel_loop3A_356 : i32 to index
          %parallel_loop3A_358 = tpu.vector_load %arg5[%parallel_loop3A_357] {strides = array<i32>} : memref<4096xi32, #tpu.memory_space<vmem>>, vector<16xi32>,
          tpu.vector_store %arg5[%parallel_loop3A_357], %broadcast_in_dim3A_273 {strides = array<i32>} : memref<4096xi32, #tpu.memory_space<vmem>>, vector<16xi32>,
          %parallel_loop3A_359 = arith.constant 48 : i32
          %parallel_loop3A_360 = arith.addi %parallel_loop3A_346, %parallel_loop3A_359 : i32
          %parallel_loop3A_361 = arith.index_cast %parallel_loop3A_360 : i32 to index
          %parallel_loop3A_362 = tpu.vector_load %arg5[%parallel_loop3A_361] {strides = array<i32>} : memref<4096xi32, #tpu.memory_space<vmem>>, vector<16xi32>,
          tpu.vector_store %arg5[%parallel_loop3A_361], %broadcast_in_dim3A_273 {strides = array<i32>} : memref<4096xi32, #tpu.memory_space<vmem>>, vector<16xi32>,
        } {sc.loop_unroll_factor = 1 : i64, sc.parallel_access}
        %scan3A_277 = arith.constant 0 : i32
        %scan3A_278 = arith.constant 2048 : i32
        %scan3A_279 = arith.addi %scan3A_277, %scan3A_278 : i32
        %scan3A_280 = arith.constant 1 : i32
        scf.for %scan3A_346 = %scan3A_277 to %scan3A_279 step %scan3A_280  : i32 {
          %mul3A_347 = arith.constant 16 : i32
          %mul3A_348 = arith.muli %scan3A_346, %mul3A_347 : i32
          %add3A_349 = arith.constant 0 : i32
          %add3A_350 = arith.addi %add3A_349, %mul3A_348 : i32
          %add3A_351 = arith.addi %mul3A_56, %add3A_350 : i32
          %get3A_352 = arith.index_cast %add3A_351 : i32 to index
          %get3A_353 = tpu.vector_load %arg4[%get3A_352] {strides = array<i32>} : memref<65536xf32, #tpu.memory_space<vmem>>, vector<16xf32>,
          %bitcast3A = vector.bitcast %get3A_353 : vector<16xf32> to vector<16xi32>
          %shift_right_arithmetic3A_354 = arith.constant 31 : i32
          %shift_right_arithmetic3A_355 = vector.broadcast %shift_right_arithmetic3A_354 : i32 to vector<16xi32>
          %shift_right_arithmetic3A_356 = arith.shrsi %bitcast3A, %shift_right_arithmetic3A_355 : vector<16xi32>
          %and3A = arith.constant 2147483647 : i32
          %and3A_357 = vector.broadcast %and3A : i32 to vector<16xi32>
          %and3A_358 = arith.andi %and3A_357, %shift_right_arithmetic3A_356 : vector<16xi32>
          %xor3A = arith.xori %bitcast3A, %and3A_358 : vector<16xi32>
          %shift_right_arithmetic3A_359 = arith.constant 8 : i32
          %shift_right_arithmetic3A_360 = vector.broadcast %shift_right_arithmetic3A_359 : i32 to vector<16xi32>
          %shift_right_arithmetic3A_361 = arith.shrsi %xor3A, %shift_right_arithmetic3A_360 : vector<16xi32>
          %shift_right_arithmetic3A_362 = arith.constant 8 : i32
          %shift_right_arithmetic3A_363 = arith.shrsi %add3A_249, %shift_right_arithmetic3A_362 : i32
          %eq3A_364 = vector.broadcast %shift_right_arithmetic3A_363 : i32 to vector<16xi32>
          %eq3A_365 = arith.cmpi eq, %shift_right_arithmetic3A_361, %eq3A_364 : vector<16xi32>
          %and3A_366 = arith.constant 255 : i32
          %and3A_367 = vector.broadcast %and3A_366 : i32 to vector<16xi32>
          %and3A_368 = arith.andi %xor3A, %and3A_367 : vector<16xi32>
          tpu.vector_store_idx %arg5[%and3A_368], %broadcast_in_dim3A_271 masked %eq3A_365 {add = true} : memref<4096xi32, #tpu.memory_space<vmem>>[vector<16xi32>], vector<16xi32>, vector<16xi1>
        }
        %scan3A_281 = arith.constant 2048 : i32
        %while3A_282 = arith.constant 15 : i32
        %while3A_283 = arith.constant 0 : i32
        %while3A_284 = arith.constant false
        %while3A_285:3 = scf.while (%while3A_346 = %while3A_282, %while3A_347 = %while3A_283, %while3A_348 = %while3A_284) : (i32, i32, i1) -> (i32, i32, i1) {
          %not3A = arith.constant true
          %not3A_349 = arith.xori %while3A_348, %not3A : i1
          %ge3A_350 = arith.constant 0 : i32
          %ge3A_351 = arith.cmpi sge, %while3A_346, %ge3A_350 : i32
          %and3A = arith.andi %not3A_349, %ge3A_351 : i1
          scf.condition(%and3A) %while3A_346, %while3A_347, %while3A_348 : i32, i32, i1
        } do {
        ^bb0(%while3A_346: i32, %while3A_347: i32, %while3A_348: i1):
          %mul3A_349 = arith.constant 16 : i32
          %mul3A_350 = arith.muli %while3A_346, %mul3A_349 : i32
          %get3A_351 = arith.index_cast %mul3A_350 : i32 to index
          %get3A_352 = tpu.vector_load %arg5[%get3A_351] {strides = array<i32>} : memref<4096xi32, #tpu.memory_space<vmem>>, vector<16xi32>,
          %reduce_sum3A_353 = arith.constant true
          %reduce_sum3A_354 = vector.broadcast %reduce_sum3A_353 : i1 to vector<16xi1>
          %reduce_sum3A_355 = tpu.scan <sum>, %get3A_352 masked %reduce_sum3A_354 : vector<16xi32>, vector<16xi1> -> vector<16xi32>
          %reduce_sum3A_356 = vector.extract %reduce_sum3A_355[15] : i32 from vector<16xi32>
          %add3A_357 = arith.addi %while3A_347, %reduce_sum3A_356 : i32
          %ge3A_358 = arith.cmpi sge, %add3A_357, %sub3A_242 : i32
          %sub3A_359 = arith.constant 1 : i32
          %sub3A_360 = arith.subi %while3A_346, %sub3A_359 : i32
          %jit3A_361 = arith.constant 0 : i32
          %select_n3A_362 = arith.select %ge3A_358, %jit3A_361, %reduce_sum3A_356 : i32
          %add3A_363 = arith.addi %while3A_347, %select_n3A_362 : i32
          %or3A = arith.ori %while3A_348, %ge3A_358 : i1
          scf.yield %sub3A_360, %add3A_363, %or3A : i32, i32, i1
        }
        %add3A_286 = arith.constant 1 : i32
        %add3A_287 = arith.addi %while3A_285#0, %add3A_286 : i32
        %sub3A_288 = arith.subi %sub3A_242, %while3A_285#1 : i32
        %iota3A_289 = tpu.iota {dimensions = array<i32: 0>} : vector<16xi32>
        %mul3A_290 = arith.constant 16 : i32
        %mul3A_291 = arith.muli %add3A_287, %mul3A_290 : i32
        %get3A_292 = arith.index_cast %mul3A_291 : i32 to index
        %get3A_293 = tpu.vector_load %arg5[%get3A_292] {strides = array<i32>} : memref<4096xi32, #tpu.memory_space<vmem>>, vector<16xi32>,
        %rev3A_294 = arith.constant 15 : i32
        %rev3A_295 = vector.broadcast %rev3A_294 : i32 to vector<16xi32>
        %rev3A_296 = tpu.iota {dimensions = array<i32: 0>} : vector<16xi32>
        %rev3A_297 = arith.subi %rev3A_295, %rev3A_296 : vector<16xi32>
        %rev3A_298 = tpu.dynamic_gather %get3A_293[%rev3A_297] in [0] : vector<16xi32>, vector<16xi32> -> vector<16xi32>
        %cumsum3A_299 = arith.constant true
        %cumsum3A_300 = vector.broadcast %cumsum3A_299 : i1 to vector<16xi1>
        %cumsum3A_301 = tpu.scan <sum>, %rev3A_298 masked %cumsum3A_300 : vector<16xi32>, vector<16xi1> -> vector<16xi32>
        %ge3A_302 = vector.broadcast %sub3A_288 : i32 to vector<16xi32>
        %ge3A_303 = arith.cmpi sge, %cumsum3A_301, %ge3A_302 : vector<16xi32>
        %convert_element_type3A_304 = arith.extui %ge3A_303 : vector<16xi1> to vector<16xi32>
        %reduce_sum3A_305 = arith.constant true
        %reduce_sum3A_306 = vector.broadcast %reduce_sum3A_305 : i1 to vector<16xi1>
        %reduce_sum3A_307 = tpu.scan <sum>, %convert_element_type3A_304 masked %reduce_sum3A_306 : vector<16xi32>, vector<16xi1> -> vector<16xi32>
        %reduce_sum3A_308 = vector.extract %reduce_sum3A_307[15] : i32 from vector<16xi32>
        %sub3A_309 = arith.constant 16 : i32
        %sub3A_310 = arith.subi %sub3A_309, %reduce_sum3A_308 : i32
        %eq3A_311 = vector.broadcast %sub3A_310 : i32 to vector<16xi32>
        %eq3A_312 = arith.cmpi eq, %iota3A_289, %eq3A_311 : vector<16xi32>
        %jit3A_313 = arith.constant 0 : i32
        %broadcast_in_dim3A_314 = vector.broadcast %jit3A_313 : i32 to vector<16xi32>
        %select_n3A_315 = arith.select %eq3A_312, %cumsum3A_301, %broadcast_in_dim3A_314 : vector<16xi1>, vector<16xi32>
        %reduce_sum3A_316 = arith.constant true
        %reduce_sum3A_317 = vector.broadcast %reduce_sum3A_316 : i1 to vector<16xi1>
        %reduce_sum3A_318 = tpu.scan <sum>, %select_n3A_315 masked %reduce_sum3A_317 : vector<16xi32>, vector<16xi1> -> vector<16xi32>
        %reduce_sum3A_319 = vector.extract %reduce_sum3A_318[15] : i32 from vector<16xi32>
        %jit3A_320 = arith.constant 0 : i32
        %broadcast_in_dim3A_321 = vector.broadcast %jit3A_320 : i32 to vector<16xi32>
        %select_n3A_322 = arith.select %eq3A_312, %rev3A_298, %broadcast_in_dim3A_321 : vector<16xi1>, vector<16xi32>
        %reduce_sum3A_323 = arith.constant true
        %reduce_sum3A_324 = vector.broadcast %reduce_sum3A_323 : i1 to vector<16xi1>
        %reduce_sum3A_325 = tpu.scan <sum>, %select_n3A_322 masked %reduce_sum3A_324 : vector<16xi32>, vector<16xi1> -> vector<16xi32>
        %reduce_sum3A_326 = vector.extract %reduce_sum3A_325[15] : i32 from vector<16xi32>
        %mul3A_327 = arith.constant 16 : i32
        %mul3A_328 = arith.muli %add3A_287, %mul3A_327 : i32
        %add3A_329 = arith.constant 15 : i32
        %add3A_330 = arith.addi %mul3A_328, %add3A_329 : i32
        %sub3A_331 = arith.subi %add3A_330, %sub3A_310 : i32
        %sub3A_332 = arith.subi %reduce_sum3A_319, %reduce_sum3A_326 : i32
        %sub3A_333 = arith.subi %sub3A_288, %sub3A_332 : i32
        %add3A_334 = arith.addi %add3A_249, %sub3A_331 : i32
        %sub3A_335 = arith.subi %reduce_sum3A_326, %sub3A_333 : i32
        %gt3A_336 = arith.constant 0 : i32
        %gt3A_337 = arith.cmpi sgt, %sub3A_335, %gt3A_336 : i32
        %convert_element_type3A_338 = arith.extui %gt3A_337 : i1 to i32
        %cond3A_339 = arith.constant 0 : i32
        %cond3A_340 = arith.cmpi ne, %convert_element_type3A_338, %cond3A_339 : i32
        scf.if %cond3A_340 {
          %scan3A_346 = arith.constant 0 : i32
          %scan3A_347 = arith.constant 2048 : i32
          %scan3A_348 = arith.addi %scan3A_346, %scan3A_347 : i32
          %scan3A_349 = arith.constant 1 : i32
          %scan3A_350 = scf.for %scan3A_352 = %scan3A_346 to %scan3A_348 step %scan3A_349 iter_args(%scan3A_353 = %sub3A_335) -> (i32)  : i32 {
            %sub3A_354 = arith.constant 2047 : i32
            %sub3A_355 = arith.subi %sub3A_354, %scan3A_352 : i32
            %mul3A_356 = arith.constant 16 : i32
            %mul3A_357 = arith.muli %sub3A_355, %mul3A_356 : i32
            %add3A_358 = arith.addi %mul3A_56, %mul3A_357 : i32
            %get3A_359 = arith.index_cast %add3A_358 : i32 to index
            %get3A_360 = tpu.vector_load %arg4[%get3A_359] {strides = array<i32>} : memref<65536xf32, #tpu.memory_space<vmem>>, vector<16xf32>,
            %bitcast3A = vector.bitcast %get3A_360 : vector<16xf32> to vector<16xi32>
            %shift_right_arithmetic3A_361 = arith.constant 31 : i32
            %shift_right_arithmetic3A_362 = vector.broadcast %shift_right_arithmetic3A_361 : i32 to vector<16xi32>
            %shift_right_arithmetic3A_363 = arith.shrsi %bitcast3A, %shift_right_arithmetic3A_362 : vector<16xi32>
            %and3A = arith.constant 2147483647 : i32
            %and3A_364 = vector.broadcast %and3A : i32 to vector<16xi32>
            %and3A_365 = arith.andi %and3A_364, %shift_right_arithmetic3A_363 : vector<16xi32>
            %xor3A = arith.xori %bitcast3A, %and3A_365 : vector<16xi32>
            %eq3A_366 = vector.broadcast %add3A_334 : i32 to vector<16xi32>
            %eq3A_367 = arith.cmpi eq, %xor3A, %eq3A_366 : vector<16xi32>
            %convert_element_type3A_368 = arith.extui %eq3A_367 : vector<16xi1> to vector<16xi32>
            %rev3A_369 = arith.constant 15 : i32
            %rev3A_370 = vector.broadcast %rev3A_369 : i32 to vector<16xi32>
            %rev3A_371 = tpu.iota {dimensions = array<i32: 0>} : vector<16xi32>
            %rev3A_372 = arith.subi %rev3A_370, %rev3A_371 : vector<16xi32>
            %rev3A_373 = tpu.dynamic_gather %convert_element_type3A_368[%rev3A_372] in [0] : vector<16xi32>, vector<16xi32> -> vector<16xi32>
            %cumsum3A_374 = arith.constant true
            %cumsum3A_375 = vector.broadcast %cumsum3A_374 : i1 to vector<16xi1>
            %cumsum3A_376 = tpu.scan <sum>, %rev3A_373 masked %cumsum3A_375 : vector<16xi32>, vector<16xi1> -> vector<16xi32>
            %le3A = vector.broadcast %scan3A_353 : i32 to vector<16xi32>
            %le3A_377 = arith.cmpi sle, %cumsum3A_376, %le3A : vector<16xi32>
            %convert_element_type3A_378 = arith.extui %le3A_377 : vector<16xi1> to vector<16xi32>
            %mul3A_379 = arith.muli %rev3A_373, %convert_element_type3A_378 : vector<16xi32>
            %rev3A_380 = arith.constant 15 : i32
            %rev3A_381 = vector.broadcast %rev3A_380 : i32 to vector<16xi32>
            %rev3A_382 = tpu.iota {dimensions = array<i32: 0>} : vector<16xi32>
            %rev3A_383 = arith.subi %rev3A_381, %rev3A_382 : vector<16xi32>
            %rev3A_384 = tpu.dynamic_gather %mul3A_379[%rev3A_383] in [0] : vector<16xi32>, vector<16xi32> -> vector<16xi32>
            %gt3A_385 = arith.constant 0 : i32
            %gt3A_386 = vector.broadcast %gt3A_385 : i32 to vector<16xi32>
            %gt3A_387 = arith.cmpi sgt, %rev3A_384, %gt3A_386 : vector<16xi32>
            %jit3A_388 = arith.constant 0.000000e+00 : f32
            %broadcast_in_dim3A_389 = vector.broadcast %jit3A_388 : f32 to vector<16xf32>
            %select_n3A_390 = arith.select %gt3A_387, %broadcast_in_dim3A_389, %get3A_360 : vector<16xi1>, vector<16xf32>
            %swap3A = arith.index_cast %add3A_358 : i32 to index
            %swap3A_391 = tpu.vector_load %arg4[%swap3A] {strides = array<i32>} : memref<65536xf32, #tpu.memory_space<vmem>>, vector<16xf32>,
            tpu.vector_store %arg4[%swap3A], %select_n3A_390 {strides = array<i32>} : memref<65536xf32, #tpu.memory_space<vmem>>, vector<16xf32>,
            %reduce_sum3A_392 = arith.constant true
            %reduce_sum3A_393 = vector.broadcast %reduce_sum3A_392 : i1 to vector<16xi1>
            %reduce_sum3A_394 = tpu.scan <sum>, %mul3A_379 masked %reduce_sum3A_393 : vector<16xi32>, vector<16xi1> -> vector<16xi32>
            %reduce_sum3A_395 = vector.extract %reduce_sum3A_394[15] : i32 from vector<16xi32>
            %sub3A_396 = arith.subi %scan3A_353, %reduce_sum3A_395 : i32
            scf.yield %sub3A_396 : i32
          }
          %scan3A_351 = arith.constant 2048 : i32
        } else {
        }
        %scan3A_341 = arith.constant 0 : i32
        %scan3A_342 = arith.constant 2048 : i32
        %scan3A_343 = arith.addi %scan3A_341, %scan3A_342 : i32
        %scan3A_344 = arith.constant 1 : i32
        scf.for %scan3A_346 = %scan3A_341 to %scan3A_343 step %scan3A_344  : i32 {
          %mul3A_347 = arith.constant 16 : i32
          %mul3A_348 = arith.muli %scan3A_346, %mul3A_347 : i32
          %add3A_349 = arith.constant 0 : i32
          %add3A_350 = arith.addi %add3A_349, %mul3A_348 : i32
          %add3A_351 = arith.addi %mul3A_56, %add3A_350 : i32
          %get3A_352 = arith.index_cast %add3A_351 : i32 to index
          %get3A_353 = tpu.vector_load %arg4[%get3A_352] {strides = array<i32>} : memref<65536xf32, #tpu.memory_space<vmem>>, vector<16xf32>,
          %bitcast3A = vector.bitcast %get3A_353 : vector<16xf32> to vector<16xi32>
          %shift_right_arithmetic3A_354 = arith.constant 31 : i32
          %shift_right_arithmetic3A_355 = vector.broadcast %shift_right_arithmetic3A_354 : i32 to vector<16xi32>
          %shift_right_arithmetic3A_356 = arith.shrsi %bitcast3A, %shift_right_arithmetic3A_355 : vector<16xi32>
          %and3A = arith.constant 2147483647 : i32
          %and3A_357 = vector.broadcast %and3A : i32 to vector<16xi32>
          %and3A_358 = arith.andi %and3A_357, %shift_right_arithmetic3A_356 : vector<16xi32>
          %xor3A = arith.xori %bitcast3A, %and3A_358 : vector<16xi32>
          %ge3A_359 = vector.broadcast %add3A_334 : i32 to vector<16xi32>
          %ge3A_360 = arith.cmpi sge, %xor3A, %ge3A_359 : vector<16xi32>
          %jit3A_361 = arith.constant 0.000000e+00 : f32
          %broadcast_in_dim3A_362 = vector.broadcast %jit3A_361 : f32 to vector<16xf32>
          %select_n3A_363 = arith.select %ge3A_360, %get3A_353, %broadcast_in_dim3A_362 : vector<16xi1>, vector<16xf32>
          %add3A_364 = arith.addi %mul3A_56, %add3A_350 : i32
          %swap3A = arith.index_cast %add3A_364 : i32 to index
          %swap3A_365 = tpu.vector_load %arg4[%swap3A] {strides = array<i32>} : memref<65536xf32, #tpu.memory_space<vmem>>, vector<16xf32>,
          tpu.vector_store %arg4[%swap3A], %select_n3A_363 {strides = array<i32>} : memref<65536xf32, #tpu.memory_space<vmem>>, vector<16xf32>,
        }
        %scan3A_345 = arith.constant 2048 : i32
      } else {
      }
      %eq3A_260 = arith.constant 0 : i32
      %eq3A_261 = arith.cmpi eq, %add3A_53, %eq3A_260 : i32
      %convert_element_type3A_262 = arith.extui %eq3A_261 : i1 to i32
      %cond3A_263 = arith.constant 0 : i32
      %cond3A_264 = arith.cmpi ne, %convert_element_type3A_262, %cond3A_263 : i32
      scf.if %cond3A_264 {
        %dma_start3A_270 = arith.constant 0 : i32
        %dma_start3A_271 = tpu.memref_slice %arg4[%dma_start3A_270] : memref<65536xf32, #tpu.memory_space<vmem>> -> memref<32768xf32, #tpu.memory_space<vmem>>
        %dma_start3A_272 = arith.constant 0 : i32
        %dma_start3A_273 = tpu.memref_slice %arg3[%mul3A_2, %dma_start3A_272] : memref<64x32768xf32, #tpu.memory_space<hbm>> -> memref<1x32768xf32, #tpu.memory_space<hbm>>
        %dma_start3A_274 = tpu.memref_squeeze %dma_start3A_273 : memref<1x32768xf32, #tpu.memory_space<hbm>> -> memref<32768xf32, #tpu.memory_space<hbm>>
        %dma_start3A_275 = arith.constant 0 : i32
        %dma_start3A_276 = tpu.memref_slice %arg3[%mul3A_2, %dma_start3A_275] : memref<64x32768xf32, #tpu.memory_space<hbm>> -> memref<1x32768xf32, #tpu.memory_space<hbm>>
        %dma_start3A_277 = tpu.memref_squeeze %dma_start3A_276 : memref<1x32768xf32, #tpu.memory_space<hbm>> -> memref<32768xf32, #tpu.memory_space<hbm>>
        %dma_start3A_278 = arith.constant 0 : i32
        %dma_start3A_279 = tpu.memref_slice %arg4[%dma_start3A_278] : memref<65536xf32, #tpu.memory_space<vmem>> -> memref<32768xf32, #tpu.memory_space<vmem>>
        tpu.enqueue_dma source(%dma_start3A_279 : memref<32768xf32, #tpu.memory_space<vmem>>) target(%dma_start3A_277 : memref<32768xf32, #tpu.memory_space<hbm>>) target_semaphore(%arg9 : memref<!tpu.dma_semaphore, #tpu.memory_space<semaphore_mem>>)
      } else {
      }
      %eq3A_265 = arith.constant 1 : i32
      %eq3A_266 = arith.cmpi eq, %add3A_53, %eq3A_265 : i32
      %convert_element_type3A_267 = arith.extui %eq3A_266 : i1 to i32
      %cond3A_268 = arith.constant 0 : i32
      %cond3A_269 = arith.cmpi ne, %convert_element_type3A_267, %cond3A_268 : i32
      scf.if %cond3A_269 {
        %dma_start3A_270 = arith.constant 32768 : i32
        %dma_start3A_271 = tpu.memref_slice %arg4[%dma_start3A_270] : memref<65536xf32, #tpu.memory_space<vmem>> -> memref<32768xf32, #tpu.memory_space<vmem>>
        %dma_start3A_272 = arith.constant 0 : i32
        %dma_start3A_273 = tpu.memref_slice %arg3[%add3A_6, %dma_start3A_272] : memref<64x32768xf32, #tpu.memory_space<hbm>> -> memref<1x32768xf32, #tpu.memory_space<hbm>>
        %dma_start3A_274 = tpu.memref_squeeze %dma_start3A_273 : memref<1x32768xf32, #tpu.memory_space<hbm>> -> memref<32768xf32, #tpu.memory_space<hbm>>
        %dma_start3A_275 = arith.constant 0 : i32
        %dma_start3A_276 = tpu.memref_slice %arg3[%add3A_6, %dma_start3A_275] : memref<64x32768xf32, #tpu.memory_space<hbm>> -> memref<1x32768xf32, #tpu.memory_space<hbm>>
        %dma_start3A_277 = tpu.memref_squeeze %dma_start3A_276 : memref<1x32768xf32, #tpu.memory_space<hbm>> -> memref<32768xf32, #tpu.memory_space<hbm>>
        %dma_start3A_278 = arith.constant 32768 : i32
        %dma_start3A_279 = tpu.memref_slice %arg4[%dma_start3A_278] : memref<65536xf32, #tpu.memory_space<vmem>> -> memref<32768xf32, #tpu.memory_space<vmem>>
        tpu.enqueue_dma source(%dma_start3A_279 : memref<32768xf32, #tpu.memory_space<vmem>>) target(%dma_start3A_277 : memref<32768xf32, #tpu.memory_space<hbm>>) target_semaphore(%arg10 : memref<!tpu.dma_semaphore, #tpu.memory_space<semaphore_mem>>)
      } else {
      }
    }
    %scan3A_29 = arith.constant 2 : i32
    %dma_wait3A = arith.constant 0 : i32
    %dma_wait3A_30 = tpu.memref_slice %arg4[%dma_wait3A] : memref<65536xf32, #tpu.memory_space<vmem>> -> memref<32768xf32, #tpu.memory_space<vmem>>
    %dma_wait3A_31 = arith.constant 0 : i32
    %dma_wait3A_32 = tpu.memref_slice %arg3[%mul3A_2, %dma_wait3A_31] : memref<64x32768xf32, #tpu.memory_space<hbm>> -> memref<1x32768xf32, #tpu.memory_space<hbm>>
    %dma_wait3A_33 = tpu.memref_squeeze %dma_wait3A_32 : memref<1x32768xf32, #tpu.memory_space<hbm>> -> memref<32768xf32, #tpu.memory_space<hbm>>
    %dma_wait3A_34 = arith.constant 0 : i32
    %dma_wait3A_35 = tpu.memref_slice %arg3[%mul3A_2, %dma_wait3A_34] : memref<64x32768xf32, #tpu.memory_space<hbm>> -> memref<1x32768xf32, #tpu.memory_space<hbm>>
    %dma_wait3A_36 = tpu.memref_squeeze %dma_wait3A_35 : memref<1x32768xf32, #tpu.memory_space<hbm>> -> memref<32768xf32, #tpu.memory_space<hbm>>
    %dma_wait3A_37 = arith.constant 0 : i32
    %dma_wait3A_38 = tpu.memref_slice %arg4[%dma_wait3A_37] : memref<65536xf32, #tpu.memory_space<vmem>> -> memref<32768xf32, #tpu.memory_space<vmem>>
    tpu.wait_dma2 semaphore(%arg9 : memref<!tpu.dma_semaphore, #tpu.memory_space<semaphore_mem>>) src(%dma_wait3A_38 : memref<32768xf32, #tpu.memory_space<vmem>>) dst(%dma_wait3A_36 : memref<32768xf32, #tpu.memory_space<hbm>>)
    %dma_wait3A_39 = arith.constant 32768 : i32
    %dma_wait3A_40 = tpu.memref_slice %arg4[%dma_wait3A_39] : memref<65536xf32, #tpu.memory_space<vmem>> -> memref<32768xf32, #tpu.memory_space<vmem>>
    %dma_wait3A_41 = arith.constant 0 : i32
    %dma_wait3A_42 = tpu.memref_slice %arg3[%add3A_6, %dma_wait3A_41] : memref<64x32768xf32, #tpu.memory_space<hbm>> -> memref<1x32768xf32, #tpu.memory_space<hbm>>
    %dma_wait3A_43 = tpu.memref_squeeze %dma_wait3A_42 : memref<1x32768xf32, #tpu.memory_space<hbm>> -> memref<32768xf32, #tpu.memory_space<hbm>>
    %dma_wait3A_44 = arith.constant 0 : i32
    %dma_wait3A_45 = tpu.memref_slice %arg3[%add3A_6, %dma_wait3A_44] : memref<64x32768xf32, #tpu.memory_space<hbm>> -> memref<1x32768xf32, #tpu.memory_space<hbm>>
    %dma_wait3A_46 = tpu.memref_squeeze %dma_wait3A_45 : memref<1x32768xf32, #tpu.memory_space<hbm>> -> memref<32768xf32, #tpu.memory_space<hbm>>
    %dma_wait3A_47 = arith.constant 32768 : i32
    %dma_wait3A_48 = tpu.memref_slice %arg4[%dma_wait3A_47] : memref<65536xf32, #tpu.memory_space<vmem>> -> memref<32768xf32, #tpu.memory_space<vmem>>
    tpu.wait_dma2 semaphore(%arg10 : memref<!tpu.dma_semaphore, #tpu.memory_space<semaphore_mem>>) src(%dma_wait3A_48 : memref<32768xf32, #tpu.memory_space<vmem>>) dst(%dma_wait3A_46 : memref<32768xf32, #tpu.memory_space<hbm>>)
    return
  }
}

</mosaic_0001>

<sc_bundles>
// kernel: kernel.3.cloned.1.call-start
scs
__scs_entry_jumppad:
0x0: {  	(pc) =	sbr.rel $0x88, $3  }
0x1: {  	(tag) =	ssettag $0x0;
	lr =	simm.s32 $0x1  }
0x2: {  	[smem:$0x3FA0] =	sst lr;
	_ =	strace $0xD0000000  }
0x3: {  	_ = 	snop  }
0x4: {  	_ = 	snop  }
0x5: {  	_ = 	snop  }
0x6: {  	_ = 	snop  }
0x7: {  	_ = 	snop  }
__scs_overlays_trampoline_lowered:
0x8: {  	[smem:$0x3FAF] =	sst s0  }
0x9: {  	[smem:$0x3FB0] =	sst s1  }
0xa: {  	[smem:$0x3FB1] =	sst s2  }
0xb: {  	[smem:$0x3FB2] =	sst s3  }
0xc: {  	[smem:$0x3FB3] =	sst s4  }
0xd: {  	[smem:$0x3FB4] =	sst s5  }
0xe: {  	[smem:$0x3FB5] =	sst s6  }
0xf: {  	[smem:$0x3FB6] =	sst s7  }
0x10: {  	[smem:$0x3FB7] =	sst s8  }
0x11: {  	[smem:$0x3FB8] =	sst s9;
	s0 =	simm.s32 @!p0 $0x0  }
0x12: {  	s1 =	sld [smem:$0x3F9E];
	s0 =	simm.s32 @p0 $0x1  }
0x13: {  	[smem:$0x3FB9] =	sst s0;
	s0 =	simm.s32 @!p1 $0x0  }
0x14: {  	s2 =	sld [smem:$0x3F9D];
	s0 =	simm.s32 @p1 $0x1  }
0x15: {  	[smem:$0x3FBA] =	sst s0;
	s0 =	simm.s32 @!p2 $0x0  }
0x16: {  	s3 =	sld [smem:$0x3FDB];
	s0 =	simm.s32 @p2 $0x1  }
0x17: {  	s4 =	simm.s32 $0x1BF5;
	[smem:$0x3FBC] =	sst s0  }
0x18: {  	s0 =	sld [smem:$0x3F9F];
	_ =	swait.ge [sflag:s4], $0x0  }
0x19: {  	s7 =	sld [smem:$0x3FA0]  }
0x1a: {  	s8 =	sadd.s32 $0xFFFFE003, lr  }
0x1b: {  	s9 =	sadd.s32 $0xFFFFFEF7, lr;
	s5 =	simm.s32 $0xFFFFFFFF;
	p2 =	slt.u32 s8, $0xFFFFF086  }
0x1c: {  	p1 =	slt.u32 s9, $0xF7A;
	s5 =	simm.s32 @!p2 $0x0  }
0x1d: {  	s5 =	simm.s32 @p1 $0x1;
	p0 =	seq.s32 s7, s2  }
0x1e: {  	s7 =	smul.u32 @!p0 $0xF7A, s2;
	p2 =	seq.s32 @!p0 s5, $0x0  }
0x1f: {  	s9 =	smul.u32 $0xF7A, s1;
	s8 =	simm.s32 @!p0 $0x1BF5;
	p2 =	por !p2, p0  }
0x20: {  	[sflag:s8] =	ssyncset.s32 @!p0 $0xFFFFF086;
	s6 =	sadd.s32 @!p0 s3, s7;
	s7 =	simm.s32 @!p0 $0x108  }
0x21: {  	s3 =	sadd.s32 s3, s9;
	s6 =	sadd.s32 @!p0 $0x88, s6;
	s7 =	simm.s32 @p2 $0x1082  }
0x22: {  	[simem:s7], [sflag:s8] =	dma.local @!p0 [hbm:s6], $0xF7A  }
0x23: {  	s9 =	sor.u32 $0xD0000000, s2;
	s6 =	simm.s32 $0x108;
	_ =	swait.ge @!p0 [sflag:s8], $0x0  }
0x24: {  	s3 =	sadd.s32 $0x88, s3;
	s6 =	simm.s32 @!p1 $0x1082;
	[sflag:s4] =	ssyncset.s32 $0xFFFFF086  }
0x25: {  	[simem:s6], [sflag:s4] =	dma.local [hbm:s3], $0xF7A  }
0x26: {  	[smem:$0x3FA0] =	sst s1;
	(tag) =	ssettag s2;
	_ =	strace s9  }
0x27: {  	s1 =	sld [smem:$0x3FB0]  }
0x28: {  	s2 =	sld [smem:$0x3FB1]  }
0x29: {  	s4 =	sld [smem:$0x3FB3]  }
0x2a: {  	p0 =	seq.s32 s5, $0x0;
	s5 =	sld [smem:$0x3FB4]  }
0x2b: {  	s6 =	sld [smem:$0x3FB5]  }
0x2c: {  	s7 =	sld [smem:$0x3FB6]  }
0x2d: {  	s3 =	simm.s32 $0x108;
	s8 =	sld [smem:$0x3FB7]  }
0x2e: {  	s3 =	simm.s32 @!p0 $0x1082;
	s9 =	sld [smem:$0x3FB8]  }
0x2f: {  	lr =	sadd.s32 s0, s3;
	s0 =	sld [smem:$0x3FAF]  }
0x30: {  	s3 =	sld [smem:$0x3FB2]  }
0x31: {  	[smem:$0x3FBB] =	sst s10  }
0x32: {  	s10 =	sld [smem:$0x3FB9];
	_ =	sdelay $0x3  }
0x33: {  	p0 =	seq.s32 s10, $0x1;
	s10 =	sld [smem:$0x3FBB];
	_ =	sdelay $0x3  }
0x34: {  	[smem:$0x3FBB] =	sst s10  }
0x35: {  	s10 =	sld [smem:$0x3FBA];
	_ =	sdelay $0x3  }
0x36: {  	p1 =	seq.s32 s10, $0x1;
	s10 =	sld [smem:$0x3FBB];
	_ =	sdelay $0x3  }
0x37: {  	[smem:$0x3FBB] =	sst s10  }
0x38: {  	s10 =	sld [smem:$0x3FBC]  }
0x39: {  	_ = 	snop;
	(pc) =	sbr.ind lr, $3  }
0x3a: {  	_ = 	snop  }
0x3b: {  	_ = 	snop  }
0x3c: {  	p2 =	seq.s32 s10, $0x1;
	s10 =	sld [smem:$0x3FBB]  }
0x3d: {  	_ =	shalt  }
0x3e: {  	_ =	shalt  }
0x3f: {  	_ =	shalt  }
0x40: {  	_ =	shalt  }
0x41: {  	_ =	shalt  }
0x42: {  	_ =	shalt  }
0x43: {  	_ =	shalt  }
0x44: {  	_ =	shalt  }
0x45: {  	_ =	shalt  }
0x46: {  	_ =	shalt  }
0x47: {  	_ =	shalt  }
0x48: {  	_ =	shalt  }
0x49: {  	_ =	shalt  }
0x4a: {  	_ =	shalt  }
0x4b: {  	_ =	shalt  }
0x4c: {  	_ =	shalt  }
0x4d: {  	_ =	shalt  }
0x4e: {  	_ =	shalt  }
0x4f: {  	_ =	shalt  }
0x50: {  	_ =	shalt  }
0x51: {  	_ =	shalt  }
0x52: {  	_ =	shalt  }
0x53: {  	_ =	shalt  }
0x54: {  	_ =	shalt  }
0x55: {  	_ =	shalt  }
0x56: {  	_ =	shalt  }
0x57: {  	_ =	shalt  }
0x58: {  	_ =	shalt  }
0x59: {  	_ =	shalt  }
0x5a: {  	_ =	shalt  }
0x5b: {  	_ =	shalt  }
0x5c: {  	_ =	shalt  }
0x5d: {  	_ =	shalt  }
0x5e: {  	_ =	shalt  }
0x5f: {  	_ =	shalt  }
0x60: {  	_ =	shalt  }
0x61: {  	_ =	shalt  }
0x62: {  	_ =	shalt  }
0x63: {  	_ =	shalt  }
0x64: {  	_ =	shalt  }
0x65: {  	_ =	shalt  }
0x66: {  	_ =	shalt  }
0x67: {  	_ =	shalt  }
0x68: {  	_ =	shalt  }
0x69: {  	_ =	shalt  }
0x6a: {  	_ =	shalt  }
0x6b: {  	_ =	shalt  }
0x6c: {  	_ =	shalt  }
0x6d: {  	_ =	shalt  }
0x6e: {  	_ =	shalt  }
0x6f: {  	_ =	shalt  }
0x70: {  	_ =	shalt  }
0x71: {  	_ =	shalt  }
0x72: {  	_ =	shalt  }
0x73: {  	_ =	shalt  }
0x74: {  	_ =	shalt  }
0x75: {  	_ =	shalt  }
0x76: {  	_ =	shalt  }
0x77: {  	_ =	shalt  }
0x78: {  	_ =	shalt  }
0x79: {  	_ =	shalt  }
0x7a: {  	_ =	shalt  }
0x7b: {  	_ =	shalt  }
0x7c: {  	_ =	shalt  }
0x7d: {  	_ =	shalt  }
0x7e: {  	_ =	shalt  }
0x7f: {  	_ =	shalt  }
0x80: {  	_ =	shalt  }
0x81: {  	_ =	shalt  }
0x82: {  	_ =	shalt  }
0x83: {  	_ =	shalt  }
0x84: {  	_ =	shalt  }
0x85: {  	_ =	shalt  }
0x86: {  	_ =	shalt  }
0x87: {  	_ =	shalt  }
.Lfunc_end0:
.L_simem_size_0:
called_computation_lowered:
.L_overlay_start_0:
0x88: {  	s2 =	sld [smem:$0x3FD9]  }
0x89: {  	s3 =	sld [smem:$0x3FFE];
	_ =	sdelay $0x1  }
0x8a: {  	s1 =	srdreg.scid  }
0x8b: {  	s0 =	sand.u32 $0x1, s1  }
0x8c: {  	s18 =	sshll.u32 s0, $0xA;
	s2 =	sadd.s32 s3, s2  }
0x8d: {  	s2 =	sadd.s32 s2, s18  }
0x8e: {  	[smem:$0x3FC7] =	sst s2  }
0x8f: {  	_ = 	snop  }
0x90: {  	s2 =	sld [smem:$0x3FC9]  }
0x91: {  	s19 =	sld [smem:$0x3FD0];
	(tm) =	ssettm $0x1  }
0x92: {  	s4 =	sld [smem:$0x3FFB];
	_ =	sdelay $0x3  }
0x93: {  	_ =	strace s4  }
0x94: {  	s4 =	sld [smem:$0x3FFC];
	_ =	sdelay $0x3  }
0x95: {  	_ =	strace s4  }
0x96: {  	s4 =	sld [smem:$0x3FFD];
	_ =	sdelay $0x3  }
0x97: {  	_ =	strace s4  }
0x98: {  	_ =	strace $0x8FFFFFFF  }
0x99: {  	s20 =	sld [smem:$0x3FDB];
	_ =	sdelay $0x1  }
0x9a: {  	s5 =	simm.s32 $_scs_section_size  }
0x9b: {  	s6 =	simm.s32 $_size__tile_overlayer_lowered;
	s7 =	simm.s32 $_tile_overlayer_lowered  }
0x9c: {  	s23 =	simm.s32 $0x1BFF;
	s22 =	sshll.u32 s7, $0x1;
	s4 =	sadd.s32 s5, s20  }
0x9d: {  	s8 =	simm.s32 $0x0;
	s21 =	sshll.u32 s6, $0x1;
	s6 =	sadd.s32 s22, s4  }
0x9e: {  	[timem:s8], [sflag:s23] =	dma.local [hbm:s6], s21  }
0x9f: {  	_ =	swait.ge [sflag:s23], s21  }
0xa0: {  	s5 =	ssub.s32 $0x0, s21;
	[sflag:s23] =	ssyncset.done $0x0  }
0xa1: {  	[sflag:s23] =	ssyncadd.s32 s5;
	_ =	sdelay $0x1  }
0xa2: {  	s24 =	simm.s32 $0x1B8B  }
0xa3: {  	_ =	swait.ge [sflag:s24], $0x1  }
0xa4: {  	[sflag:s24] =	ssyncset.done $0x0  }
0xa5: {  	s25 =	simm.s32 $0x1B8E;
	[sflag:s24] =	ssyncadd.s32 $0xFFFFFFFF  }
0xa6: {  	s26 =	simm.s32 $execute0_lowered;
	[smem:$0x3FD2] =	sst s25  }
0xa7: {  	s5 =	sshll.u32 s26, $0x1;
	_ =	strace $0x80000046;
	[dreg:$0x1] =	wrdreg $0xFFFFFFFF  }
0xa8: {  	s28 =	simm.s32 $_size_execute0_lowered;
	s4 =	sadd.s32 s4, s5;
	[dreg:$0x0] =	wrdreg $0x0  }
0xa9: {  	s5 =	sshll.u32 s28, $0x1;
	[dreg:$0x2] =	wrdreg s4  }
0xaa: {  	[dreg:$0x3] =	wrdreg s5  }
0xab: {  	[dreg:$0x4] =	wrdreg $0xC0  }
0xac: {  	_ =	task [dreg:s8], $0x5FFFF  }
0xad: {  	[dreg:$0x1] =	wrdreg $0xFFFFFFFF  }
0xae: {  	[dreg:$0x0] =	wrdreg $0x60  }
0xaf: {  	[dreg:$0x2] =	wrdreg s2  }
0xb0: {  	[dreg:$0x3] =	wrdreg s19  }
0xb1: {  	[dreg:$0x4] =	wrdreg $0x9  }
0xb2: {  	_ =	task.clear_ibuf [dreg:s8], $0x5FFFF;
	_ =	strace $0x90000046  }
0xb3: {  	s29 =	simm.s32 $0x9;
	_ =	strace $0x80000048  }
0xb4: {  	_ =	swait.ge [sflag:s29], $0x1  }
0xb5: {  	[sflag:s29] =	ssyncadd.s32 $0xFFFFFFFF  }
0xb6: {  	_ =	strace $0x90000048  }
0xb7: {  	_ =	sfence  }
0xb8: {  	s30 =	sld [smem:$0x0];
	_ =	sdelay $0x2  }
0xb9: {  	s31 =	sshll.u32 s1, $0xD;
	s1 =	sshrl.u32 s1, $0x2  }
0xba: {  	s3 =	sand.u32 $0x4000, s31;
	s1 =	sadd.s32 s1, s30  }
0xbb: {  	s0 =	sor.u32 s3, s0;
	s1 =	sshll.u32 s1, $0x11  }
0xbc: {  	s0 =	sor.u32 s1, s0  }
0xbd: {  	s0 =	sadd.s32 $0x8F2B, s0  }
0xbe: {  	[sflag:s0] =	ssyncadd.remote.s32 $0x1  }
0xbf: {  	_ =	sfence.sel $0xFFFF  }
0xc0: {  	[dreg:$0x0] =	wrdreg $0xFFFFFFFF;
	(pc) =	sbr.abs _section_cstart, $3  }
0xc1: {  	[dreg:$0x1] =	wrdreg $0xFFFFFFFF  }
0xc2: {  	_ =	task.clear_ibuf [dreg:s8], $0x2FFFF;
	_ =	strace $0x9FFFFFFF  }
0xc3: {  	(tm) =	ssettm $0x7FFFFFFF  }
tec
execute0_lowered:
.L_overlay_start_1:
0x0: {  	(tag) =	ssettag $0x1  }
0x1: {  	s0 =	srdreg.scid;
	s1 =	rddreg [dreg:$0x0]  }
0x2: {  	s5 =	stileid.u32;
	s4 =	rddreg [dreg:$0x1]  }
0x3: {  	s10 =	simm.s32 $0x80;
	s11 =	simm.s32 $0x400;
	s13 =	simm.s32 $0x10000  }
0x4: {  	s14 =	simm.s32 $0x11000;
	s15 =	simm.s32 $0x3;
	s16 =	simm.s32 $0x4  }
0x5: {  	s17 =	simm.s32 $0x5;
	s18 =	simm.s32 $0x0;
	s0 =	sand.u32 $0x1, s0  }
0x6: {  	s2 =	sshll.u32 s5, $0x2;
	s5 =	sshll.u32 s5, $0xE;
	s3 =	sshll.u32 s0, $0x1  }
0x7: {  	s0 =	ssub.s32 $0x2, s0;
	s29 =	sand.u32 $0x38000, s5;
	s2 =	sor.u32 s3, s2  }
0x8: {  	s3 =	simm.s32 $0x0;
	s7 =	sshrl.u32 s0, $0x1;
	s6 =	sshll.u32 s2, $0x4  }
.Ltmp0:
0x9: {  	[smem:$0x7FF] =	sst s3;
	s6 =	sor.u32 s5, s6;
	(pc) =	sbr.rel .LBB2_1-.Ltmp0, $4  }
0xa: {  	v0 =	vlaneseq.u32;
	s0 =	ssub.s32 s0, s7;
	_ =	strace $0x80000047;
	s8 =	sand.u32 $0x38060, s6  }
0xb: {  	v3 =	vmul.u32 $0xFFFFFFFF, v0;
	s9 =	smax.u32 s0, $0x1;
	s6 =	sadd.s32 s1, s29;
	s31 =	sadd.s32 s1, s8  }
0xc: {  	s30 =	sor.u32 $0x10, s8;
	s8 =	sadd.s32 s4, s8;
	[dreg:$0x3] =	wrdreg s31  }
0xd: {  	v1 =	vimm.s32 $0x0;
	v2 =	vimm.s32 $0x1;
	v3 =	vadd.s32 $0xF, v3;
	s5 =	sadd.s32 s1, s30;
	s7 =	sadd.s32 s4, s30;
	s1 =	simm.s32 $0x8000  }
.LBB2_39:
0xe: {  	s1 =	simm.s32 $0x8000;
	s18 =	sadd.s32 $0x1, s18  }
0xf: {  	[hbm4b:s7+s10] =	stream.strided.scatter [tilespmem:s1], [sflag:$0x4], $0x8000, s11, s10, $0x38;
	[tilespmem:$0x11100] =	vst v63  }
0x10: {  	p0 =	sne.s32 s18, s9;
	_ =	swait.ge [sflag:s15], $0x8000  }
.Ltmp1:
0x11: {  	[sflag:s15] =	ssyncset.done $0x0;
	(pc) =	sbr.rel @!p0 .LBB2_40-.Ltmp1, $4  }
0x12: {  	[sflag:s15] =	ssyncadd.s32 $0xFFFF8000  }
0x13: {  	_ =	swait.ge [sflag:s16], $0x8000  }
0x14: {  	[sflag:s16] =	ssyncset.done $0x0  }
0x15: {  	[sflag:s16] =	ssyncadd.s32 $0xFFFF8000  }
.LBB2_1:
0x16: {  	s0 =	rddreg [dreg:$0x3]  }
0x17: {  	[tilespmem:s3], [sflag:$0x1] =	stream.strided.gather [hbm4b:s0+s10], $0x8000, s11, s10, $0x38;
	[tilespmem:$0x11100] =	vst v63  }
0x18: {  	p0 =	por $0x1, $0x1;
	s0 =	simm.s32 $0x0  }
0x19: {  	[tilespmem:s1], [sflag:$0x2] =	stream.strided.gather [hbm4b:s5+s10], $0x8000, s11, s10, $0x38;
	[tilespmem:$0x11100] =	vst v63  }
.LBB2_2:
0x1a: {  	s1 =	simm.s32 $0x1  }
0x1b: {  	s1 =	simm.s32 @!p0 $0x2  }
0x1c: {  	_ =	swait.ge [sflag:s1], $0x8000  }
0x1d: {  	[sflag:s1] =	ssyncset.done $0x0  }
0x1e: {  	[sflag:s1] =	ssyncadd.s32 $0xFFFF8000;
	s1 =	simm.s32 $0x10020  }
0x1f: {  	[tilespmem:s1+$0xFFFFFFE0] =	vst v1  }
0x20: {  	[tilespmem:s1+$0x10] =	vst v1  }
0x21: {  	s22 =	sor.u32 s2, s0;
	s19 =	sshll.u32 s0, $0xF;
	s4 =	simm.s32 $0x0;
	[tilespmem:s1+$0x0] =	vst v1  }
.LBB2_3:
0x22: {  	s4 =	sadd.s32 $0x40, s4  }
0x23: {  	[tilespmem:s1+$0xFFFFFFF0] =	vst v1;
	s1 =	sadd.s32 $0x40, s1;
	p1 =	slt.u32 s4, $0xFC0  }
.Ltmp2:
0x24: {  	[tilespmem:s1+$0xFFFFFFE0] =	vst v1;
	(pc) =	sbr.rel @p1 .LBB2_3-.Ltmp2, $3  }
0x25: {  	_ =	sdelay $0x1  }
0x26: {  	[tilespmem:s1+$0x10] =	vst v1  }
0x27: {  	[tilespmem:s1+$0x0] =	vst v1  }
0x28: {  	s0 =	sshll.u32 s0, $0x11  }
0x29: {  	s0 =	sshra.s32 s0, $0x2  }
0x2a: {  	[tilespmem:s1+$0xFFFFFFF0] =	vst v1;
	s20 =	sor.u32 $0x40, s0  }
0x2b: {  	v4 =	vld [tilespmem:s20+$0xFFFFFFC0];
	_ =	sdelay $0x4  }
0x2c: {  	v5 =	vshra.s32 v4, $0x1F  }
0x2d: {  	v5 =	vand.u32 $0x7FFFFFFF, v5  }
0x2e: {  	v22 =	vxor.u32 v4, v5  }
0x2f: {  	v4 =	vshra.s32 v22, $0x14  }
0x30: {  	v4 =	vadd.s32 $0x800, v4;
	_ =	sdelay $0x4  }
0x31: {  	[tilespmem:v4+s13+$0x0] =	vst.idx.add.s32.msk $0xffff, v2  }
0x32: {  	v4 =	vld [tilespmem:s20+$0xFFFFFFD0];
	_ =	sdelay $0x2  }
0x33: {  	s0 =	sadd.s32 $0x80, s20  }
0x34: {  	v5 =	vld [tilespmem:s0+$0xFFFFFFC0]  }
0x35: {  	v6 =	vshra.s32 v4, $0x1F  }
0x36: {  	v6 =	vand.u32 $0x7FFFFFFF, v6  }
0x37: {  	v24 =	vxor.u32 v4, v6  }
0x38: {  	v4 =	vshra.s32 v24, $0x14  }
0x39: {  	v6 =	vshra.s32 v5, $0x1F;
	v4 =	vadd.s32 $0x800, v4  }
0x3a: {  	v6 =	vand.u32 $0x7FFFFFFF, v6  }
0x3b: {  	v14 =	vxor.u32 v5, v6  }
0x3c: {  	v5 =	vshra.s32 v14, $0x14  }
0x3d: {  	v5 =	vadd.s32 $0x800, v5  }
0x3e: {  	[tilespmem:v4+s13+$0x0] =	vst.idx.add.s32.msk $0xffff, v2  }
0x3f: {  	v4 =	vld [tilespmem:s20+$0xFFFFFFE0];
	_ =	sdelay $0x2  }
0x40: {  	[tilespmem:v5+s13+$0x0] =	vst.idx.add.s32.msk $0xffff, v2  }
0x41: {  	v5 =	vld [tilespmem:s0+$0xFFFFFFD0]  }
0x42: {  	v6 =	vshra.s32 v4, $0x1F  }
0x43: {  	v6 =	vand.u32 $0x7FFFFFFF, v6  }
0x44: {  	s23 =	sadd.s32 $0x80, s0;
	v25 =	vxor.u32 v4, v6  }
0x45: {  	v4 =	vld [tilespmem:s23+$0xFFFFFFC0];
	v6 =	vshra.s32 v25, $0x14  }
0x46: {  	v7 =	vshra.s32 v5, $0x1F;
	v6 =	vadd.s32 $0x800, v6  }
0x47: {  	v7 =	vand.u32 $0x7FFFFFFF, v7  }
0x48: {  	v19 =	vxor.u32 v5, v7  }
0x49: {  	v5 =	vshra.s32 v19, $0x14  }
0x4a: {  	v5 =	vadd.s32 $0x800, v5;
	v7 =	vshra.s32 v4, $0x1F  }
0x4b: {  	v7 =	vand.u32 $0x7FFFFFFF, v7;
	[tilespmem:v6+s13+$0x0] =	vst.idx.add.s32.msk $0xffff, v2  }
0x4c: {  	v9 =	vxor.u32 v4, v7;
	v4 =	vld [tilespmem:s20+$0xFFFFFFF0]  }
0x4d: {  	v6 =	vshra.s32 v9, $0x14  }
0x4e: {  	v6 =	vadd.s32 $0x800, v6  }
0x4f: {  	[tilespmem:v5+s13+$0x0] =	vst.idx.add.s32.msk $0xffff, v2  }
0x50: {  	v5 =	vld [tilespmem:s0+$0xFFFFFFE0]  }
0x51: {  	v7 =	vshra.s32 v4, $0x1F  }
0x52: {  	v7 =	vand.u32 $0x7FFFFFFF, v7  }
0x53: {  	[tilespmem:v6+s13+$0x0] =	vst.idx.add.s32.msk $0xffff, v2;
	v27 =	vxor.u32 v4, v7  }
0x54: {  	v4 =	vld [tilespmem:s23+$0xFFFFFFD0];
	v6 =	vshra.s32 v27, $0x14  }
0x55: {  	v7 =	vshra.s32 v5, $0x1F;
	v6 =	vadd.s32 $0x800, v6  }
0x56: {  	v7 =	vand.u32 $0x7FFFFFFF, v7  }
0x57: {  	s24 =	sadd.s32 $0x80, s23;
	v15 =	vxor.u32 v5, v7  }
0x58: {  	v5 =	vld [tilespmem:s24+$0xFFFFFFC0];
	v7 =	vshra.s32 v15, $0x14  }
0x59: {  	v7 =	vadd.s32 $0x800, v7;
	v8 =	vshra.s32 v4, $0x1F  }
0x5a: {  	v8 =	vand.u32 $0x7FFFFFFF, v8;
	[tilespmem:v6+s13+$0x0] =	vst.idx.add.s32.msk $0xffff, v2  }
0x5b: {  	v11 =	vxor.u32 v4, v8;
	v4 =	vld [tilespmem:s20+$0x0]  }
0x5c: {  	v6 =	vshra.s32 v11, $0x14  }
0x5d: {  	v8 =	vshra.s32 v5, $0x1F;
	v6 =	vadd.s32 $0x800, v6  }
0x5e: {  	v8 =	vand.u32 $0x7FFFFFFF, v8;
	[tilespmem:v7+s13+$0x0] =	vst.idx.add.s32.msk $0xffff, v2  }
0x5f: {  	v7 =	vxor.u32 v5, v8;
	v5 =	vld [tilespmem:s0+$0xFFFFFFF0]  }
0x60: {  	v8 =	vshra.s32 v7, $0x14;
	v10 =	vshra.s32 v4, $0x1F  }
0x61: {  	v8 =	vadd.s32 $0x800, v8;
	v10 =	vand.u32 $0x7FFFFFFF, v10  }
0x62: {  	[tilespmem:v6+s13+$0x0] =	vst.idx.add.s32.msk $0xffff, v2;
	v32 =	vxor.u32 v4, v10  }
0x63: {  	v4 =	vld [tilespmem:s23+$0xFFFFFFE0];
	v6 =	vshra.s32 v32, $0x14  }
0x64: {  	s25 =	sadd.s32 $0x80, s24;
	v10 =	vshra.s32 v5, $0x1F;
	v6 =	vadd.s32 $0x800, v6  }
0x65: {  	v12 =	vld [tilespmem:s25+$0xFFFFFFC0];
	v10 =	vand.u32 $0x7FFFFFFF, v10  }
0x66: {  	[tilespmem:v8+s13+$0x0] =	vst.idx.add.s32.msk $0xffff, v2;
	v18 =	vxor.u32 v5, v10  }
0x67: {  	v5 =	vld [tilespmem:s24+$0xFFFFFFD0];
	v8 =	vshra.s32 v18, $0x14  }
0x68: {  	v8 =	vadd.s32 $0x800, v8;
	v10 =	vshra.s32 v4, $0x1F  }
0x69: {  	v10 =	vand.u32 $0x7FFFFFFF, v10;
	[tilespmem:v6+s13+$0x0] =	vst.idx.add.s32.msk $0xffff, v2  }
0x6a: {  	v6 =	vshra.s32 v12, $0x1F;
	v13 =	vxor.u32 v4, v10;
	v10 =	vld [tilespmem:s20+$0x10]  }
0x6b: {  	v4 =	vand.u32 $0x7FFFFFFF, v6;
	v6 =	vshra.s32 v13, $0x14  }
0x6c: {  	v4 =	vxor.u32 v12, v4;
	v12 =	vshra.s32 v5, $0x1F;
	v6 =	vadd.s32 $0x800, v6  }
0x6d: {  	[tilespmem:v8+s13+$0x0] =	vst.idx.add.s32.msk $0xffff, v2;
	v16 =	vshra.s32 v4, $0x14;
	v12 =	vand.u32 $0x7FFFFFFF, v12  }
0x6e: {  	v16 =	vadd.s32 $0x800, v16;
	v8 =	vxor.u32 v5, v12;
	v5 =	vld [tilespmem:s0+$0x0]  }
0x6f: {  	s26 =	sadd.s32 $0x80, s25;
	v12 =	vshra.s32 v8, $0x14;
	v20 =	vshra.s32 v10, $0x1F  }
0x70: {  	v21 =	vld [tilespmem:s26+$0xFFFFFFC0];
	v12 =	vadd.s32 $0x800, v12;
	v20 =	vand.u32 $0x7FFFFFFF, v20  }
0x71: {  	[tilespmem:v6+s13+$0x0] =	vst.idx.add.s32.msk $0xffff, v2;
	v33 =	vxor.u32 v10, v20  }
0x72: {  	v10 =	vld [tilespmem:s23+$0xFFFFFFF0];
	v6 =	vshra.s32 v33, $0x14  }
0x73: {  	[tilespmem:v16+s13+$0x0] =	vst.idx.add.s32.msk $0xffff, v2;
	v16 =	vshra.s32 v5, $0x1F;
	v23 =	vadd.s32 $0x800, v6  }
0x74: {  	v26 =	vld [tilespmem:s25+$0xFFFFFFD0];
	v6 =	vand.u32 $0x7FFFFFFF, v16  }
0x75: {  	[tilespmem:v12+s13+$0x0] =	vst.idx.add.s32.msk $0xffff, v2;
	v20 =	vxor.u32 v5, v6  }
0x76: {  	v5 =	vshra.s32 v21, $0x1F;
	v12 =	vld [tilespmem:s24+$0xFFFFFFE0];
	v6 =	vshra.s32 v20, $0x14  }
0x77: {  	v5 =	vand.u32 $0x7FFFFFFF, v5;
	v16 =	vshra.s32 v10, $0x1F;
	v28 =	vadd.s32 $0x800, v6  }
0x78: {  	v6 =	vxor.u32 v21, v5;
	v5 =	vand.u32 $0x7FFFFFFF, v16;
	[tilespmem:v23+s13+$0x0] =	vst.idx.add.s32.msk $0xffff, v2  }
0x79: {  	v21 =	vshra.s32 v6, $0x14;
	v16 =	vxor.u32 v10, v5;
	v5 =	vld [tilespmem:s20+$0x20]  }
0x7a: {  	s28 =	sadd.s32 $0x80, s26;
	v21 =	vadd.s32 $0x800, v21;
	v10 =	vshra.s32 v26, $0x1F;
	v23 =	vshra.s32 v16, $0x14  }
0x7b: {  	v30 =	vld [tilespmem:s28+$0xFFFFFFC0];
	v10 =	vand.u32 $0x7FFFFFFF, v10;
	v29 =	vshra.s32 v12, $0x1F;
	v23 =	vadd.s32 $0x800, v23  }
0x7c: {  	v10 =	vxor.u32 v26, v10;
	v26 =	vand.u32 $0x7FFFFFFF, v29;
	[tilespmem:v28+s13+$0x0] =	vst.idx.add.s32.msk $0xffff, v2  }
0x7d: {  	v28 =	vshra.s32 v10, $0x14;
	v12 =	vxor.u32 v12, v26;
	v26 =	vld [tilespmem:s0+$0x10]  }
0x7e: {  	v28 =	vadd.s32 $0x800, v28;
	v29 =	vshra.s32 v12, $0x14;
	v31 =	vshra.s32 v5, $0x1F  }
0x7f: {  	v17 =	vimm.s32 $0x80000000;
	[tilespmem:v21+s13+$0x0] =	vst.idx.add.s32.msk $0xffff, v2;
	v29 =	vadd.s32 $0x800, v29;
	v21 =	vand.u32 $0x7FFFFFFF, v31  }
0x80: {  	vm0 =	vgt.s32 v17, v22;
	v31 =	vshra.s32 v30, $0x1F;
	[tilespmem:v23+s13+$0x0] =	vst.idx.add.s32.msk $0xffff, v2;
	v21 =	vxor.u32 v5, v21  }
0x81: {  	v17 =	vsel vm0, v17, v22;
	v5 =	vand.u32 $0x7FFFFFFF, v31;
	v31 =	vld [tilespmem:s23+$0x0];
	v23 =	vshra.s32 v21, $0x14  }
0x82: {  	vm0 =	vgt.s32 v17, v24;
	v34 =	vld [tilespmem:s26+$0xFFFFFFD0];
	v35 =	vshra.s32 v26, $0x1F;
	v36 =	vadd.s32 $0x800, v23  }
0x83: {  	v17 =	vsel vm0, v17, v24;
	v5 =	vxor.u32 v30, v5;
	[tilespmem:v28+s13+$0x0] =	vst.idx.add.s32.msk $0xffff, v2;
	v23 =	vand.u32 $0x7FFFFFFF, v35  }
0x84: {  	vm0 =	vgt.s32 v17, v25;
	v22 =	vshra.s32 v5, $0x14;
	[tilespmem:v29+s13+$0x0] =	vst.idx.add.s32.msk $0xffff, v2;
	v23 =	vxor.u32 v26, v23  }
0x85: {  	v25 =	vsel vm0, v17, v25;
	v26 =	vadd.s32 $0x800, v22;
	v63 =	vld [tilespmem:s24+$0xFFFFFFF0];
	v22 =	vshra.s32 v23, $0x14  }
0x86: {  	vm0 =	vgt.s32 v25, v27;
	v28 =	vld [tilespmem:s25+$0xFFFFFFE0];
	v24 =	vshra.s32 v31, $0x1F;
	v37 =	vadd.s32 $0x800, v22  }
0x87: {  	v25 =	vsel vm0, v25, v27;
	v22 =	vshra.s32 v34, $0x1F;
	v24 =	vand.u32 $0x7FFFFFFF, v24;
	[tilespmem:v36+s13+$0x0] =	vst.idx.add.s32.msk $0xffff, v2  }
0x88: {  	vm0 =	vgt.s32 v25, v32;
	v17 =	vand.u32 $0x7FFFFFFF, v22;
	v22 =	vxor.u32 v31, v24;
	v29 =	vld [tilespmem:s20+$0x30]  }
0x89: {  	v32 =	vsel vm0, v25, v32;
	v24 =	vshra.s32 v22, $0x14  }
0x8a: {  	vm0 =	vgt.s32 v32, v33;
	v27 =	vshra.s32 v63, $0x1F;
	v31 =	vadd.s32 $0x800, v24  }
0x8b: {  	s12 =	simm.s32 $0x300;
	v32 =	vsel vm0, v32, v33;
	v24 =	vand.u32 $0x7FFFFFFF, v27;
	[tilespmem:v37+s13+$0x0] =	vst.idx.add.s32.msk $0xffff, v2  }
0x8c: {  	s1 =	smov.u32 s0;
	s31 =	smov.u32 s23;
	s21 =	smov.u32 s24;
	v17 =	vxor.u32 v34, v17;
	v25 =	vshra.s32 v28, $0x1F;
	v24 =	vxor.u32 v63, v24;
	v27 =	vld [tilespmem:s0+$0x20]  }
0x8d: {  	s30 =	smov.u32 s25;
	s29 =	smov.u32 s26;
	s4 =	sadd.s32 $0x80, s28;
	v30 =	vshra.s32 v17, $0x14;
	v34 =	vshra.s32 v24, $0x14;
	v33 =	vshra.s32 v29, $0x1F  }
.LBB2_5:
0x8e: {  	v35 =	vld [tilespmem:s4+$0xFFFFFFC0];
	v34 =	vadd.s32 $0x800, v34;
	vm0 =	vgt.s32 v32, v21;
	v33 =	vand.u32 $0x7FFFFFFF, v33;
	v36 =	vmovc v8;
	v8 =	vmovc v10  }
0x8f: {  	v37 =	vand.u32 $0x7FFFFFFF, v25;
	[tilespmem:v31+s13+$0x0] =	vst.idx.add.s32.msk $0xffff, v2;
	v21 =	vsel vm0, v32, v21;
	v25 =	vxor.u32 v29, v33  }
0x90: {  	v10 =	vmovc v17;
	v29 =	vadd.s32 $0x800, v30;
	v30 =	vxor.u32 v28, v37;
	v31 =	vmovc v18;
	v28 =	vld [tilespmem:s31+$0x10];
	vm0 =	vgt.s32 v21, v25  }
0x91: {  	v18 =	vmovc v16;
	v16 =	vmovc v24;
	v17 =	vshra.s32 v30, $0x14;
	v32 =	vshra.s32 v27, $0x1F;
	v33 =	vsel vm0, v21, v25  }
0x92: {  	v24 =	vshra.s32 v25, $0x14;
	v17 =	vadd.s32 $0x800, v17;
	[tilespmem:v26+s13+$0x0] =	vst.idx.add.s32.msk $0xffff, v2;
	v21 =	vand.u32 $0x7FFFFFFF, v32  }
0x93: {  	v24 =	vadd.s32 $0x800, v24;
	v25 =	vshra.s32 v35, $0x1F;
	[tilespmem:v34+s13+$0x0] =	vst.idx.add.s32.msk $0xffff, v2;
	v21 =	vxor.u32 v27, v21  }
0x94: {  	v25 =	vand.u32 $0x7FFFFFFF, v25;
	v27 =	vld [tilespmem:s21+$0x0];
	v26 =	vshra.s32 v21, $0x14  }
0x95: {  	vm0 =	vgt.s32 v33, v14;
	v32 =	vld [tilespmem:s28+$0xFFFFFFD0];
	v34 =	vshra.s32 v28, $0x1F;
	v37 =	vadd.s32 $0x800, v26  }
0x96: {  	v25 =	vxor.u32 v35, v25;
	[tilespmem:v29+s13+$0x0] =	vst.idx.add.s32.msk $0xffff, v2;
	v26 =	vand.u32 $0x7FFFFFFF, v34;
	v34 =	vsel vm0, v33, v14  }
0x97: {  	v29 =	vshra.s32 v25, $0x14;
	[tilespmem:v17+s13+$0x0] =	vst.idx.add.s32.msk $0xffff, v2;
	v35 =	vxor.u32 v28, v26;
	vm0 =	vgt.s32 v34, v19  }
0x98: {  	v14 =	vmovc v9;
	v9 =	vmovc v7;
	v26 =	vadd.s32 $0x800, v29;
	v33 =	vld [tilespmem:s30+$0xFFFFFFF0];
	v17 =	vshra.s32 v35, $0x14;
	v19 =	vsel vm0, v34, v19  }
0x99: {  	s12 =	sadd.s32 $0x80, s12;
	v7 =	vmovc v4;
	v4 =	vmovc v6;
	v28 =	vld [tilespmem:s29+$0xFFFFFFE0];
	v29 =	vshra.s32 v27, $0x1F;
	v34 =	vadd.s32 $0x800, v17;
	vm0 =	vgt.s32 v19, v15  }
0x9a: {  	p1 =	slt.u32 s12, $0x7F80;
	v6 =	vshra.s32 v32, $0x1F;
	v17 =	vand.u32 $0x7FFFFFFF, v29;
	v19 =	vsel vm0, v19, v15;
	[tilespmem:v37+s13+$0x0] =	vst.idx.add.s32.msk $0xffff, v2;
	v15 =	vmovc v13  }
0x9b: {  	v13 =	vmovc v12;
	v12 =	vmovc v30;
	v38 =	vand.u32 $0x7FFFFFFF, v6;
	v37 =	vxor.u32 v27, v17;
	vm0 =	vgt.s32 v19, v31;
	v29 =	vld [tilespmem:s1+$0x30];
	s1 =	smov.u32 s31;
	s31 =	smov.u32 s21;
	s21 =	smov.u32 s30  }
.Ltmp3:
0x9c: {  	s30 =	smov.u32 s29;
	s29 =	smov.u32 s28;
	v17 =	vxor.u32 v32, v38;
	v27 =	vshra.s32 v37, $0x14;
	v19 =	vsel vm0, v19, v31;
	[tilespmem:v24+s13+$0x0] =	vst.idx.add.s32.msk $0xffff, v2;
	(pc) =	sbr.rel @p1 .LBB2_5-.Ltmp3, $4  }
0x9d: {  	s28 =	smov.u32 s4;
	v24 =	vshra.s32 v33, $0x1F;
	v31 =	vadd.s32 $0x800, v27;
	vm0 =	vgt.s32 v19, v20;
	v6 =	vmovc v5;
	v5 =	vmovc v25  }
0x9e: {  	v30 =	vshra.s32 v17, $0x14;
	v24 =	vand.u32 $0x7FFFFFFF, v24;
	[tilespmem:v34+s13+$0x0] =	vst.idx.add.s32.msk $0xffff, v2;
	v32 =	vsel vm0, v19, v20;
	v20 =	vmovc v22  }
0x9f: {  	v25 =	vshra.s32 v28, $0x1F;
	v22 =	vmovc v37;
	v24 =	vxor.u32 v33, v24;
	v27 =	vld [tilespmem:s1+$0x20];
	vm0 =	vgt.s32 v32, v23;
	v19 =	vmovc v11  }
0xa0: {  	s4 =	sadd.s32 $0x80, s4;
	v11 =	vmovc v36;
	v34 =	vshra.s32 v24, $0x14;
	v32 =	vsel vm0, v32, v23;
	v33 =	vshra.s32 v29, $0x1F;
	v23 =	vmovc v35  }
0xa1: {  	_ = 	snop  }
0xa2: {  	v34 =	vadd.s32 $0x800, v34  }
0xa3: {  	v30 =	vadd.s32 $0x800, v30  }
0xa4: {  	v25 =	vand.u32 $0x7FFFFFFF, v25  }
0xa5: {  	[tilespmem:v31+s13+$0x0] =	vst.idx.add.s32.msk $0xffff, v2;
	vm0 =	vgt.s32 v32, v21;
	v33 =	vand.u32 $0x7FFFFFFF, v33;
	v25 =	vxor.u32 v28, v25  }
0xa6: {  	v31 =	vld [tilespmem:s31+$0x10];
	v32 =	vsel vm0, v32, v21;
	v21 =	vxor.u32 v29, v33;
	v28 =	vshra.s32 v25, $0x14  }
0xa7: {  	vm0 =	vgt.s32 v32, v21;
	v28 =	vadd.s32 $0x800, v28;
	[tilespmem:v34+s13+$0x0] =	vst.idx.add.s32.msk $0xffff, v2  }
0xa8: {  	v38 =	vshra.s32 v27, $0x1F;
	v32 =	vsel vm0, v32, v21;
	[tilespmem:v30+s13+$0x0] =	vst.idx.add.s32.msk $0xffff, v2  }
0xa9: {  	v29 =	vand.u32 $0x7FFFFFFF, v38;
	vm0 =	vgt.s32 v32, v14;
	v39 =	vld [tilespmem:s21+$0x0]  }
0xaa: {  	v40 =	vxor.u32 v27, v29;
	v14 =	vsel vm0, v32, v14;
	v45 =	vld [tilespmem:s29+$0xFFFFFFE0]  }
0xab: {  	v41 =	vshra.s32 v31, $0x1F;
	v43 =	vshra.s32 v40, $0x14;
	vm0 =	vgt.s32 v14, v19  }
0xac: {  	v44 =	vadd.s32 $0x800, v43;
	v14 =	vsel vm0, v14, v19;
	[tilespmem:v28+s13+$0x0] =	vst.idx.add.s32.msk $0xffff, v2;
	v28 =	vand.u32 $0x7FFFFFFF, v41  }
0xad: {  	vm0 =	vgt.s32 v14, v15;
	v42 =	vld [tilespmem:s30+$0xFFFFFFF0];
	v28 =	vxor.u32 v31, v28  }
0xae: {  	v14 =	vsel vm0, v14, v15;
	v46 =	vshra.s32 v28, $0x14;
	v47 =	vshra.s32 v39, $0x1F  }
0xaf: {  	[tilespmem:v26+s13+$0x0] =	vst.idx.add.s32.msk $0xffff, v2;
	vm0 =	vgt.s32 v14, v18;
	v52 =	vshra.s32 v45, $0x1F;
	v19 =	vand.u32 $0x7FFFFFFF, v47  }
0xb0: {  	v48 =	vld [tilespmem:s28+$0xFFFFFFD0];
	v49 =	vadd.s32 $0x800, v46;
	v54 =	vand.u32 $0x7FFFFFFF, v52;
	v26 =	vxor.u32 v39, v19  }
0xb1: {  	v14 =	vsel vm0, v14, v18;
	[tilespmem:v44+s13+$0x0] =	vst.idx.add.s32.msk $0xffff, v2;
	v18 =	vxor.u32 v45, v54;
	v19 =	vshra.s32 v26, $0x14  }
0xb2: {  	v53 =	vld [tilespmem:s1+$0x30];
	v50 =	vshra.s32 v42, $0x1F;
	v59 =	vshra.s32 v18, $0x14;
	v51 =	vadd.s32 $0x800, v19  }
0xb3: {  	v15 =	vand.u32 $0x7FFFFFFF, v50;
	v60 =	vadd.s32 $0x800, v59  }
0xb4: {  	vm0 =	vgt.s32 v14, v20;
	v19 =	vxor.u32 v42, v15  }
0xb5: {  	v14 =	vsel vm0, v14, v20;
	[tilespmem:v49+s13+$0x0] =	vst.idx.add.s32.msk $0xffff, v2;
	v15 =	vshra.s32 v19, $0x14  }
0xb6: {  	v55 =	vshra.s32 v48, $0x1F;
	vm0 =	vgt.s32 v14, v23;
	v58 =	vld [tilespmem:s31+$0x20];
	v56 =	vadd.s32 $0x800, v15  }
0xb7: {  	v57 =	vand.u32 $0x7FFFFFFF, v55;
	v14 =	vsel vm0, v14, v23;
	v61 =	vshra.s32 v53, $0x1F;
	[tilespmem:v51+s13+$0x0] =	vst.idx.add.s32.msk $0xffff, v2  }
0xb8: {  	vm0 =	vgt.s32 v14, v40;
	v15 =	vxor.u32 v48, v57;
	v23 =	vand.u32 $0x7FFFFFFF, v61;
	[tilespmem:v60+s13+$0x0] =	vst.idx.add.s32.msk $0xffff, v2  }
0xb9: {  	v27 =	vsel vm0, v14, v40;
	v32 =	vshra.s32 v15, $0x14;
	v14 =	vxor.u32 v53, v23;
	v63 =	vld [tilespmem:s21+$0x10]  }
0xba: {  	v62 =	vadd.s32 $0x800, v32;
	vm0 =	vgt.s32 v27, v14;
	v39 =	vld [tilespmem:s29+$0xFFFFFFF0]  }
0xbb: {  	v36 =	vshra.s32 v58, $0x1F;
	v38 =	vsel vm0, v27, v14;
	[tilespmem:v56+s13+$0x0] =	vst.idx.add.s32.msk $0xffff, v2  }
0xbc: {  	v23 =	vand.u32 $0x7FFFFFFF, v36;
	vm0 =	vgt.s32 v38, v9;
	v37 =	vld [tilespmem:s30+$0x0]  }
0xbd: {  	v23 =	vxor.u32 v58, v23;
	v9 =	vsel vm0, v38, v9  }
0xbe: {  	v31 =	vshra.s32 v23, $0x14;
	vm0 =	vgt.s32 v9, v11;
	v40 =	vshra.s32 v63, $0x1F  }
0xbf: {  	[tilespmem:v62+s13+$0x0] =	vst.idx.add.s32.msk $0xffff, v2;
	v41 =	vadd.s32 $0x800, v31;
	v46 =	vshra.s32 v39, $0x1F;
	v42 =	vand.u32 $0x7FFFFFFF, v40  }
0xc0: {  	v43 =	vld [tilespmem:s28+$0xFFFFFFE0];
	v9 =	vsel vm0, v9, v11;
	v11 =	vand.u32 $0x7FFFFFFF, v46;
	v31 =	vxor.u32 v63, v42  }
0xc1: {  	v20 =	vxor.u32 v39, v11;
	v44 =	vshra.s32 v37, $0x1F;
	v32 =	vshra.s32 v31, $0x14  }
0xc2: {  	v11 =	vshra.s32 v20, $0x14;
	v45 =	vand.u32 $0x7FFFFFFF, v44;
	v32 =	vadd.s32 $0x800, v32  }
0xc3: {  	v51 =	vadd.s32 $0x800, v11;
	v29 =	vxor.u32 v37, v45  }
0xc4: {  	v47 =	vshra.s32 v29, $0x14  }
0xc5: {  	vm0 =	vgt.s32 v9, v13;
	v35 =	vshra.s32 v43, $0x1F;
	[tilespmem:v41+s13+$0x0] =	vst.idx.add.s32.msk $0xffff, v2;
	v48 =	vadd.s32 $0x800, v47  }
0xc6: {  	v9 =	vsel vm0, v9, v13;
	v49 =	vand.u32 $0x7FFFFFFF, v35;
	v50 =	vld [tilespmem:s31+$0x30]  }
0xc7: {  	vm0 =	vgt.s32 v9, v16;
	v11 =	vxor.u32 v43, v49;
	[tilespmem:v32+s13+$0x0] =	vst.idx.add.s32.msk $0xffff, v2  }
0xc8: {  	v9 =	vsel vm0, v9, v16;
	v13 =	vshra.s32 v11, $0x14;
	[tilespmem:v51+s13+$0x0] =	vst.idx.add.s32.msk $0xffff, v2  }
0xc9: {  	vm0 =	vgt.s32 v9, v22;
	v13 =	vadd.s32 $0x800, v13;
	v52 =	vld [tilespmem:s21+$0x20]  }
0xca: {  	v9 =	vsel vm0, v9, v22;
	[tilespmem:v48+s13+$0x0] =	vst.idx.add.s32.msk $0xffff, v2  }
0xcb: {  	vm0 =	vgt.s32 v9, v28;
	v53 =	vld [tilespmem:s30+$0x10]  }
0xcc: {  	v9 =	vsel vm0, v9, v28;
	v30 =	vld [tilespmem:s29+$0x0];
	v54 =	vshra.s32 v50, $0x1F  }
0xcd: {  	vm0 =	vgt.s32 v9, v23;
	v28 =	vand.u32 $0x7FFFFFFF, v54  }
0xce: {  	v23 =	vsel vm0, v9, v23;
	v9 =	vxor.u32 v50, v28;
	[tilespmem:v13+s13+$0x0] =	vst.idx.add.s32.msk $0xffff, v2;
	v55 =	vshra.s32 v52, $0x1F  }
0xcf: {  	vm0 =	vgt.s32 v23, v9;
	v57 =	vld [tilespmem:s28+$0xFFFFFFF0];
	v56 =	vand.u32 $0x7FFFFFFF, v55  }
0xd0: {  	v23 =	vsel vm0, v23, v9;
	v13 =	vxor.u32 v52, v56;
	v58 =	vshra.s32 v53, $0x1F  }
0xd1: {  	v60 =	vshra.s32 v30, $0x1F;
	v59 =	vshra.s32 v13, $0x14;
	v16 =	vand.u32 $0x7FFFFFFF, v58  }
0xd2: {  	vm0 =	vgt.s32 v23, v7;
	v28 =	vadd.s32 $0x800, v59;
	v16 =	vxor.u32 v53, v16  }
0xd3: {  	v22 =	vand.u32 $0x7FFFFFFF, v60;
	v7 =	vsel vm0, v23, v7;
	v61 =	vshra.s32 v16, $0x14  }
0xd4: {  	v22 =	vxor.u32 v30, v22;
	v62 =	vshra.s32 v57, $0x1F;
	v23 =	vadd.s32 $0x800, v61  }
0xd5: {  	vm0 =	vgt.s32 v7, v8;
	v63 =	vshra.s32 v22, $0x14;
	v30 =	vand.u32 $0x7FFFFFFF, v62  }
0xd6: {  	v7 =	vsel vm0, v7, v8;
	v35 =	vadd.s32 $0x800, v63;
	v27 =	vxor.u32 v57, v30  }
0xd7: {  	vm0 =	vgt.s32 v7, v12;
	v36 =	vshra.s32 v27, $0x14;
	[tilespmem:v28+s13+$0x0] =	vst.idx.add.s32.msk $0xffff, v2  }
0xd8: {  	v7 =	vsel vm0, v7, v12;
	v28 =	vadd.s32 $0x800, v36;
	v37 =	vld [tilespmem:s21+$0x30]  }
0xd9: {  	vm0 =	vgt.s32 v7, v24;
	[tilespmem:v23+s13+$0x0] =	vst.idx.add.s32.msk $0xffff, v2  }
0xda: {  	v7 =	vsel vm0, v7, v24;
	v23 =	vld [tilespmem:s30+$0x20]  }
0xdb: {  	vm0 =	vgt.s32 v7, v26;
	[tilespmem:v35+s13+$0x0] =	vst.idx.add.s32.msk $0xffff, v2  }
0xdc: {  	v7 =	vsel vm0, v7, v26;
	v8 =	vld [tilespmem:s29+$0x10]  }
0xdd: {  	vm0 =	vgt.s32 v7, v31;
	[tilespmem:v28+s13+$0x0] =	vst.idx.add.s32.msk $0xffff, v2  }
0xde: {  	v7 =	vsel vm0, v7, v31;
	v38 =	vshra.s32 v37, $0x1F;
	v39 =	vld [tilespmem:s28+$0x0]  }
0xdf: {  	vm0 =	vgt.s32 v7, v13;
	v24 =	vand.u32 $0x7FFFFFFF, v38;
	v40 =	vshra.s32 v23, $0x1F  }
0xe0: {  	v7 =	vsel vm0, v7, v13;
	v12 =	vxor.u32 v37, v24;
	v41 =	vand.u32 $0x7FFFFFFF, v40  }
0xe1: {  	v42 =	vshra.s32 v8, $0x1F;
	vm0 =	vgt.s32 v7, v12;
	v13 =	vxor.u32 v23, v41  }
0xe2: {  	v7 =	vsel vm0, v7, v12;
	v23 =	vand.u32 $0x7FFFFFFF, v42;
	v43 =	vshra.s32 v13, $0x14  }
0xe3: {  	v44 =	vshra.s32 v39, $0x1F;
	v8 =	vxor.u32 v8, v23;
	v24 =	vadd.s32 $0x800, v43  }
0xe4: {  	vm0 =	vgt.s32 v7, v4;
	v23 =	vand.u32 $0x7FFFFFFF, v44;
	v45 =	vshra.s32 v8, $0x14  }
0xe5: {  	v4 =	vsel vm0, v7, v4;
	v23 =	vxor.u32 v39, v23;
	v46 =	vadd.s32 $0x800, v45  }
0xe6: {  	vm0 =	vgt.s32 v4, v10;
	v26 =	vshra.s32 v23, $0x14  }
0xe7: {  	v4 =	vsel vm0, v4, v10;
	v47 =	vadd.s32 $0x800, v26  }
0xe8: {  	vm0 =	vgt.s32 v4, v25;
	[tilespmem:v24+s13+$0x0] =	vst.idx.add.s32.msk $0xffff, v2  }
0xe9: {  	v4 =	vsel vm0, v4, v25;
	v24 =	vld [tilespmem:s30+$0x30]  }
0xea: {  	vm0 =	vgt.s32 v4, v19;
	[tilespmem:v46+s13+$0x0] =	vst.idx.add.s32.msk $0xffff, v2  }
0xeb: {  	v4 =	vsel vm0, v4, v19;
	v7 =	vld [tilespmem:s29+$0x20]  }
0xec: {  	vm0 =	vgt.s32 v4, v29;
	[tilespmem:v47+s13+$0x0] =	vst.idx.add.s32.msk $0xffff, v2  }
0xed: {  	v4 =	vsel vm0, v4, v29;
	v10 =	vld [tilespmem:s28+$0x10]  }
0xee: {  	vm0 =	vgt.s32 v4, v16  }
0xef: {  	v4 =	vsel vm0, v4, v16  }
0xf0: {  	vm0 =	vgt.s32 v4, v13;
	v48 =	vshra.s32 v24, $0x1F;
	v49 =	vshra.s32 v7, $0x1F  }
0xf1: {  	v4 =	vsel vm0, v4, v13;
	v16 =	vand.u32 $0x7FFFFFFF, v48;
	v50 =	vand.u32 $0x7FFFFFFF, v49  }
0xf2: {  	v16 =	vxor.u32 v24, v16;
	v51 =	vshra.s32 v10, $0x1F;
	v7 =	vxor.u32 v7, v50  }
0xf3: {  	vm0 =	vgt.s32 v4, v16;
	v13 =	vand.u32 $0x7FFFFFFF, v51;
	v52 =	vshra.s32 v7, $0x14  }
0xf4: {  	v4 =	vsel vm0, v4, v16;
	v10 =	vxor.u32 v10, v13;
	v19 =	vadd.s32 $0x800, v52  }
0xf5: {  	vm0 =	vgt.s32 v4, v6;
	v13 =	vshra.s32 v10, $0x14  }
0xf6: {  	v4 =	vsel vm0, v4, v6;
	v53 =	vadd.s32 $0x800, v13  }
0xf7: {  	vm0 =	vgt.s32 v4, v17  }
0xf8: {  	v4 =	vsel vm0, v4, v17  }
0xf9: {  	vm0 =	vgt.s32 v4, v18;
	[tilespmem:v19+s13+$0x0] =	vst.idx.add.s32.msk $0xffff, v2  }
0xfa: {  	v4 =	vsel vm0, v4, v18;
	v54 =	vld [tilespmem:s29+$0x30]  }
0xfb: {  	vm0 =	vgt.s32 v4, v20;
	[tilespmem:v53+s13+$0x0] =	vst.idx.add.s32.msk $0xffff, v2  }
0xfc: {  	v4 =	vsel vm0, v4, v20;
	v6 =	vld [tilespmem:s28+$0x20]  }
0xfd: {  	vm0 =	vgt.s32 v4, v22  }
0xfe: {  	v4 =	vsel vm0, v4, v22  }
0xff: {  	vm0 =	vgt.s32 v4, v8  }
0x100: {  	v4 =	vsel vm0, v4, v8;
	v55 =	vshra.s32 v54, $0x1F  }
0x101: {  	vm0 =	vgt.s32 v4, v7;
	v8 =	vand.u32 $0x7FFFFFFF, v55;
	v56 =	vshra.s32 v6, $0x1F  }
0x102: {  	v4 =	vsel vm0, v4, v7;
	v57 =	vxor.u32 v54, v8;
	v58 =	vand.u32 $0x7FFFFFFF, v56  }
0x103: {  	vm0 =	vgt.s32 v4, v57;
	v6 =	vxor.u32 v6, v58  }
0x104: {  	v4 =	vsel vm0, v4, v57;
	v8 =	vshra.s32 v6, $0x14  }
0x105: {  	vm0 =	vgt.s32 v4, v5;
	v8 =	vadd.s32 $0x800, v8  }
0x106: {  	v4 =	vsel vm0, v4, v5  }
0x107: {  	vm0 =	vgt.s32 v4, v15  }
0x108: {  	v4 =	vsel vm0, v4, v15  }
0x109: {  	vm0 =	vgt.s32 v4, v11  }
0x10a: {  	v4 =	vsel vm0, v4, v11;
	[tilespmem:v8+s13+$0x0] =	vst.idx.add.s32.msk $0xffff, v2  }
0x10b: {  	vm0 =	vgt.s32 v4, v27;
	v5 =	vld [tilespmem:s28+$0x30]  }
0x10c: {  	v4 =	vsel vm0, v4, v27  }
0x10d: {  	vm0 =	vgt.s32 v4, v23  }
0x10e: {  	v4 =	vsel vm0, v4, v23  }
0x10f: {  	vm0 =	vgt.s32 v4, v10  }
0x110: {  	v4 =	vsel vm0, v4, v10;
	v59 =	vshra.s32 v5, $0x1F  }
0x111: {  	vm0 =	vgt.s32 v4, v6;
	v8 =	vand.u32 $0x7FFFFFFF, v59  }
0x112: {  	v4 =	vsel vm0, v4, v6;
	v5 =	vxor.u32 v5, v8  }
0x113: {  	vm0 =	vgt.s32 v4, v5  }
0x114: {  	v4 =	vsel vm0, v4, v5  }
0x115: {  	v4 =	vxor.u32 $0x80000000, v4  }
0x116: {  	(xrf0) =	vmax.scan.msk.u32 $0xffff, v4;
	_ =	sdelay $0x5  }
0x117: {  	v4, _, _ =	vpop (xrf0)  }
0x118: {  	(v2sf) =	vpush v4, $0xF;
	_ =	sdelay $0xb  }
0x119: {  	v62 =	vshra.s32 v12, $0x14  }
0x11a: {  	v61 =	vshra.s32 v9, $0x14;
	v9 =	vadd.s32 $0x800, v62;
	v4 =	vshra.s32 v21, $0x14  }
0x11b: {  	v63 =	vshra.s32 v16, $0x14;
	v4 =	vadd.s32 $0x800, v4  }
0x11c: {  	v60 =	vshra.s32 v14, $0x14;
	v10 =	vadd.s32 $0x800, v63;
	s31 =	spop (v2sf)  }
0x11d: {  	v6 =	vadd.s32 $0x800, v60;
	s1 =	sshra.s32 s31, $0x18  }
0x11e: {  	v8 =	vadd.s32 $0x800, v61;
	v5 =	vshra.s32 v5, $0x14;
	s1 =	sxor.u32 $0xFFFFFF80, s1  }
0x11f: {  	[tilespmem:v9+s13+$0x0] =	vst.idx.add.s32.msk $0xffff, v2;
	v7 =	vshra.s32 v57, $0x14;
	v5 =	vadd.s32 $0x800, v5;
	s29 =	sadd.s32 $0x80, s1  }
0x120: {  	[tilespmem:v4+s13+$0x0] =	vst.idx.add.s32.msk $0xffff, v2;
	v4 =	vadd.s32 $0x800, v7;
	p1 =	slt.s32 s29, $0x0  }
.Ltmp4:
0x121: {  	[tilespmem:v10+s13+$0x0] =	vst.idx.add.s32.msk $0xffff, v2;
	(pc) =	sbr.rel @p1 .LBB2_7-.Ltmp4, $4  }
0x122: {  	[tilespmem:v6+s13+$0x0] =	vst.idx.add.s32.msk $0xffff, v2  }
0x123: {  	[tilespmem:v8+s13+$0x0] =	vst.idx.add.s32.msk $0xffff, v2  }
0x124: {  	[tilespmem:v5+s13+$0x0] =	vst.idx.add.s32.msk $0xffff, v2  }
0x125: {  	[tilespmem:v4+s13+$0x0] =	vst.idx.add.s32.msk $0xffff, v2  }
0x126: {  	s1 =	sshll.u32 s29, $0x6  }
0x127: {  	s4 =	sshra.s32 s1, $0x2  }
0x128: {  	s1 =	ssub.s32 $0x0, s29;
	s12 =	sadd.s32 $0x10000, s4;
	s4 =	simm.s32 $0x0  }
.LBB2_9:
0x129: {  	v4 =	vld [tilespmem:s12+$0x0];
	_ =	sdelay $0x4  }
0x12a: {  	(xrf0) =	vadd.scan.msk.s32 $0xffff, v4;
	_ =	sdelay $0x5  }
0x12b: {  	v4, _, _ =	vpop (xrf0)  }
0x12c: {  	(v2sf) =	vpush v4, $0xF;
	_ =	sdelay $0xe  }
0x12d: {  	s21 =	spop (v2sf)  }
0x12e: {  	p1 =	seq.s32 s1, $0x0;
	s28 =	sadd.s32 s4, s21  }
0x12f: {  	p3 =	slt.s32 @!p1 s28, $0x40  }
0x130: {  	p1 =	por p1, !p3  }
.Ltmp5:
0x131: {  	_ = 	snop;
	(pc) =	sbr.rel @!p1 .LBB2_9-.Ltmp5, $4  }
0x132: {  	_ = 	snop  }
0x133: {  	p2 =	sgt.s32 s28, $0x3F  }
0x134: {  	s21 =	simm.s32 @p2 $0x0  }
0x135: {  	s1 =	sadd.s32 $0x1, s1;
	s12 =	sadd.s32 $0xFFFFFFF0, s12;
	s4 =	sadd.s32 s4, s21  }
.Ltmp6:
0x136: {  	(pc) =	sbr.rel .LBB2_11-.Ltmp6, $2  }
0x137: {  	_ =	sdelay $0x2  }
0x138: {  	s30 =	ssub.s32 $0x40, s4;
	s29 =	ssub.s32 $0x0, s1  }
.LBB2_7:
0x139: {  	s30 =	simm.s32 $0x40  }
.LBB2_11:
0x13a: {  	s1 =	sshll.u32 s29, $0x4  }
0x13b: {  	v4 =	vld [tilespmem:s1+$0x10010];
	_ =	sdelay $0x1  }
0x13c: {  	s12 =	simm.s32 $0x10020  }
0x13d: {  	[tilespmem:s12+$0xFFFFFFE0] =	vst v1  }
0x13e: {  	[tilespmem:s12+$0x10] =	vst v1  }
0x13f: {  	s21 =	simm.s32 $0x0;
	[tilespmem:s12+$0x0] =	vst v1;
	v4 =	vperm.xlane v4, v3  }
.LBB2_12:
0x140: {  	s21 =	sadd.s32 $0x40, s21  }
0x141: {  	[tilespmem:s12+$0xFFFFFFF0] =	vst v1;
	s12 =	sadd.s32 $0x40, s12;
	s4 =	simm.s32 $0x11020;
	p1 =	slt.u32 s21, $0xFC0  }
.Ltmp7:
0x142: {  	[tilespmem:s12+$0xFFFFFFE0] =	vst v1;
	(pc) =	sbr.rel @p1 .LBB2_12-.Ltmp7, $3  }
0x143: {  	_ =	sdelay $0x1  }
0x144: {  	[tilespmem:s12+$0x10] =	vst v1  }
0x145: {  	[tilespmem:s12+$0x0] =	vst v1  }
0x146: {  	[tilespmem:s12+$0xFFFFFFF0] =	vst v1  }
0x147: {  	[tilespmem:s4+$0xFFFFFFE0] =	vst v1  }
0x148: {  	[tilespmem:s4+$0x10] =	vst v1  }
0x149: {  	s12 =	simm.s32 $0x0;
	[tilespmem:s4+$0x0] =	vst v1  }
.LBB2_14:
0x14a: {  	s12 =	sadd.s32 $0x40, s12  }
0x14b: {  	[tilespmem:s4+$0xFFFFFFF0] =	vst v1;
	s4 =	sadd.s32 $0x40, s4;
	p1 =	slt.u32 s12, $0xC0  }
.Ltmp8:
0x14c: {  	[tilespmem:s4+$0xFFFFFFE0] =	vst v1;
	(pc) =	sbr.rel @p1 .LBB2_14-.Ltmp8, $3  }
0x14d: {  	_ =	sdelay $0x1  }
0x14e: {  	[tilespmem:s4+$0x10] =	vst v1  }
0x14f: {  	[tilespmem:s4+$0x0] =	vst v1  }
0x150: {  	(xrf0) =	vadd.scan.msk.s32 $0xffff, v4;
	_ =	sdelay $0x5  }
0x151: {  	v6, _, _ =	vpop (xrf0)  }
0x152: {  	vm0 =	vge.s32 v6, s30  }
0x153: {  	v5 =	vsel vm0, $0x1, v1  }
0x154: {  	(xrf0) =	vadd.scan.msk.s32 $0xffff, v5;
	_ =	sdelay $0x5  }
0x155: {  	v5, _, _ =	vpop (xrf0)  }
0x156: {  	(v2sf) =	vpush v5, $0xF;
	_ =	sdelay $0x9  }
0x157: {  	[tilespmem:s4+$0xFFFFFFF0] =	vst v1  }
0x158: {  	v5 =	vld [tilespmem:s20+$0xFFFFFFC0];
	_ =	sdelay $0x3  }
0x159: {  	s31 =	spop (v2sf)  }
0x15a: {  	v7 =	vshra.s32 v5, $0x1F;
	s1 =	sadd.s32 s31, s1  }
0x15b: {  	v7 =	vand.u32 $0x7FFFFF00, v7;
	s28 =	sadd.s32 $0xFFFFF80F, s1  }
0x15c: {  	v7 =	vxor.u32 v5, v7;
	s1 =	sshll.u32 s28, $0xC  }
0x15d: {  	v7 =	vshra.s32 v7, $0x8;
	v5 =	vmov s1  }
0x15e: {  	v8 =	vsub.s32 v7, v5  }
0x15f: {  	v7 =	vand.u32 $0x7F, v7;
	vm0 =	vlt.u32 v8, $0x1000;
	v9 =	vand.u32 $0xFFFFFF80, v8  }
0x160: {  	v7 =	vor.u32 v7, v9  }
0x161: {  	v8 =	vshra.s32 v8, $0x4;
	_ =	sdelay $0x3  }
0x162: {  	[tilespmem:v7+s13+$0x0] =	vst.idx.add.s32.msk vm0, v2  }
0x163: {  	[tilespmem:v8+s14+$0x0] =	vst.idx.add.s32.msk vm0, v2  }
0x164: {  	v7 =	vld [tilespmem:s20+$0xFFFFFFD0];
	_ =	sdelay $0x4  }
0x165: {  	v8 =	vshra.s32 v7, $0x1F  }
0x166: {  	v8 =	vand.u32 $0x7FFFFF00, v8  }
0x167: {  	v7 =	vxor.u32 v7, v8  }
0x168: {  	v7 =	vshra.s32 v7, $0x8  }
0x169: {  	v8 =	vsub.s32 v7, v5  }
0x16a: {  	v7 =	vand.u32 $0x7F, v7;
	vm0 =	vlt.u32 v8, $0x1000;
	v9 =	vand.u32 $0xFFFFFF80, v8  }
0x16b: {  	v7 =	vor.u32 v7, v9  }
0x16c: {  	v8 =	vshra.s32 v8, $0x4;
	v9 =	vld [tilespmem:s0+$0xFFFFFFC0];
	_ =	sdelay $0x3  }
0x16d: {  	[tilespmem:v7+s13+$0x0] =	vst.idx.add.s32.msk vm0, v2  }
0x16e: {  	v7 =	vshra.s32 v9, $0x1F;
	[tilespmem:v8+s14+$0x0] =	vst.idx.add.s32.msk vm0, v2  }
0x16f: {  	v7 =	vand.u32 $0x7FFFFF00, v7;
	v8 =	vld [tilespmem:s20+$0xFFFFFFE0]  }
0x170: {  	v7 =	vxor.u32 v9, v7  }
0x171: {  	v7 =	vshra.s32 v7, $0x8  }
0x172: {  	v9 =	vsub.s32 v7, v5  }
0x173: {  	v7 =	vand.u32 $0x7F, v7;
	vm0 =	vlt.u32 v9, $0x1000;
	v10 =	vand.u32 $0xFFFFFF80, v9  }
0x174: {  	v7 =	vor.u32 v7, v10;
	v10 =	vshra.s32 v8, $0x1F  }
0x175: {  	v9 =	vshra.s32 v9, $0x4;
	v10 =	vand.u32 $0x7FFFFF00, v10  }
0x176: {  	v8 =	vxor.u32 v8, v10  }
0x177: {  	v8 =	vshra.s32 v8, $0x8  }
0x178: {  	v10 =	vsub.s32 v8, v5  }
0x179: {  	[tilespmem:v7+s13+$0x0] =	vst.idx.add.s32.msk vm0, v2;
	v7 =	vand.u32 $0x7F, v8;
	vm1 =	vlt.u32 v10, $0x1000;
	v8 =	vand.u32 $0xFFFFFF80, v10  }
0x17a: {  	[tilespmem:v9+s14+$0x0] =	vst.idx.add.s32.msk vm0, v2;
	v7 =	vor.u32 v7, v8  }
0x17b: {  	v9 =	vshra.s32 v10, $0x4;
	v8 =	vld [tilespmem:s0+$0xFFFFFFD0];
	_ =	sdelay $0x3  }
0x17c: {  	[tilespmem:v7+s13+$0x0] =	vst.idx.add.s32.msk vm1, v2  }
0x17d: {  	v7 =	vshra.s32 v8, $0x1F;
	[tilespmem:v9+s14+$0x0] =	vst.idx.add.s32.msk vm1, v2  }
0x17e: {  	v7 =	vand.u32 $0x7FFFFF00, v7;
	v9 =	vld [tilespmem:s20+$0xFFFFFFF0]  }
0x17f: {  	v7 =	vxor.u32 v8, v7  }
0x180: {  	v7 =	vshra.s32 v7, $0x8  }
0x181: {  	v8 =	vsub.s32 v7, v5  }
0x182: {  	v7 =	vand.u32 $0x7F, v7;
	vm0 =	vlt.u32 v8, $0x1000;
	v10 =	vand.u32 $0xFFFFFF80, v8  }
0x183: {  	v7 =	vor.u32 v7, v10;
	v10 =	vshra.s32 v9, $0x1F  }
0x184: {  	v11 =	vld [tilespmem:s23+$0xFFFFFFC0];
	v8 =	vshra.s32 v8, $0x4;
	v10 =	vand.u32 $0x7FFFFF00, v10  }
0x185: {  	v9 =	vxor.u32 v9, v10  }
0x186: {  	v9 =	vshra.s32 v9, $0x8  }
0x187: {  	v10 =	vsub.s32 v9, v5  }
0x188: {  	[tilespmem:v7+s13+$0x0] =	vst.idx.add.s32.msk vm0, v2;
	v9 =	vand.u32 $0x7F, v9;
	vm1 =	vlt.u32 v10, $0x1000;
	v7 =	vand.u32 $0xFFFFFF80, v10  }
0x189: {  	v12 =	vshra.s32 v11, $0x1F;
	[tilespmem:v8+s14+$0x0] =	vst.idx.add.s32.msk vm0, v2;
	v7 =	vor.u32 v9, v7  }
0x18a: {  	v8 =	vand.u32 $0x7FFFFF00, v12;
	v10 =	vshra.s32 v10, $0x4;
	v9 =	vld [tilespmem:s0+$0xFFFFFFE0]  }
0x18b: {  	v8 =	vxor.u32 v11, v8  }
0x18c: {  	v8 =	vshra.s32 v8, $0x8  }
0x18d: {  	v11 =	vsub.s32 v8, v5  }
0x18e: {  	v8 =	vand.u32 $0x7F, v8;
	vm0 =	vlt.u32 v11, $0x1000;
	v12 =	vand.u32 $0xFFFFFF80, v11;
	[tilespmem:v7+s13+$0x0] =	vst.idx.add.s32.msk vm1, v2  }
0x18f: {  	v7 =	vor.u32 v8, v12;
	v8 =	vshra.s32 v9, $0x1F;
	[tilespmem:v10+s14+$0x0] =	vst.idx.add.s32.msk vm1, v2  }
0x190: {  	v10 =	vshra.s32 v11, $0x4;
	v8 =	vand.u32 $0x7FFFFF00, v8;
	v11 =	vld [tilespmem:s20+$0x0]  }
0x191: {  	v8 =	vxor.u32 v9, v8  }
0x192: {  	v8 =	vshra.s32 v8, $0x8  }
0x193: {  	v9 =	vsub.s32 v8, v5  }
0x194: {  	[tilespmem:v7+s13+$0x0] =	vst.idx.add.s32.msk vm0, v2;
	v7 =	vand.u32 $0x7F, v8;
	vm1 =	vlt.u32 v9, $0x1000;
	v8 =	vand.u32 $0xFFFFFF80, v9  }
0x195: {  	[tilespmem:v10+s14+$0x0] =	vst.idx.add.s32.msk vm0, v2;
	v7 =	vor.u32 v7, v8;
	v8 =	vshra.s32 v11, $0x1F  }
0x196: {  	v9 =	vshra.s32 v9, $0x4;
	v10 =	vld [tilespmem:s23+$0xFFFFFFD0];
	v8 =	vand.u32 $0x7FFFFF00, v8  }
0x197: {  	v8 =	vxor.u32 v11, v8  }
0x198: {  	v8 =	vshra.s32 v8, $0x8  }
0x199: {  	v11 =	vld [tilespmem:s24+$0xFFFFFFC0];
	v12 =	vsub.s32 v8, v5  }
0x19a: {  	[tilespmem:v7+s13+$0x0] =	vst.idx.add.s32.msk vm1, v2;
	v8 =	vand.u32 $0x7F, v8;
	vm0 =	vlt.u32 v12, $0x1000;
	v7 =	vand.u32 $0xFFFFFF80, v12  }
0x19b: {  	v13 =	vshra.s32 v10, $0x1F;
	[tilespmem:v9+s14+$0x0] =	vst.idx.add.s32.msk vm1, v2;
	v7 =	vor.u32 v8, v7  }
0x19c: {  	v12 =	vshra.s32 v12, $0x4;
	v8 =	vand.u32 $0x7FFFFF00, v13;
	v9 =	vld [tilespmem:s0+$0xFFFFFFF0]  }
0x19d: {  	v8 =	vxor.u32 v10, v8  }
0x19e: {  	v8 =	vshra.s32 v8, $0x8  }
0x19f: {  	v13 =	vshra.s32 v11, $0x1F;
	v10 =	vand.u32 $0x7F, v8;
	v8 =	vsub.s32 v8, v5  }
0x1a0: {  	v13 =	vand.u32 $0x7FFFFF00, v13;
	vm1 =	vlt.u32 v8, $0x1000;
	v14 =	vand.u32 $0xFFFFFF80, v8;
	[tilespmem:v7+s13+$0x0] =	vst.idx.add.s32.msk vm0, v2  }
0x1a1: {  	v7 =	vor.u32 v10, v14;
	v10 =	vxor.u32 v11, v13;
	v11 =	vshra.s32 v9, $0x1F;
	[tilespmem:v12+s14+$0x0] =	vst.idx.add.s32.msk vm0, v2  }
0x1a2: {  	v8 =	vshra.s32 v8, $0x4;
	v10 =	vshra.s32 v10, $0x8;
	v11 =	vand.u32 $0x7FFFFF00, v11;
	v12 =	vld [tilespmem:s20+$0x10]  }
0x1a3: {  	v13 =	vsub.s32 v10, v5;
	v10 =	vand.u32 $0x7F, v10;
	v9 =	vxor.u32 v9, v11  }
0x1a4: {  	vm0 =	vlt.u32 v13, $0x1000;
	v11 =	vand.u32 $0xFFFFFF80, v13;
	v9 =	vshra.s32 v9, $0x8  }
0x1a5: {  	v10 =	vor.u32 v10, v11;
	v11 =	vshra.s32 v13, $0x4;
	v13 =	vsub.s32 v9, v5  }
0x1a6: {  	v9 =	vand.u32 $0x7F, v9;
	[tilespmem:v7+s13+$0x0] =	vst.idx.add.s32.msk vm1, v2;
	vm2 =	vlt.u32 v13, $0x1000;
	v7 =	vand.u32 $0xFFFFFF80, v13  }
0x1a7: {  	[tilespmem:v8+s14+$0x0] =	vst.idx.add.s32.msk vm1, v2;
	v7 =	vor.u32 v9, v7;
	v8 =	vshra.s32 v12, $0x1F  }
0x1a8: {  	v13 =	vshra.s32 v13, $0x4;
	v9 =	vld [tilespmem:s23+$0xFFFFFFE0];
	v8 =	vand.u32 $0x7FFFFF00, v8  }
0x1a9: {  	v8 =	vxor.u32 v12, v8  }
0x1aa: {  	[tilespmem:v10+s13+$0x0] =	vst.idx.add.s32.msk vm0, v2;
	v8 =	vshra.s32 v8, $0x8  }
0x1ab: {  	[tilespmem:v11+s14+$0x0] =	vst.idx.add.s32.msk vm0, v2;
	v10 =	vsub.s32 v8, v5  }
0x1ac: {  	[tilespmem:v7+s13+$0x0] =	vst.idx.add.s32.msk vm2, v2;
	v8 =	vand.u32 $0x7F, v8;
	vm0 =	vlt.u32 v10, $0x1000;
	v7 =	vand.u32 $0xFFFFFF80, v10  }
0x1ad: {  	v11 =	vshra.s32 v9, $0x1F;
	[tilespmem:v13+s14+$0x0] =	vst.idx.add.s32.msk vm2, v2;
	v7 =	vor.u32 v8, v7  }
0x1ae: {  	v10 =	vshra.s32 v10, $0x4;
	v8 =	vand.u32 $0x7FFFFF00, v11;
	v11 =	vld [tilespmem:s0+$0x0]  }
0x1af: {  	v8 =	vxor.u32 v9, v8;
	v9 =	vld [tilespmem:s24+$0xFFFFFFD0]  }
0x1b0: {  	v8 =	vshra.s32 v8, $0x8  }
0x1b1: {  	v12 =	vsub.s32 v8, v5  }
0x1b2: {  	v8 =	vand.u32 $0x7F, v8;
	vm1 =	vlt.u32 v12, $0x1000;
	v13 =	vand.u32 $0xFFFFFF80, v12;
	[tilespmem:v7+s13+$0x0] =	vst.idx.add.s32.msk vm0, v2  }
0x1b3: {  	v7 =	vor.u32 v8, v13;
	v8 =	vshra.s32 v11, $0x1F;
	[tilespmem:v10+s14+$0x0] =	vst.idx.add.s32.msk vm0, v2  }
0x1b4: {  	v10 =	vshra.s32 v12, $0x4;
	v12 =	vshra.s32 v9, $0x1F;
	v8 =	vand.u32 $0x7FFFFF00, v8;
	v13 =	vld [tilespmem:s20+$0x20]  }
0x1b5: {  	v12 =	vand.u32 $0x7FFFFF00, v12;
	v8 =	vxor.u32 v11, v8  }
0x1b6: {  	v9 =	vxor.u32 v9, v12;
	v8 =	vshra.s32 v8, $0x8  }
0x1b7: {  	v11 =	vld [tilespmem:s25+$0xFFFFFFC0];
	v9 =	vshra.s32 v9, $0x8;
	v12 =	vsub.s32 v8, v5  }
0x1b8: {  	v8 =	vand.u32 $0x7F, v8;
	[tilespmem:v7+s13+$0x0] =	vst.idx.add.s32.msk vm1, v2;
	vm0 =	vlt.u32 v12, $0x1000;
	v7 =	vand.u32 $0xFFFFFF80, v12  }
0x1b9: {  	v12 =	vshra.s32 v12, $0x4;
	[tilespmem:v10+s14+$0x0] =	vst.idx.add.s32.msk vm1, v2;
	v7 =	vor.u32 v8, v7;
	v8 =	vshra.s32 v13, $0x1F  }
0x1ba: {  	v10 =	vand.u32 $0x7F, v9;
	v9 =	vsub.s32 v9, v5;
	v14 =	vld [tilespmem:s23+$0xFFFFFFF0];
	v8 =	vand.u32 $0x7FFFFF00, v8  }
0x1bb: {  	vm1 =	vlt.u32 v9, $0x1000;
	v15 =	vand.u32 $0xFFFFFF80, v9;
	v8 =	vxor.u32 v13, v8  }
0x1bc: {  	v10 =	vor.u32 v10, v15;
	v13 =	vshra.s32 v11, $0x1F;
	v8 =	vshra.s32 v8, $0x8  }
0x1bd: {  	v9 =	vshra.s32 v9, $0x4;
	v13 =	vand.u32 $0x7FFFFF00, v13;
	v15 =	vsub.s32 v8, v5  }
0x1be: {  	[tilespmem:v7+s13+$0x0] =	vst.idx.add.s32.msk vm0, v2;
	v8 =	vand.u32 $0x7F, v8;
	vm2 =	vlt.u32 v15, $0x1000;
	v7 =	vand.u32 $0xFFFFFF80, v15  }
0x1bf: {  	v11 =	vxor.u32 v11, v13;
	v13 =	vshra.s32 v14, $0x1F;
	[tilespmem:v12+s14+$0x0] =	vst.idx.add.s32.msk vm0, v2;
	v7 =	vor.u32 v8, v7  }
0x1c0: {  	v8 =	vshra.s32 v11, $0x8;
	v11 =	vand.u32 $0x7FFFFF00, v13;
	v12 =	vld [tilespmem:s0+$0x10];
	v13 =	vshra.s32 v15, $0x4  }
0x1c1: {  	[tilespmem:v10+s13+$0x0] =	vst.idx.add.s32.msk vm1, v2;
	v15 =	vsub.s32 v8, v5;
	v8 =	vand.u32 $0x7F, v8;
	v10 =	vxor.u32 v14, v11  }
0x1c2: {  	[tilespmem:v9+s14+$0x0] =	vst.idx.add.s32.msk vm1, v2;
	vm0 =	vlt.u32 v15, $0x1000;
	v11 =	vand.u32 $0xFFFFFF80, v15;
	v9 =	vshra.s32 v10, $0x8  }
0x1c3: {  	v10 =	vshra.s32 v15, $0x4;
	v8 =	vor.u32 v8, v11;
	v11 =	vld [tilespmem:s24+$0xFFFFFFE0];
	v14 =	vsub.s32 v9, v5  }
0x1c4: {  	v9 =	vand.u32 $0x7F, v9;
	vm1 =	vlt.u32 v14, $0x1000;
	v15 =	vand.u32 $0xFFFFFF80, v14;
	[tilespmem:v7+s13+$0x0] =	vst.idx.add.s32.msk vm2, v2  }
0x1c5: {  	v7 =	vor.u32 v9, v15;
	v9 =	vshra.s32 v12, $0x1F;
	[tilespmem:v13+s14+$0x0] =	vst.idx.add.s32.msk vm2, v2  }
0x1c6: {  	v13 =	vshra.s32 v14, $0x4;
	v9 =	vand.u32 $0x7FFFFF00, v9;
	v15 =	vld [tilespmem:s20+$0x30]  }
0x1c7: {  	v9 =	vxor.u32 v12, v9  }
0x1c8: {  	[tilespmem:v8+s13+$0x0] =	vst.idx.add.s32.msk vm0, v2;
	v8 =	vshra.s32 v11, $0x1F;
	v9 =	vshra.s32 v9, $0x8  }
0x1c9: {  	[tilespmem:v10+s14+$0x0] =	vst.idx.add.s32.msk vm0, v2;
	v8 =	vand.u32 $0x7FFFFF00, v8;
	v12 =	vsub.s32 v9, v5  }
0x1ca: {  	v9 =	vand.u32 $0x7F, v9;
	[tilespmem:v7+s13+$0x0] =	vst.idx.add.s32.msk vm1, v2;
	vm2 =	vlt.u32 v12, $0x1000;
	v7 =	vand.u32 $0xFFFFFF80, v12  }
0x1cb: {  	v8 =	vxor.u32 v11, v8;
	[tilespmem:v13+s14+$0x0] =	vst.idx.add.s32.msk vm1, v2;
	v7 =	vor.u32 v9, v7;
	v9 =	vshra.s32 v15, $0x1F  }
0x1cc: {  	v12 =	vshra.s32 v12, $0x4;
	v8 =	vshra.s32 v8, $0x8;
	v10 =	vld [tilespmem:s23+$0x0];
	v9 =	vand.u32 $0x7FFFFF00, v9  }
0x1cd: {  	v14 =	vld [tilespmem:s25+$0xFFFFFFD0];
	v11 =	vsub.s32 v8, v5;
	v8 =	vand.u32 $0x7F, v8;
	v9 =	vxor.u32 v15, v9  }
0x1ce: {  	v13 =	vand.u32 $0xFFFFFF80, v11;
	vm1 =	vlt.u32 v11, $0x1000;
	v9 =	vshra.s32 v9, $0x8  }
0x1cf: {  	v11 =	vshra.s32 v11, $0x4;
	v13 =	vor.u32 v8, v13;
	v8 =	vsub.s32 v9, v5  }
0x1d0: {  	[tilespmem:v7+s13+$0x0] =	vst.idx.add.s32.msk vm2, v2;
	v9 =	vand.u32 $0x7F, v9;
	v7 =	vand.u32 $0xFFFFFF80, v8;
	vm0 =	vlt.u32 v8, $0x1000  }
0x1d1: {  	v16 =	vshra.s32 v10, $0x1F;
	[tilespmem:v12+s14+$0x0] =	vst.idx.add.s32.msk vm2, v2;
	v7 =	vor.u32 v9, v7  }
0x1d2: {  	s21 =	smov.u32 s0;
	s1 =	simm.s32 $0x200;
	v15 =	vshra.s32 v14, $0x1F;
	v8 =	vshra.s32 v8, $0x4;
	v12 =	vand.u32 $0x7FFFFF00, v16;
	v9 =	vld [tilespmem:s0+$0x20]  }
.LBB2_16:
0x1d3: {  	v16 =	vld [tilespmem:s26+$0xFFFFFFC0];
	v15 =	vand.u32 $0x7FFFFF00, v15;
	v10 =	vxor.u32 v10, v12  }
0x1d4: {  	v12 =	vxor.u32 v14, v15;
	[tilespmem:v13+s13+$0x0] =	vst.idx.add.s32.msk vm1, v2;
	v10 =	vshra.s32 v10, $0x8  }
0x1d5: {  	v12 =	vshra.s32 v12, $0x8;
	[tilespmem:v11+s14+$0x0] =	vst.idx.add.s32.msk vm1, v2;
	v11 =	vsub.s32 v10, v5  }
0x1d6: {  	v10 =	vand.u32 $0x7F, v10;
	vm2 =	vlt.u32 v11, $0x1000;
	v13 =	vand.u32 $0xFFFFFF80, v11;
	[tilespmem:v7+s13+$0x0] =	vst.idx.add.s32.msk vm0, v2  }
0x1d7: {  	v7 =	vand.u32 $0x7F, v12;
	v10 =	vor.u32 v10, v13;
	v13 =	vshra.s32 v9, $0x1F;
	[tilespmem:v8+s14+$0x0] =	vst.idx.add.s32.msk vm0, v2  }
0x1d8: {  	v11 =	vshra.s32 v11, $0x4;
	v8 =	vsub.s32 v12, v5;
	v12 =	vld [tilespmem:s24+$0xFFFFFFF0];
	v13 =	vand.u32 $0x7FFFFF00, v13  }
0x1d9: {  	vm1 =	vlt.u32 v8, $0x1000;
	v14 =	vand.u32 $0xFFFFFF80, v8;
	v9 =	vxor.u32 v9, v13  }
0x1da: {  	v13 =	vshra.s32 v16, $0x1F;
	v7 =	vor.u32 v7, v14;
	v9 =	vshra.s32 v9, $0x8  }
0x1db: {  	v8 =	vshra.s32 v8, $0x4;
	v13 =	vand.u32 $0x7FFFFF00, v13;
	v14 =	vsub.s32 v9, v5  }
0x1dc: {  	v9 =	vand.u32 $0x7F, v9;
	[tilespmem:v10+s13+$0x0] =	vst.idx.add.s32.msk vm2, v2;
	vm0 =	vlt.u32 v14, $0x1000;
	v10 =	vand.u32 $0xFFFFFF80, v14  }
0x1dd: {  	v13 =	vxor.u32 v16, v13;
	v15 =	vshra.s32 v12, $0x1F;
	[tilespmem:v11+s14+$0x0] =	vst.idx.add.s32.msk vm2, v2;
	v9 =	vor.u32 v9, v10  }
0x1de: {  	v14 =	vshra.s32 v14, $0x4;
	v10 =	vshra.s32 v13, $0x8;
	v11 =	vand.u32 $0x7FFFFF00, v15;
	v13 =	vld [tilespmem:s23+$0x10]  }
0x1df: {  	v15 =	vsub.s32 v10, v5;
	v10 =	vand.u32 $0x7F, v10;
	[tilespmem:v7+s13+$0x0] =	vst.idx.add.s32.msk vm1, v2;
	v7 =	vxor.u32 v12, v11  }
0x1e0: {  	vm2 =	vlt.u32 v15, $0x1000;
	v11 =	vand.u32 $0xFFFFFF80, v15;
	[tilespmem:v8+s14+$0x0] =	vst.idx.add.s32.msk vm1, v2;
	v7 =	vshra.s32 v7, $0x8  }
0x1e1: {  	v8 =	vor.u32 v10, v11;
	v10 =	vshra.s32 v15, $0x4;
	v11 =	vld [tilespmem:s25+$0xFFFFFFE0];
	v12 =	vsub.s32 v7, v5  }
0x1e2: {  	v7 =	vand.u32 $0x7F, v7;
	vm1 =	vlt.u32 v12, $0x1000;
	v15 =	vand.u32 $0xFFFFFF80, v12;
	[tilespmem:v9+s13+$0x0] =	vst.idx.add.s32.msk vm0, v2  }
0x1e3: {  	v7 =	vor.u32 v7, v15;
	v9 =	vshra.s32 v13, $0x1F;
	[tilespmem:v14+s14+$0x0] =	vst.idx.add.s32.msk vm0, v2  }
0x1e4: {  	v12 =	vshra.s32 v12, $0x4;
	v9 =	vand.u32 $0x7FFFFF00, v9;
	v15 =	vld [tilespmem:s21+$0x30];
	s21 =	smov.u32 s23;
	s23 =	smov.u32 s24;
	s24 =	smov.u32 s25  }
0x1e5: {  	s25 =	smov.u32 s26;
	v9 =	vxor.u32 v13, v9  }
0x1e6: {  	s1 =	sadd.s32 $0x80, s1;
	[tilespmem:v8+s13+$0x0] =	vst.idx.add.s32.msk vm2, v2;
	v8 =	vshra.s32 v11, $0x1F;
	v9 =	vshra.s32 v9, $0x8  }
0x1e7: {  	p1 =	slt.u32 s1, $0x7F80;
	[tilespmem:v10+s14+$0x0] =	vst.idx.add.s32.msk vm2, v2;
	v8 =	vand.u32 $0x7FFFFF00, v8;
	v13 =	vsub.s32 v9, v5  }
0x1e8: {  	v9 =	vand.u32 $0x7F, v9;
	[tilespmem:v7+s13+$0x0] =	vst.idx.add.s32.msk vm1, v2;
	vm2 =	vlt.u32 v13, $0x1000;
	v7 =	vand.u32 $0xFFFFFF80, v13  }
0x1e9: {  	v8 =	vxor.u32 v11, v8;
	[tilespmem:v12+s14+$0x0] =	vst.idx.add.s32.msk vm1, v2;
	v7 =	vor.u32 v9, v7;
	v9 =	vshra.s32 v15, $0x1F  }
0x1ea: {  	v8 =	vshra.s32 v8, $0x8;
	v12 =	vshra.s32 v13, $0x4;
	v10 =	vld [tilespmem:s23+$0x0];
	v9 =	vand.u32 $0x7FFFFF00, v9  }
0x1eb: {  	v11 =	vsub.s32 v8, v5;
	v8 =	vand.u32 $0x7F, v8;
	v14 =	vld [tilespmem:s26+$0xFFFFFFD0];
	v9 =	vxor.u32 v15, v9  }
.Ltmp9:
0x1ec: {  	vm1 =	vlt.u32 v11, $0x1000;
	v13 =	vand.u32 $0xFFFFFF80, v11;
	v9 =	vshra.s32 v9, $0x8;
	(pc) =	sbr.rel @p1 .LBB2_16-.Ltmp9, $4  }
0x1ed: {  	v11 =	vshra.s32 v11, $0x4;
	v13 =	vor.u32 v8, v13;
	v8 =	vsub.s32 v9, v5  }
0x1ee: {  	v9 =	vand.u32 $0x7F, v9;
	[tilespmem:v7+s13+$0x0] =	vst.idx.add.s32.msk vm2, v2;
	vm0 =	vlt.u32 v8, $0x1000;
	v7 =	vand.u32 $0xFFFFFF80, v8  }
0x1ef: {  	v16 =	vshra.s32 v10, $0x1F;
	[tilespmem:v12+s14+$0x0] =	vst.idx.add.s32.msk vm2, v2;
	v7 =	vor.u32 v9, v7  }
0x1f0: {  	s26 =	sadd.s32 $0x80, s26;
	v8 =	vshra.s32 v8, $0x4;
	v15 =	vshra.s32 v14, $0x1F;
	v12 =	vand.u32 $0x7FFFFF00, v16;
	v9 =	vld [tilespmem:s21+$0x20]  }
0x1f1: {  	v15 =	vand.u32 $0x7FFFFF00, v15  }
0x1f2: {  	v14 =	vxor.u32 v14, v15  }
0x1f3: {  	v14 =	vshra.s32 v14, $0x8  }
0x1f4: {  	v31 =	vsub.s32 v14, v5  }
0x1f5: {  	v14 =	vand.u32 $0x7F, v14;
	vm2 =	vlt.u32 v31, $0x1000;
	v16 =	vand.u32 $0xFFFFFF80, v31  }
0x1f6: {  	v14 =	vor.u32 v14, v16  }
0x1f7: {  	v15 =	vshra.s32 v31, $0x4;
	_ =	sdelay $0x3  }
0x1f8: {  	[tilespmem:v14+s13+$0x0] =	vst.idx.add.s32.msk vm2, v2  }
0x1f9: {  	[tilespmem:v15+s14+$0x0] =	vst.idx.add.s32.msk vm2, v2  }
0x1fa: {  	v14 =	vld [tilespmem:s25+$0xFFFFFFE0];
	_ =	sdelay $0x4  }
0x1fb: {  	[tilespmem:v13+s13+$0x0] =	vst.idx.add.s32.msk vm1, v2;
	v32 =	vshra.s32 v14, $0x1F  }
0x1fc: {  	[tilespmem:v11+s14+$0x0] =	vst.idx.add.s32.msk vm1, v2;
	v15 =	vand.u32 $0x7FFFFF00, v32  }
0x1fd: {  	v37 =	vld [tilespmem:s24+$0xFFFFFFF0];
	v14 =	vxor.u32 v14, v15  }
0x1fe: {  	v14 =	vshra.s32 v14, $0x8  }
0x1ff: {  	v33 =	vsub.s32 v14, v5  }
0x200: {  	v34 =	vand.u32 $0x7F, v14;
	vm11 =	vlt.u32 v33, $0x1000;
	v35 =	vand.u32 $0xFFFFFF80, v33  }
0x201: {  	v36 =	vor.u32 v34, v35  }
0x202: {  	v39 =	vshra.s32 v37, $0x1F;
	v38 =	vshra.s32 v33, $0x4  }
0x203: {  	v11 =	vand.u32 $0x7FFFFF00, v39  }
0x204: {  	v11 =	vxor.u32 v37, v11  }
0x205: {  	v11 =	vshra.s32 v11, $0x8  }
0x206: {  	v40 =	vsub.s32 v11, v5;
	[tilespmem:v36+s13+$0x0] =	vst.idx.add.s32.msk vm11, v2  }
0x207: {  	v11 =	vand.u32 $0x7F, v11;
	vm12 =	vlt.u32 v40, $0x1000;
	v41 =	vand.u32 $0xFFFFFF80, v40;
	[tilespmem:v38+s14+$0x0] =	vst.idx.add.s32.msk vm11, v2  }
0x208: {  	v11 =	vor.u32 v11, v41;
	v14 =	vld [tilespmem:s25+$0xFFFFFFF0]  }
0x209: {  	v13 =	vshra.s32 v40, $0x4;
	_ =	sdelay $0x3  }
0x20a: {  	v10 =	vxor.u32 v10, v12;
	[tilespmem:v11+s13+$0x0] =	vst.idx.add.s32.msk vm12, v2;
	v42 =	vshra.s32 v14, $0x1F  }
0x20b: {  	v10 =	vshra.s32 v10, $0x8;
	[tilespmem:v13+s14+$0x0] =	vst.idx.add.s32.msk vm12, v2;
	v43 =	vand.u32 $0x7FFFFF00, v42  }
0x20c: {  	v49 =	vsub.s32 v10, v5;
	v48 =	vld [tilespmem:s24+$0x0];
	v14 =	vxor.u32 v14, v43  }
0x20d: {  	v10 =	vand.u32 $0x7F, v10;
	v50 =	vand.u32 $0xFFFFFF80, v49;
	v14 =	vshra.s32 v14, $0x8  }
0x20e: {  	vm14 =	vlt.u32 v49, $0x1000;
	v10 =	vor.u32 v10, v50;
	v44 =	vsub.s32 v14, v5  }
0x20f: {  	v14 =	vand.u32 $0x7F, v14;
	vm13 =	vlt.u32 v44, $0x1000;
	v45 =	vand.u32 $0xFFFFFF80, v44  }
0x210: {  	v46 =	vor.u32 v14, v45  }
0x211: {  	v51 =	vshra.s32 v48, $0x1F;
	v47 =	vshra.s32 v44, $0x4  }
0x212: {  	v53 =	vand.u32 $0x7FFFFF00, v51  }
0x213: {  	v11 =	vxor.u32 v48, v53  }
0x214: {  	[tilespmem:v10+s13+$0x0] =	vst.idx.add.s32.msk vm14, v2;
	v11 =	vshra.s32 v11, $0x8  }
0x215: {  	v12 =	vshra.s32 v49, $0x4;
	v54 =	vsub.s32 v11, v5;
	[tilespmem:v46+s13+$0x0] =	vst.idx.add.s32.msk vm13, v2  }
0x216: {  	v11 =	vand.u32 $0x7F, v11;
	vm15 =	vlt.u32 v54, $0x1000;
	v56 =	vand.u32 $0xFFFFFF80, v54;
	[tilespmem:v47+s14+$0x0] =	vst.idx.add.s32.msk vm13, v2  }
0x217: {  	v10 =	vor.u32 v11, v56;
	v52 =	vld [tilespmem:s25+$0x0]  }
0x218: {  	v13 =	vshra.s32 v54, $0x4;
	_ =	sdelay $0x1  }
0x219: {  	[tilespmem:v12+s14+$0x0] =	vst.idx.add.s32.msk vm14, v2  }
0x21a: {  	v12 =	vld [tilespmem:s23+$0x10]  }
0x21b: {  	[tilespmem:v10+s13+$0x0] =	vst.idx.add.s32.msk vm15, v2;
	v55 =	vshra.s32 v52, $0x1F  }
0x21c: {  	[tilespmem:v13+s14+$0x0] =	vst.idx.add.s32.msk vm15, v2;
	v14 =	vand.u32 $0x7FFFFF00, v55  }
0x21d: {  	v63 =	vld [tilespmem:s24+$0x10];
	v57 =	vxor.u32 v52, v14  }
0x21e: {  	v11 =	vshra.s32 v57, $0x8  }
0x21f: {  	v61 =	vshra.s32 v12, $0x1F;
	v58 =	vsub.s32 v11, v5  }
0x220: {  	v11 =	vand.u32 $0x7F, v11;
	vm4 =	vlt.u32 v58, $0x1000;
	v59 =	vand.u32 $0xFFFFFF80, v58  }
0x221: {  	v62 =	vand.u32 $0x7FFFFF00, v61;
	v11 =	vor.u32 v11, v59  }
0x222: {  	v12 =	vxor.u32 v12, v62;
	v20 =	vshra.s32 v63, $0x1F;
	v60 =	vshra.s32 v58, $0x4  }
0x223: {  	v12 =	vshra.s32 v12, $0x8;
	v21 =	vand.u32 $0x7FFFFF00, v20  }
0x224: {  	v18 =	vsub.s32 v12, v5;
	v13 =	vxor.u32 v63, v21  }
0x225: {  	v12 =	vand.u32 $0x7F, v12;
	v19 =	vand.u32 $0xFFFFFF80, v18;
	v13 =	vshra.s32 v13, $0x8  }
0x226: {  	vm5 =	vlt.u32 v18, $0x1000;
	v12 =	vor.u32 v12, v19;
	v22 =	vsub.s32 v13, v5;
	[tilespmem:v11+s13+$0x0] =	vst.idx.add.s32.msk vm4, v2  }
0x227: {  	v13 =	vand.u32 $0x7F, v13;
	vm6 =	vlt.u32 v22, $0x1000;
	v24 =	vand.u32 $0xFFFFFF80, v22;
	[tilespmem:v60+s14+$0x0] =	vst.idx.add.s32.msk vm4, v2  }
0x228: {  	v25 =	vor.u32 v13, v24;
	v10 =	vld [tilespmem:s25+$0x10]  }
0x229: {  	v27 =	vshra.s32 v22, $0x4;
	_ =	sdelay $0x1  }
0x22a: {  	v11 =	vshra.s32 v18, $0x4  }
0x22b: {  	[tilespmem:v12+s13+$0x0] =	vst.idx.add.s32.msk vm5, v2  }
0x22c: {  	[tilespmem:v25+s13+$0x0] =	vst.idx.add.s32.msk vm6, v2;
	v23 =	vshra.s32 v10, $0x1F  }
0x22d: {  	[tilespmem:v27+s14+$0x0] =	vst.idx.add.s32.msk vm6, v2;
	v15 =	vand.u32 $0x7FFFFF00, v23  }
0x22e: {  	v13 =	vld [tilespmem:s24+$0x20];
	v10 =	vxor.u32 v10, v15  }
0x22f: {  	[tilespmem:v11+s14+$0x0] =	vst.idx.add.s32.msk vm5, v2;
	v10 =	vshra.s32 v10, $0x8  }
0x230: {  	v26 =	vld [tilespmem:s23+$0x20];
	v28 =	vsub.s32 v10, v5  }
0x231: {  	v10 =	vand.u32 $0x7F, v10;
	vm7 =	vlt.u32 v28, $0x1000;
	v29 =	vand.u32 $0xFFFFFF80, v28  }
0x232: {  	v10 =	vor.u32 v10, v29  }
0x233: {  	v30 =	vshra.s32 v9, $0x1F;
	v14 =	vshra.s32 v28, $0x4  }
0x234: {  	v15 =	vand.u32 $0x7FFFFF00, v30  }
0x235: {  	v39 =	vshra.s32 v13, $0x1F;
	v31 =	vxor.u32 v9, v15;
	v32 =	vshra.s32 v26, $0x1F  }
0x236: {  	v40 =	vand.u32 $0x7FFFFF00, v39;
	v9 =	vshra.s32 v31, $0x8;
	v11 =	vand.u32 $0x7FFFFF00, v32  }
0x237: {  	v33 =	vsub.s32 v9, v5;
	v9 =	vand.u32 $0x7F, v9;
	v11 =	vxor.u32 v26, v11;
	[tilespmem:v10+s13+$0x0] =	vst.idx.add.s32.msk vm7, v2  }
0x238: {  	vm8 =	vlt.u32 v33, $0x1000;
	v35 =	vand.u32 $0xFFFFFF80, v33;
	v34 =	vshra.s32 v11, $0x8;
	[tilespmem:v14+s14+$0x0] =	vst.idx.add.s32.msk vm7, v2  }
0x239: {  	v37 =	vshra.s32 v33, $0x4;
	v9 =	vor.u32 v9, v35;
	v36 =	vsub.s32 v34, v5;
	v14 =	vld [tilespmem:s25+$0x20]  }
0x23a: {  	vm9 =	vlt.u32 v36, $0x1000;
	v38 =	vand.u32 $0xFFFFFF80, v36;
	v10 =	vand.u32 $0x7F, v34  }
0x23b: {  	s1 =	ssub.s32 $0x10, s31;
	v13 =	vxor.u32 v13, v40;
	v10 =	vor.u32 v10, v38  }
0x23c: {  	v42 =	vmov s1;
	v13 =	vshra.s32 v13, $0x8  }
0x23d: {  	vm3 =	veq.s32 v42, v0;
	v43 =	vsub.s32 v13, v5  }
0x23e: {  	v13 =	vand.u32 $0x7F, v13;
	v44 =	vshra.s32 v36, $0x4;
	[tilespmem:v9+s13+$0x0] =	vst.idx.add.s32.msk vm8, v2;
	v41 =	vshra.s32 v14, $0x1F  }
0x23f: {  	vm10 =	vlt.u32 v43, $0x1000;
	v46 =	vand.u32 $0xFFFFFF80, v43;
	[tilespmem:v37+s14+$0x0] =	vst.idx.add.s32.msk vm8, v2;
	v15 =	vand.u32 $0x7FFFFF00, v41  }
0x240: {  	v6 =	vnsel vm3, $0x0, v6;
	[tilespmem:v10+s13+$0x0] =	vst.idx.add.s32.msk vm9, v2;
	v10 =	vor.u32 v13, v46;
	v45 =	vxor.u32 v14, v15  }
0x241: {  	v4 =	vnsel vm3, $0x0, v4;
	(xrf0) =	vadd.scan.msk.s32 $0xffff, v6;
	v9 =	vshra.s32 v43, $0x4;
	v47 =	vld [tilespmem:s21+$0x30];
	v12 =	vshra.s32 v45, $0x8  }
0x242: {  	(xrf0) =	vadd.scan.msk.s32 $0xffff, v4;
	v48 =	vsub.s32 v12, v5  }
0x243: {  	[tilespmem:v44+s14+$0x0] =	vst.idx.add.s32.msk vm9, v2;
	v12 =	vand.u32 $0x7F, v12;
	vm11 =	vlt.u32 v48, $0x1000;
	v4 =	vand.u32 $0xFFFFFF80, v48  }
0x244: {  	v11 =	vld [tilespmem:s23+$0x30];
	v4 =	vor.u32 v12, v4  }
0x245: {  	[tilespmem:v10+s13+$0x0] =	vst.idx.add.s32.msk vm10, v2;
	v6 =	vshra.s32 v48, $0x4  }
0x246: {  	v49 =	vshra.s32 v47, $0x1F;
	[tilespmem:v9+s14+$0x0] =	vst.idx.add.s32.msk vm10, v2  }
0x247: {  	v50 =	vand.u32 $0x7FFFFF00, v49;
	v52 =	vld [tilespmem:s24+$0x30]  }
0x248: {  	v10 =	vxor.u32 v47, v50  }
0x249: {  	v51, _, _ =	vpop (xrf0);
	v10 =	vshra.s32 v10, $0x8;
	[tilespmem:v4+s13+$0x0] =	vst.idx.add.s32.msk vm11, v2  }
0x24a: {  	(v2sf) =	vpush v51, $0xF;
	v53 =	vsub.s32 v10, v5;
	v54 =	vshra.s32 v11, $0x1F;
	v4, _, _ =	vpop (xrf0);
	[tilespmem:v6+s14+$0x0] =	vst.idx.add.s32.msk vm11, v2  }
0x24b: {  	v10 =	vand.u32 $0x7F, v10;
	vm12 =	vlt.u32 v53, $0x1000;
	(v2sf) =	vpush v4, $0xF;
	v6 =	vld [tilespmem:s25+$0x30]  }
0x24c: {  	v55 =	vand.u32 $0xFFFFFF80, v53;
	v56 =	vshra.s32 v52, $0x1F;
	v4 =	vand.u32 $0x7FFFFF00, v54  }
0x24d: {  	v9 =	vshra.s32 v53, $0x4;
	v4 =	vxor.u32 v11, v4;
	v11 =	vand.u32 $0x7FFFFF00, v56  }
0x24e: {  	v10 =	vor.u32 v10, v55;
	v4 =	vshra.s32 v4, $0x8;
	v11 =	vxor.u32 v52, v11  }
0x24f: {  	v57 =	vsub.s32 v4, v5;
	v4 =	vand.u32 $0x7F, v4;
	v11 =	vshra.s32 v11, $0x8  }
0x250: {  	vm13 =	vlt.u32 v57, $0x1000;
	v58 =	vand.u32 $0xFFFFFF80, v57;
	v59 =	vshra.s32 v6, $0x1F  }
0x251: {  	v60 =	vsub.s32 v11, v5;
	v13 =	vshra.s32 v57, $0x4;
	v12 =	vand.u32 $0x7FFFFF00, v59  }
0x252: {  	v11 =	vand.u32 $0x7F, v11;
	v4 =	vor.u32 v4, v58;
	v6 =	vxor.u32 v6, v12  }
0x253: {  	[tilespmem:v7+s13+$0x0] =	vst.idx.add.s32.msk vm0, v2;
	vm14 =	vlt.u32 v60, $0x1000;
	v61 =	vand.u32 $0xFFFFFF80, v60;
	v6 =	vshra.s32 v6, $0x8  }
0x254: {  	[tilespmem:v8+s14+$0x0] =	vst.idx.add.s32.msk vm0, v2;
	v62 =	vshra.s32 v60, $0x4;
	v7 =	vor.u32 v11, v61;
	v5 =	vsub.s32 v6, v5  }
0x255: {  	[tilespmem:v10+s13+$0x0] =	vst.idx.add.s32.msk vm12, v2;
	v6 =	vand.u32 $0x7F, v6;
	vm15 =	vlt.u32 v5, $0x1000;
	v63 =	vand.u32 $0xFFFFFF80, v5  }
0x256: {  	[tilespmem:v9+s14+$0x0] =	vst.idx.add.s32.msk vm12, v2;
	v6 =	vor.u32 v6, v63  }
0x257: {  	[tilespmem:v4+s13+$0x0] =	vst.idx.add.s32.msk vm13, v2;
	v4 =	vshra.s32 v5, $0x4  }
0x258: {  	[tilespmem:v13+s14+$0x0] =	vst.idx.add.s32.msk vm13, v2  }
0x259: {  	s12 =	sshll.u32 s29, $0x18;
	s31 =	sshll.u32 s31, $0x14;
	s26 =	spop (v2sf);
	[tilespmem:v7+s13+$0x0] =	vst.idx.add.s32.msk vm14, v2  }
0x25a: {  	s12 =	sadd.s32 s31, s12;
	[tilespmem:v62+s14+$0x0] =	vst.idx.add.s32.msk vm14, v2;
	s4 =	spop (v2sf)  }
0x25b: {  	s21 =	sadd.s32 $0x80FFEFFF, s12;
	s12 =	simm.s32 $0x0;
	s1 =	ssub.s32 s4, s26;
	[tilespmem:v6+s13+$0x0] =	vst.idx.add.s32.msk vm15, v2  }
0x25c: {  	s24 =	simm.s32 $0x11100;
	s4 =	sadd.s32 s30, s1;
	s1 =	simm.s32 $0xFFFFFF10;
	[tilespmem:v4+s14+$0x0] =	vst.idx.add.s32.msk vm15, v2  }
.LBB2_18:
0x25d: {  	v4 =	vld [tilespmem:s24+$0xFFFFFFF0];
	_ =	sdelay $0x4  }
0x25e: {  	(xrf0) =	vadd.scan.msk.s32 $0xffff, v4;
	_ =	sdelay $0x5  }
0x25f: {  	v4, _, _ =	vpop (xrf0)  }
0x260: {  	(v2sf) =	vpush v4, $0xF;
	_ =	sdelay $0xe  }
0x261: {  	s25 =	spop (v2sf)  }
0x262: {  	s23 =	smov.u32 s24;
	p1 =	seq.s32 s1, $0x0;
	s24 =	sadd.s32 s12, s25  }
0x263: {  	p3 =	slt.s32 @!p1 s24, s4  }
0x264: {  	p1 =	por p1, !p3  }
.Ltmp10:
0x265: {  	_ = 	snop;
	(pc) =	sbr.rel @!p1 .LBB2_18-.Ltmp10, $4  }
0x266: {  	_ = 	snop  }
0x267: {  	p2 =	sge.s32 s24, s4  }
0x268: {  	s1 =	sadd.s32 $0x10, s1;
	s25 =	simm.s32 @p2 $0x0  }
0x269: {  	s21 =	sadd.s32 $0xFFFF0000, s21;
	s24 =	sadd.s32 $0xFFFFFFF0, s23;
	s12 =	sadd.s32 s12, s25  }
0x26a: {  	v4 =	vld [tilespmem:s23+$0xFFFFFFF0];
	_ =	sdelay $0x4  }
0x26b: {  	v4 =	vperm.xlane v4, v3;
	_ =	sdelay $0x1  }
0x26c: {  	(xrf0) =	vadd.scan.msk.s32 $0xffff, v4;
	_ =	sdelay $0x5  }
0x26d: {  	s4 =	ssub.s32 s4, s12;
	v5, _, _ =	vpop (xrf0)  }
0x26e: {  	vm0 =	vge.s32 v5, s4  }
0x26f: {  	v6 =	vsel vm0, $0x1, v1  }
0x270: {  	(xrf0) =	vadd.scan.msk.s32 $0xffff, v6;
	_ =	sdelay $0x5  }
0x271: {  	v6, _, _ =	vpop (xrf0)  }
0x272: {  	(v2sf) =	vpush v6, $0xF;
	_ =	sdelay $0xe  }
0x273: {  	s23 =	spop (v2sf)  }
0x274: {  	s31 =	ssub.s32 $0x10, s23  }
0x275: {  	v61 =	vmov s31  }
0x276: {  	vm13 =	veq.s32 v61, v0  }
0x277: {  	v5 =	vnsel vm13, $0x0, v5  }
0x278: {  	v4 =	vnsel vm13, $0x0, v4;
	(xrf0) =	vadd.scan.msk.s32 $0xffff, v5  }
0x279: {  	(xrf0) =	vadd.scan.msk.s32 $0xffff, v4;
	_ =	sdelay $0x4  }
0x27a: {  	v4, _, _ =	vpop (xrf0)  }
0x27b: {  	(v2sf) =	vpush v4, $0xF;
	v4, _, _ =	vpop (xrf0)  }
0x27c: {  	(v2sf) =	vpush v4, $0xF;
	_ =	sdelay $0x1  }
0x27d: {  	s1 =	ssub.s32 s23, s1  }
0x27e: {  	s24 =	sshll.u32 s1, $0x4  }
0x27f: {  	v4 =	vld [tilespmem:s24+$0x100F0];
	_ =	sdelay $0x4  }
0x280: {  	v4 =	vperm.xlane v4, v3;
	_ =	sdelay $0x1  }
0x281: {  	(xrf0) =	vadd.scan.msk.s32 $0xffff, v4;
	_ =	sdelay $0x2  }
0x282: {  	s12 =	spop (v2sf)  }
0x283: {  	s25 =	spop (v2sf)  }
0x284: {  	s1 =	ssub.s32 s25, s12  }
0x285: {  	v5, _, _ =	vpop (xrf0);
	s4 =	sadd.s32 s4, s1  }
0x286: {  	vm14 =	vge.s32 v5, s4  }
0x287: {  	v62 =	vsel vm14, $0x1, v1  }
0x288: {  	(xrf0) =	vadd.scan.msk.s32 $0xffff, v62;
	_ =	sdelay $0x5  }
0x289: {  	v6, _, _ =	vpop (xrf0)  }
0x28a: {  	(v2sf) =	vpush v6, $0xF;
	_ =	sdelay $0xe  }
0x28b: {  	s1 =	spop (v2sf)  }
0x28c: {  	s26 =	ssub.s32 $0x10, s1  }
0x28d: {  	v63 =	vmov s26  }
0x28e: {  	vm15 =	veq.s32 v63, v0  }
0x28f: {  	v5 =	vnsel vm15, $0x0, v5  }
0x290: {  	v4 =	vnsel vm15, $0x0, v4;
	(xrf0) =	vadd.scan.msk.s32 $0xffff, v5  }
0x291: {  	(xrf0) =	vadd.scan.msk.s32 $0xffff, v4;
	_ =	sdelay $0x4  }
0x292: {  	v4, _, _ =	vpop (xrf0)  }
0x293: {  	(v2sf) =	vpush v4, $0xF;
	v4, _, _ =	vpop (xrf0)  }
0x294: {  	(v2sf) =	vpush v4, $0xF;
	_ =	sdelay $0xd  }
0x295: {  	s25 =	spop (v2sf)  }
0x296: {  	s12 =	spop (v2sf)  }
0x297: {  	s29 =	ssub.s32 s12, s25  }
0x298: {  	s26 =	sadd.s32 s1, s24;
	s24 =	sadd.s32 s4, s29  }
0x299: {  	p1 =	sne.s32 s12, s24  }
.Ltmp11:
0x29a: {  	_ = 	snop;
	(pc) =	sbr.rel @p1 .LBB2_23-.Ltmp11, $4  }
0x29b: {  	_ = 	snop  }
0x29c: {  	s30 =	sshll.u32 s28, $0x14;
	s31 =	sshll.u32 s26, $0x8  }
0x29d: {  	s4 =	sadd.s32 s30, s31  }
0x29e: {  	s4 =	sadd.s32 $0xEF00, s4  }
0x29f: {  	v7 =	vld [tilespmem:s20+$0x30];
	s1 =	sxor.u32 $0x7FFFFFFF, s4;
	p1 =	slt.s32 s4, $0x0  }
0x2a0: {  	v11 =	vld [tilespmem:s20+$0xFFFFFFD0];
	s4 =	smov.u32 @p1 s1  }
0x2a1: {  	v10 =	vld [tilespmem:s20+$0xFFFFFFE0];
	v4 =	vmov s4  }
0x2a2: {  	v9 =	vld [tilespmem:s20+$0xFFFFFFF0];
	v4 =	vbroadcast v4, $0x0  }
0x2a3: {  	v8 =	vld [tilespmem:s20+$0x0]  }
0x2a4: {  	v6 =	vld [tilespmem:s20+$0x10];
	vm0 =	vge.f32 v7, v4  }
0x2a5: {  	v5 =	vld [tilespmem:s20+$0x20];
	vm1 =	vge.f32 v11, v4;
	v12 =	vnsel vm0, $0x0, v7  }
0x2a6: {  	s1 =	simm.s32 $0x0;
	v7 =	vld [tilespmem:s20+$0xFFFFFFC0];
	v11 =	vnsel vm1, $0x0, v11;
	vm0 =	vge.f32 v10, v4;
	[tilespmem:s20+$0x30] =	vst v12  }
.LBB2_21:
0x2a7: {  	v12 =	vld [tilespmem:s0+$0x30];
	s1 =	sadd.s32 $0x80, s1;
	[tilespmem:s20+$0xFFFFFFD0] =	vst v11;
	v10 =	vnsel vm0, $0x0, v10;
	vm0 =	vge.f32 v9, v4  }
0x2a8: {  	v11 =	vld [tilespmem:s0+$0xFFFFFFD0];
	p1 =	slt.u32 s1, $0x7F80;
	[tilespmem:s20+$0xFFFFFFE0] =	vst v10;
	v9 =	vnsel vm0, $0x0, v9;
	vm0 =	vge.f32 v8, v4  }
0x2a9: {  	v10 =	vld [tilespmem:s0+$0xFFFFFFE0];
	[tilespmem:s20+$0xFFFFFFF0] =	vst v9;
	v8 =	vnsel vm0, $0x0, v8;
	vm0 =	vge.f32 v6, v4  }
.Ltmp12:
0x2aa: {  	v9 =	vld [tilespmem:s0+$0xFFFFFFF0];
	[tilespmem:s20+$0x0] =	vst v8;
	v6 =	vnsel vm0, $0x0, v6;
	vm0 =	vge.f32 v5, v4;
	(pc) =	sbr.rel @p1 .LBB2_21-.Ltmp12, $4  }
0x2ab: {  	v8 =	vld [tilespmem:s0+$0x0];
	vm1 =	vge.f32 v7, v4;
	[tilespmem:s20+$0x10] =	vst v6;
	v5 =	vnsel vm0, $0x0, v5  }
0x2ac: {  	v6 =	vld [tilespmem:s0+$0x10];
	vm0 =	vge.f32 v12, v4;
	v7 =	vnsel vm1, $0x0, v7;
	[tilespmem:s20+$0x20] =	vst v5  }
0x2ad: {  	vm1 =	vge.f32 v11, v4;
	v5 =	vld [tilespmem:s0+$0x20];
	v12 =	vnsel vm0, $0x0, v12;
	[tilespmem:s20+$0xFFFFFFC0] =	vst v7;
	s20 =	smov.u32 s0  }
0x2ae: {  	s0 =	sadd.s32 $0x80, s0;
	v7 =	vld [tilespmem:s20+$0xFFFFFFC0];
	v11 =	vnsel vm1, $0x0, v11;
	vm0 =	vge.f32 v10, v4;
	[tilespmem:s20+$0x30] =	vst v12  }
0x2af: {  	[tilespmem:s20+$0xFFFFFFD0] =	vst v11;
	v10 =	vnsel vm0, $0x0, v10;
	vm12 =	vge.f32 v9, v4  }
0x2b0: {  	[tilespmem:s20+$0xFFFFFFE0] =	vst v10;
	v9 =	vnsel vm12, $0x0, v9;
	vm13 =	vge.f32 v8, v4  }
.Ltmp13:
0x2b1: {  	[tilespmem:s20+$0xFFFFFFF0] =	vst v9;
	v8 =	vnsel vm13, $0x0, v8;
	vm14 =	vge.f32 v6, v4;
	(pc) =	sbr.rel .LBB2_37-.Ltmp13, $4  }
0x2b2: {  	[tilespmem:s20+$0x0] =	vst v8;
	v6 =	vnsel vm14, $0x0, v6;
	vm15 =	vge.f32 v5, v4  }
0x2b3: {  	vm1 =	vge.f32 v7, v4;
	[tilespmem:s20+$0x10] =	vst v6;
	v4 =	vnsel vm15, $0x0, v5  }
0x2b4: {  	v5 =	vnsel vm1, $0x0, v7;
	[tilespmem:s20+$0x20] =	vst v4  }
0x2b5: {  	[tilespmem:s20+$0xFFFFFFC0] =	vst v5  }
.LBB2_23:
0x2b6: {  	s0 =	ssub.s32 s12, s24  }
0x2b7: {  	p1 =	slt.s32 s0, $0x1  }
.Ltmp14:
0x2b8: {  	_ = 	snop;
	(pc) =	sbr.rel @p1 .LBB2_37-.Ltmp14, $1  }
0x2b9: {  	_ =	sdelay $0x3  }
0x2ba: {  	s0 =	sshll.u32 s22, $0x4  }
0x2bb: {  	s0 =	sand.u32 $0x70, s0  }
0x2bc: {  	s0 =	sadd.s32 s0, s6  }
0x2bd: {  	[tilespmem:s19], [sflag:$0x5] =	stream.strided.gather [hbm4b:s0+s10], $0x8000, s11, s10, $0x38;
	[tilespmem:$0x11100] =	vst v63  }
0x2be: {  	_ =	swait.ge [sflag:s17], $0x8000  }
0x2bf: {  	[sflag:s17] =	ssyncset.done $0x0  }
0x2c0: {  	s0 =	simm.s32 $0x10020;
	[sflag:s17] =	ssyncadd.s32 $0xFFFF8000  }
0x2c1: {  	[tilespmem:s0+$0xFFFFFFE0] =	vst v1  }
0x2c2: {  	[tilespmem:s0+$0x10] =	vst v1  }
0x2c3: {  	s12 =	simm.s32 $0x0;
	[tilespmem:s0+$0x0] =	vst v1  }
.LBB2_25:
0x2c4: {  	s12 =	sadd.s32 $0x40, s12  }
0x2c5: {  	[tilespmem:s0+$0xFFFFFFF0] =	vst v1;
	s0 =	sadd.s32 $0x40, s0;
	p1 =	slt.u32 s12, $0xC0  }
.Ltmp15:
0x2c6: {  	[tilespmem:s0+$0xFFFFFFE0] =	vst v1;
	(pc) =	sbr.rel @p1 .LBB2_25-.Ltmp15, $3  }
0x2c7: {  	_ =	sdelay $0x1  }
0x2c8: {  	[tilespmem:s0+$0x10] =	vst v1  }
0x2c9: {  	[tilespmem:s0+$0x0] =	vst v1  }
0x2ca: {  	[tilespmem:s0+$0xFFFFFFF0] =	vst v1;
	s0 =	simm.s32 $0x0  }
0x2cb: {  	s31 =	sand.u32 $0x7F80, s0  }
0x2cc: {  	s30 =	sshra.s32 s4, $0x8;
	s12 =	sand.u32 $0x70, s0;
	s4 =	sadd.s32 s31, s19  }
0x2cd: {  	s4 =	sadd.s32 s12, s4  }
0x2ce: {  	v5 =	vld [tilespmem:s4+$0x0];
	_ =	sdelay $0x4  }
0x2cf: {  	v6 =	vshra.s32 v5, $0x1F  }
0x2d0: {  	v6 =	vand.u32 $0x7FFFFFFF, v6  }
0x2d1: {  	v5 =	vxor.u32 v5, v6  }
0x2d2: {  	v4 =	vmov s30;
	v6 =	vshra.s32 v5, $0x8  }
0x2d3: {  	vm0 =	veq.s32 v6, v4  }
0x2d4: {  	v5 =	vand.u32 $0xFF, v5;
	_ =	sdelay $0x1  }
0x2d5: {  	s12 =	simm.s32 $0x10  }
0x2d6: {  	s20 =	simm.s32 $0x20;
	s22 =	sand.u32 $0x7F80, s12  }
.LBB2_27:
0x2d7: {  	p1 =	sne.s32 s20, $0x7FF0;
	s4 =	sand.u32 $0x70, s12;
	s12 =	sadd.s32 s22, s19  }
0x2d8: {  	s22 =	sadd.s32 s4, s12;
	[tilespmem:v5+s13+$0x0] =	vst.idx.add.s32.msk vm0, v2;
	s4 =	simm.s32 $0x10100;
	s12 =	smov.u32 s20  }
0x2d9: {  	v5 =	vld [tilespmem:s22+$0x0];
	_ =	sdelay $0x4  }
0x2da: {  	v6 =	vshra.s32 v5, $0x1F  }
0x2db: {  	v6 =	vand.u32 $0x7FFFFFFF, v6  }
0x2dc: {  	v5 =	vxor.u32 v5, v6  }
0x2dd: {  	v6 =	vshra.s32 v5, $0x8  }
.Ltmp16:
0x2de: {  	vm0 =	veq.s32 v6, v4;
	(pc) =	sbr.rel @p1 .LBB2_27-.Ltmp16, $2  }
0x2df: {  	v5 =	vand.u32 $0xFF, v5;
	_ =	sdelay $0x2  }
0x2e0: {  	s20 =	sadd.s32 $0x10, s20;
	s22 =	sand.u32 $0x7F80, s12  }
0x2e1: {  	_ =	sdelay $0x3  }
0x2e2: {  	s12 =	sand.u32 $0x70, s12;
	s20 =	sadd.s32 s22, s19  }
0x2e3: {  	[tilespmem:v5+s13+$0x0] =	vst.idx.add.s32.msk vm0, v2;
	s12 =	sadd.s32 s12, s20  }
0x2e4: {  	v5 =	vld [tilespmem:s12+$0x0];
	_ =	sdelay $0x4  }
0x2e5: {  	v6 =	vshra.s32 v5, $0x1F  }
0x2e6: {  	v6 =	vand.u32 $0x7FFFFFFF, v6  }
0x2e7: {  	v5 =	vxor.u32 v5, v6  }
0x2e8: {  	v6 =	vshra.s32 v5, $0x8  }
0x2e9: {  	vm15 =	veq.s32 v6, v4  }
0x2ea: {  	v4 =	vand.u32 $0xFF, v5;
	_ =	sdelay $0x4  }
0x2eb: {  	s12 =	simm.s32 $0x0;
	[tilespmem:v4+s13+$0x0] =	vst.idx.add.s32.msk vm15, v2  }
.LBB2_29:
0x2ec: {  	v4 =	vld [tilespmem:s4+$0xFFFFFFF0];
	_ =	sdelay $0x4  }
0x2ed: {  	(xrf0) =	vadd.scan.msk.s32 $0xffff, v4;
	_ =	sdelay $0x5  }
0x2ee: {  	v4, _, _ =	vpop (xrf0)  }
0x2ef: {  	(v2sf) =	vpush v4, $0xF;
	_ =	sdelay $0xe  }
0x2f0: {  	s22 =	spop (v2sf)  }
0x2f1: {  	s20 =	smov.u32 s4;
	p1 =	seq.s32 s0, $0xF0;
	s4 =	sadd.s32 s12, s22  }
0x2f2: {  	p3 =	slt.s32 @!p1 s4, s24  }
0x2f3: {  	p1 =	por p1, !p3  }
.Ltmp17:
0x2f4: {  	_ = 	snop;
	(pc) =	sbr.rel @!p1 .LBB2_29-.Ltmp17, $4  }
0x2f5: {  	_ = 	snop  }
0x2f6: {  	p2 =	sge.s32 s4, s24  }
0x2f7: {  	s22 =	simm.s32 @p2 $0x0  }
0x2f8: {  	s0 =	sadd.s32 $0x10, s0;
	s4 =	sadd.s32 $0xFFFFFFF0, s20;
	s12 =	sadd.s32 s12, s22  }
0x2f9: {  	v4 =	vld [tilespmem:s20+$0xFFFFFFF0];
	_ =	sdelay $0x4  }
0x2fa: {  	v4 =	vperm.xlane v4, v3;
	_ =	sdelay $0x1  }
0x2fb: {  	(xrf0) =	vadd.scan.msk.s32 $0xffff, v4;
	_ =	sdelay $0x5  }
0x2fc: {  	s4 =	ssub.s32 s24, s12;
	v4, _, _ =	vpop (xrf0)  }
0x2fd: {  	vm0 =	vge.s32 v4, s4  }
0x2fe: {  	v5 =	vsel vm0, $0x1, v1  }
0x2ff: {  	(xrf0) =	vadd.scan.msk.s32 $0xffff, v5;
	_ =	sdelay $0x5  }
0x300: {  	v5, _, _ =	vpop (xrf0)  }
0x301: {  	(v2sf) =	vpush v5, $0xF;
	_ =	sdelay $0xe  }
0x302: {  	s28 =	spop (v2sf)  }
0x303: {  	s29 =	ssub.s32 $0x10, s28  }
0x304: {  	v5 =	vmov s29  }
0x305: {  	vm15 =	veq.s32 v5, v0  }
0x306: {  	v4 =	vnsel vm15, $0x0, v4  }
0x307: {  	(xrf0) =	vadd.scan.msk.s32 $0xffff, v4;
	_ =	sdelay $0x5  }
0x308: {  	v4, _, _ =	vpop (xrf0)  }
0x309: {  	(v2sf) =	vpush v4, $0xF;
	_ =	sdelay $0xc  }
0x30a: {  	s30 =	sshll.u32 s23, $0xC;
	s1 =	sshll.u32 s1, $0x8  }
0x30b: {  	s1 =	sadd.s32 s1, s30  }
0x30c: {  	s1 =	sadd.s32 s21, s1;
	s31 =	spop (v2sf)  }
0x30d: {  	s12 =	sadd.s32 s1, s28;
	s1 =	ssub.s32 s31, s4  }
0x30e: {  	p1 =	slt.s32 s1, $0x1  }
.Ltmp18:
0x30f: {  	_ = 	snop;
	(pc) =	sbr.rel @p1 .LBB2_34-.Ltmp18, $3  }
0x310: {  	_ =	sdelay $0x1  }
0x311: {  	s0 =	ssub.s32 s12, s0  }
0x312: {  	v4 =	vmov s0  }
0x313: {  	s4 =	sadd.s32 $0x7FF0, s19  }
0x314: {  	v5 =	vld [tilespmem:s4+$0x0];
	_ =	sdelay $0x4  }
0x315: {  	v6 =	vshra.s32 v5, $0x1F  }
0x316: {  	v6 =	vand.u32 $0x7FFFFFFF, v6  }
0x317: {  	v6 =	vxor.u32 v5, v6  }
0x318: {  	vm0 =	veq.s32 v6, v4  }
0x319: {  	v6 =	vsel vm0, $0x1, v1  }
0x31a: {  	v6 =	vperm.xlane v6, v3;
	_ =	sdelay $0x1  }
0x31b: {  	(xrf0) =	vadd.scan.msk.s32 $0xffff, v6;
	_ =	sdelay $0x5  }
0x31c: {  	v7, _, _ =	vpop (xrf0)  }
0x31d: {  	vm14 =	vgt.s32 v7, s1  }
0x31e: {  	v6 =	vsel vm14, $0x0, v6  }
0x31f: {  	v7 =	vperm.xlane v6, v3;
	(xrf0) =	vadd.scan.msk.s32 $0xffff, v6;
	_ =	sdelay $0x1  }
0x320: {  	vm15 =	vgt.s32 v7, $0x0  }
0x321: {  	v5 =	vsel vm15, $0x0, v5  }
0x322: {  	s0 =	sadd.s32 $0x7FE0, s19;
	[tilespmem:s4+$0x0] =	vst v5  }
0x323: {  	v5 =	vld [tilespmem:s0+$0x0]  }
0x324: {  	v6, _, _ =	vpop (xrf0)  }
0x325: {  	(v2sf) =	vpush v6, $0xF;
	_ =	sdelay $0x2  }
0x326: {  	s12 =	simm.s32 $0x1FF00;
	s4 =	simm.s32 $0x1FF40;
	v6 =	vshra.s32 v5, $0x1F  }
.LBB2_32:
0x327: {  	p1 =	sne.s32 s12, $0x0;
	v6 =	vand.u32 $0x7FFFFFFF, v6  }
0x328: {  	v6 =	vxor.u32 v5, v6  }
0x329: {  	vm0 =	veq.s32 v6, v4  }
0x32a: {  	v6 =	vsel vm0, $0x1, v1  }
0x32b: {  	v6 =	vperm.xlane v6, v3;
	_ =	sdelay $0x1  }
0x32c: {  	(xrf0) =	vadd.scan.msk.s32 $0xffff, v6;
	_ =	sdelay $0x4  }
0x32d: {  	s20 =	spop (v2sf)  }
0x32e: {  	v7, _, _ =	vpop (xrf0);
	s1 =	ssub.s32 s1, s20  }
0x32f: {  	vm0 =	vgt.s32 v7, s1  }
0x330: {  	v6 =	vsel vm0, $0x0, v6  }
0x331: {  	v7 =	vperm.xlane v6, v3;
	(xrf0) =	vadd.scan.msk.s32 $0xffff, v6;
	_ =	sdelay $0x1  }
0x332: {  	vm0 =	vgt.s32 v7, $0x0  }
0x333: {  	s20 =	sshra.s32 s4, $0x2;
	s4 =	smov.u32 s12;
	v5 =	vsel vm0, $0x0, v5  }
0x334: {  	[tilespmem:s0+$0x0] =	vst v5;
	s0 =	sadd.s32 s20, s19  }
0x335: {  	v5 =	vld [tilespmem:s0+$0x0]  }
.Ltmp19:
0x336: {  	v6, _, _ =	vpop (xrf0);
	(pc) =	sbr.rel @p1 .LBB2_32-.Ltmp19, $2  }
0x337: {  	(v2sf) =	vpush v6, $0xF;
	_ =	sdelay $0x2  }
0x338: {  	s12 =	sadd.s32 $0xFFFFFFC0, s12;
	v6 =	vshra.s32 v5, $0x1F  }
0x339: {  	v6 =	vand.u32 $0x7FFFFFFF, v6  }
0x33a: {  	v6 =	vxor.u32 v5, v6  }
0x33b: {  	vm0 =	veq.s32 v6, v4  }
0x33c: {  	v6 =	vsel vm0, $0x1, v1  }
0x33d: {  	v6 =	vperm.xlane v6, v3;
	_ =	sdelay $0x1  }
0x33e: {  	(xrf0) =	vadd.scan.msk.s32 $0xffff, v6;
	_ =	sdelay $0x4  }
0x33f: {  	s12 =	spop (v2sf)  }
0x340: {  	v7, _, _ =	vpop (xrf0);
	s1 =	ssub.s32 s1, s12  }
0x341: {  	vm11 =	vgt.s32 v7, s1  }
0x342: {  	v6 =	vsel vm11, $0x0, v6  }
0x343: {  	v7 =	vperm.xlane v6, v3;
	(xrf0) =	vadd.scan.msk.s32 $0xffff, v6;
	_ =	sdelay $0x1  }
0x344: {  	vm12 =	vgt.s32 v7, $0x0  }
0x345: {  	s4 =	sshra.s32 s4, $0x2;
	v5 =	vsel vm12, $0x0, v5  }
0x346: {  	s4 =	sadd.s32 s4, s19;
	[tilespmem:s0+$0x0] =	vst v5  }
0x347: {  	v5 =	vld [tilespmem:s4+$0x0]  }
0x348: {  	v6, _, _ =	vpop (xrf0)  }
0x349: {  	(v2sf) =	vpush v6, $0xF;
	_ =	sdelay $0x2  }
0x34a: {  	v6 =	vshra.s32 v5, $0x1F  }
0x34b: {  	v6 =	vand.u32 $0x7FFFFFFF, v6  }
0x34c: {  	v6 =	vxor.u32 v5, v6  }
0x34d: {  	vm13 =	veq.s32 v6, v4  }
0x34e: {  	v6 =	vsel vm13, $0x1, v1  }
0x34f: {  	v6 =	vperm.xlane v6, v3;
	_ =	sdelay $0x1  }
0x350: {  	(xrf0) =	vadd.scan.msk.s32 $0xffff, v6;
	_ =	sdelay $0x4  }
0x351: {  	s30 =	spop (v2sf)  }
0x352: {  	v7, _, _ =	vpop (xrf0);
	s0 =	ssub.s32 s1, s30  }
0x353: {  	vm14 =	vgt.s32 v7, s0  }
0x354: {  	v6 =	vsel vm14, $0x0, v6  }
0x355: {  	(xrf0) =	vadd.scan.msk.s32 $0xffff, v6;
	_ =	sdelay $0x5  }
0x356: {  	v7, _, _ =	vpop (xrf0)  }
0x357: {  	(v2sf) =	vpush v7, $0xF;
	_ =	sdelay $0xa  }
0x358: {  	v6 =	vperm.xlane v6, v3;
	_ =	sdelay $0x1  }
0x359: {  	vm15 =	vgt.s32 v6, $0x0  }
0x35a: {  	v5 =	vsel vm15, $0x0, v5  }
0x35b: {  	[tilespmem:s4+$0x0] =	vst v5;
	s31 =	spop (v2sf)  }
.LBB2_34:
0x35c: {  	s0 =	simm.s32 $0x0  }
0x35d: {  	s1 =	sand.u32 $0x7F80, s0  }
0x35e: {  	s0 =	sand.u32 $0x70, s0;
	s1 =	sadd.s32 s1, s19  }
0x35f: {  	s0 =	sadd.s32 s0, s1  }
0x360: {  	v5 =	vld [tilespmem:s0+$0x0];
	_ =	sdelay $0x4  }
0x361: {  	v6 =	vshra.s32 v5, $0x1F  }
0x362: {  	v6 =	vand.u32 $0x7FFFFFFF, v6  }
0x363: {  	s4 =	simm.s32 $0x10;
	v6 =	vxor.u32 v5, v6  }
0x364: {  	s12 =	sand.u32 $0x7F80, s4;
	s1 =	simm.s32 $0x20;
	vm0 =	vlt.s32 v6, v4  }
.LBB2_35:
0x365: {  	p1 =	sne.s32 s1, $0x7FF0;
	s4 =	sand.u32 $0x70, s4;
	s12 =	sadd.s32 s12, s19;
	v5 =	vsel vm0, $0x0, v5  }
0x366: {  	[tilespmem:s0+$0x0] =	vst v5;
	s0 =	sadd.s32 s4, s12;
	s4 =	smov.u32 s1  }
0x367: {  	v5 =	vld [tilespmem:s0+$0x0];
	_ =	sdelay $0x3  }
.Ltmp20:
0x368: {  	(pc) =	sbr.rel @p1 .LBB2_35-.Ltmp20, $4  }
0x369: {  	v6 =	vshra.s32 v5, $0x1F  }
0x36a: {  	v6 =	vand.u32 $0x7FFFFFFF, v6  }
0x36b: {  	v6 =	vxor.u32 v5, v6  }
0x36c: {  	s1 =	sadd.s32 $0x10, s1;
	s12 =	sand.u32 $0x7F80, s4;
	vm0 =	vlt.s32 v6, v4  }
0x36d: {  	s1 =	sand.u32 $0x70, s4;
	s31 =	sadd.s32 s12, s19;
	v5 =	vsel vm0, $0x0, v5  }
0x36e: {  	s1 =	sadd.s32 s1, s31;
	[tilespmem:s0+$0x0] =	vst v5  }
0x36f: {  	v5 =	vld [tilespmem:s1+$0x0];
	_ =	sdelay $0x4  }
0x370: {  	v6 =	vshra.s32 v5, $0x1F  }
0x371: {  	v6 =	vand.u32 $0x7FFFFFFF, v6  }
0x372: {  	v6 =	vxor.u32 v5, v6  }
0x373: {  	vm15 =	vlt.s32 v6, v4  }
0x374: {  	v4 =	vsel vm15, $0x0, v5  }
0x375: {  	[tilespmem:s1+$0x0] =	vst v4  }
.LBB2_37:
.Ltmp21:
0x376: {  	(pc) =	sbr.rel @!p0 .LBB2_39-.Ltmp21, $1  }
0x377: {  	_ =	sdelay $0x3  }
.Ltmp22:
0x378: {  	(pc) =	sbr.rel .LBB2_2-.Ltmp22, $3  }
0x379: {  	_ =	sdelay $0x1  }
0x37a: {  	[hbm4b:s8+s10] =	stream.strided.scatter [tilespmem:s3], [sflag:$0x3], $0x8000, s11, s10, $0x38;
	[tilespmem:$0x11100] =	vst v63  }
0x37b: {  	s0 =	simm.s32 $0x1;
	p0 =	por $0x0, $0x0  }
.LBB2_40:
0x37c: {  	_ =	sfence.sel $0x180000  }
0x37d: {  	[bflag:$0x0] =	sbarrier.arrive $0xFFFF  }
0x37e: {  	_ =	strace $0x90000047  }
0x37f: {  	s0 =	stileid.u32;
	[bflag:$0x2] =	sbarrier.arrive $0xFFFF  }
0x380: {  	p0 =	sne.s32 s0, $0x0;
	s0 =	rddreg [dreg:$0x2]  }
0x381: {  	s0 =	sadd.s32 @!p0 $0x100000, s0  }
0x382: {  	[sflag:s0] =	ssyncadd.tile.s32 @!p0 $0x1;
	_ =	shalt  }
.Lfunc_end2:
_tile_overlayer_lowered:
.L_overlay_start_2:
0x383: {  	(tag) =	ssettag $0x2  }
0x384: {  	s0 =	rddreg [dreg:$0x0];
	s2 =	stileid.u32  }
0x385: {  	s1 =	rddreg [dreg:$0x1];
	p0 =	sne.s32 s2, $0x0  }
0x386: {  	s3 =	rddreg [dreg:$0x2];
	[bflag:$0x3] =	sbarrier.arrive $0xFFFF;
	s2 =	simm.s32 @!p0 $0x1C05  }
0x387: {  	[timem:s3], [sflag:s2] =	dma.local @!p0 [hbm:s0], s1  }
0x388: {  	s0 =	simm.s32 @!p0 $0x5  }
0x389: {  	_ =	swait.ge @!p0 [sflag:s0], s1  }
0x38a: {  	s1 =	ssub.s32 @!p0 $0x0, s1;
	[sflag:s0] =	ssyncset.done @!p0 $0x0  }
0x38b: {  	[sflag:s0] =	ssyncadd.s32 @!p0 s1  }
0x38c: {  	[bflag:$0x3] =	sbarrier.arrive $0xFFFF  }
0x38d: {  	_ =	shalt  }

</sc_bundles>
